<compile_context>
chip_gen: v7x
topology: tpu7x:2x2x1
jax: 0.10.2.dev20260603
libtpu: 0.0.44.dev20260713+nightly
codegen_flags: <defaults>
</compile_context>

<pallas_src>
import functools

import jax
import jax.numpy as jnp
from jax import lax
from jax.experimental import pallas as pl
from jax.experimental.pallas import tpu as pltpu
from jax.experimental.pallas import tpu_sc as plsc

D = 128
C = 256
P = 100
V = 12
BUILD_ROWS = 1280
TAB_ROWS = BUILD_ROWS + 104
_REV = 9


def kernel(encoder_input_ids, encoder_pos_i, encoder_pos_j, embedding,
           pos_i_embd, pos_j_embd):
    B, L = encoder_input_ids.shape
    T = B * L
    ids = encoder_input_ids.reshape(T)
    pis = encoder_pos_i.reshape(T).astype(jnp.int32)
    pjs = encoder_pos_j.reshape(T).astype(jnp.int32)
    cidx = ids * P + pis
    pjidx = pjs + BUILD_ROWS
    r = jnp.arange(BUILD_ROWS, dtype=jnp.int32)
    a_list = jnp.minimum(r // P, V - 1)
    b_list = r % P
    revtag = jnp.zeros((16 * _REV,), jnp.float32)

    NC, NS = 2, 16
    NW = NC * NS
    t_per_w = T // NW
    n_chunks = t_per_w // C
    rows_per_tile = BUILD_ROWS // NS

    mesh = plsc.VectorSubcoreMesh(core_axis_name="c", subcore_axis_name="s")

    @functools.partial(
        pl.kernel,
        mesh=mesh,
        out_type=jax.ShapeDtypeStruct((T, D), jnp.float32),
        scratch_types=[
            pltpu.VMEM_SHARED((TAB_ROWS, D), jnp.float32),
            pltpu.VMEM((t_per_w,), jnp.int32),
            pltpu.VMEM((t_per_w,), jnp.int32),
            pltpu.VMEM((C, D), jnp.float32),
            pltpu.VMEM((C, D), jnp.float32),
            pltpu.VMEM((C, D), jnp.float32),
            pltpu.VMEM((rows_per_tile,), jnp.int32),
            pltpu.VMEM((rows_per_tile,), jnp.int32),
            pltpu.VMEM((16,), jnp.float32),
            pltpu.SemaphoreType.DMA,
            pltpu.SemaphoreType.DMA,
            pltpu.SemaphoreType.DMA,
            pltpu.SemaphoreType.DMA,
            pltpu.SemaphoreType.DMA,
            pltpu.SemaphoreType.DMA,
            pltpu.SemaphoreType.DMA,
            pltpu.SemaphoreType.DMA,
            pltpu.SemaphoreType.DMA,
            pltpu.SemaphoreType.DMA,
        ],
    )
    def sc_kernel(cidx_hbm, pjidx_hbm, a_hbm, b_hbm, emb_hbm, pi_hbm, pj_hbm,
                  rev_hbm, out_hbm, tab, cid_all, pjid_all, acc0, acc1, acc2,
                  abuf, bbuf, revv, sem_b, sg0, sg1, sg2, sa0, sa1, sa2,
                  so0, so1, so2):
        acc = (acc0, acc1, acc2)
        sg = (sg0, sg1, sg2)
        sa = (sa0, sa1, sa2)
        so = (so0, so1, so2)
        c = lax.axis_index("c")
        s = lax.axis_index("s")
        wid = s * NC + c
        w_base = wid * t_per_w

        pltpu.sync_copy(rev_hbm.at[pl.ds(0, 16)], revv)

        pre_c = pltpu.async_copy(cidx_hbm.at[pl.ds(w_base, t_per_w)],
                                 cid_all, sg[0])
        pre_e = pltpu.async_copy(pjidx_hbm.at[pl.ds(w_base, t_per_w)],
                                 pjid_all, sg[1])

        gbase = s * rows_per_tile
        pltpu.sync_copy(a_hbm.at[pl.ds(gbase, rows_per_tile)], abuf)
        pltpu.sync_copy(b_hbm.at[pl.ds(gbase, rows_per_tile)], bbuf)
        ga = pltpu.async_copy(emb_hbm.at[abuf],
                              acc0.at[pl.ds(0, rows_per_tile)], sem_b)
        ga.wait()
        gb = pltpu.async_copy(pi_hbm.at[bbuf],
                              acc0.at[pl.ds(0, rows_per_tile)], sem_b,
                              add=True)
        gb.wait()
        pltpu.sync_copy(acc0.at[pl.ds(0, rows_per_tile)],
                        tab.at[pl.ds(gbase, rows_per_tile)])

        @pl.when(s == 0)
        def _stage_pj():
            pltpu.sync_copy(pj_hbm, acc1.at[pl.ds(0, P)])
            pltpu.sync_copy(acc1.at[pl.ds(0, P)],
                            tab.at[pl.ds(BUILD_ROWS, P)])

        pre_c.wait()
        pre_e.wait()
        plsc.subcore_barrier()

        pend_g = [None, None, None]
        pend_a = [None, None, None]
        pend_o = [None, None, None]
        for g in range(n_chunks + 2):
            if g < n_chunks:
                k = g % 3
                if pend_o[k] is not None:
                    pend_o[k].wait()
                pend_g[k] = pltpu.async_copy(
                    tab.at[cid_all.at[pl.ds(g * C, C)]], acc[k], sg[k])
            if 1 <= g and g - 1 < n_chunks:
                k = (g - 1) % 3
                pend_g[k].wait()
                pend_a[k] = pltpu.async_copy(
                    tab.at[pjid_all.at[pl.ds((g - 1) * C, C)]], acc[k],
                    sa[k], add=True)
            if 2 <= g:
                k = (g - 2) % 3
                pend_a[k].wait()
                pend_o[k] = pltpu.async_copy(
                    acc[k], out_hbm.at[pl.ds(w_base + (g - 2) * C, C)],
                    so[k])
        for k in range(3):
            pend_o[k].wait()

    out = sc_kernel(cidx, pjidx, a_list, b_list, embedding,
                    pos_i_embd, pos_j_embd, revtag)
    return out.reshape(B, L, D)

# --- scband reference (transcript-rebuilt; emitter-appended) ---
"""Pipeline reference for scband-generative-embedding-6502580486474 (READ-ONLY COPY).

The authoritative reference and input builder live on the scoring server;
editing this copy changes nothing except your own understanding.
"""

import jax, jax.numpy as jnp
import numpy as np


def setup_inputs(seed: int = 0) -> dict:
    key = jax.random.key(seed)
    k1, k2, k3, k4, k5, k6 = jax.random.split(key, 6)
    B, L, D = 4096, 64, 128
    vocab_total = 6 + 4 + 2  # vocab_states_size + vocab_actions_size + 2
    max_size = 100
    return {
        "encoder_input_ids": jax.random.randint(k1, (B, L), 0, vocab_total, dtype=jnp.int32),
        "encoder_pos_i": jax.random.randint(k2, (B, L), 0, max_size, dtype=jnp.int32),
        "encoder_pos_j": jax.random.randint(k3, (B, L), 0, max_size, dtype=jnp.int32),
        "embedding": jax.random.normal(k4, (vocab_total, D), dtype=jnp.float32),
        "pos_i_embd": jax.random.normal(k5, (max_size, D), dtype=jnp.float32),
        "pos_j_embd": jax.random.normal(k6, (max_size, D), dtype=jnp.float32),
    }


def reference(encoder_input_ids, encoder_pos_i, encoder_pos_j, embedding, pos_i_embd, pos_j_embd):
    # encoder branch (is_encoder=True)
    B = encoder_input_ids.shape[0]
    input_ids = encoder_input_ids.reshape(B, -1)          # flatten(1)
    pos_i = encoder_pos_i.reshape(B, -1).astype(jnp.int32)
    pos_j = encoder_pos_j.reshape(B, -1).astype(jnp.int32)
    token_embeddings = jnp.take(embedding, input_ids, axis=0)
    pos_i_e = jnp.take(pos_i_embd, pos_i, axis=0)
    pos_j_e = jnp.take(pos_j_embd, pos_j, axis=0)
    embeddings = token_embeddings + pos_i_e + pos_j_e
    return embeddings

if __name__ == "__main__":
    import jax
    _d = setup_inputs()
    print(jax.jit(kernel)(*tuple(_d.values())))

</pallas_src>

<mosaic_0001>
#map = affine_map<(d0, d1) -> (0)>
#map1 = affine_map<(d0, d1) -> (0, 0)>
module attributes {stable_mosaic.version = 14 : i64} {
  func.func @sc_kernel(%arg0: i32, %arg1: i32, %arg2: memref<262144xi32, #tpu.memory_space<hbm>>, %arg3: memref<262144xi32, #tpu.memory_space<hbm>>, %arg4: memref<1280xi32, #tpu.memory_space<hbm>>, %arg5: memref<1280xi32, #tpu.memory_space<hbm>>, %arg6: memref<12x128xf32, #tpu.memory_space<hbm>>, %arg7: memref<100x128xf32, #tpu.memory_space<hbm>>, %arg8: memref<100x128xf32, #tpu.memory_space<hbm>>, %arg9: memref<144xf32, #tpu.memory_space<hbm>>, %arg10: memref<262144x128xf32, #tpu.memory_space<hbm>>, %arg11: memref<1384x128xf32, #tpu.memory_space<vmem_shared>>, %arg12: memref<8192xi32, #tpu.memory_space<vmem>>, %arg13: memref<8192xi32, #tpu.memory_space<vmem>>, %arg14: memref<256x128xf32, #tpu.memory_space<vmem>>, %arg15: memref<256x128xf32, #tpu.memory_space<vmem>>, %arg16: memref<256x128xf32, #tpu.memory_space<vmem>>, %arg17: memref<80xi32, #tpu.memory_space<vmem>>, %arg18: memref<80xi32, #tpu.memory_space<vmem>>, %arg19: memref<16xf32, #tpu.memory_space<vmem>>, %arg20: memref<!tpu.dma_semaphore, #tpu.memory_space<semaphore_mem>>, %arg21: memref<!tpu.dma_semaphore, #tpu.memory_space<semaphore_mem>>, %arg22: memref<!tpu.dma_semaphore, #tpu.memory_space<semaphore_mem>>, %arg23: memref<!tpu.dma_semaphore, #tpu.memory_space<semaphore_mem>>, %arg24: memref<!tpu.dma_semaphore, #tpu.memory_space<semaphore_mem>>, %arg25: memref<!tpu.dma_semaphore, #tpu.memory_space<semaphore_mem>>, %arg26: memref<!tpu.dma_semaphore, #tpu.memory_space<semaphore_mem>>, %arg27: memref<!tpu.dma_semaphore, #tpu.memory_space<semaphore_mem>>, %arg28: memref<!tpu.dma_semaphore, #tpu.memory_space<semaphore_mem>>, %arg29: memref<!tpu.dma_semaphore, #tpu.memory_space<semaphore_mem>>) attributes {dimension_semantics = [#tpu.dimension_semantics<core_parallel>, #tpu.dimension_semantics<subcore_parallel>], iteration_bounds = array<i64: 2, 16>, scalar_prefetch = 0 : i64, scratch_operands = 19 : i64, tpu.core_type = #tpu.core_type<sc_vector_subcore>, window_params = [{transform_indices = #map}, {transform_indices = #map}, {transform_indices = #map}, {transform_indices = #map}, {transform_indices = #map1}, {transform_indices = #map1}, {transform_indices = #map1}, {transform_indices = #map}, {transform_indices = #map1}]} {
    %mul3A = arith.constant 2 : i32
    %mul3A_0 = arith.muli %arg1, %mul3A : i32
    %add3A = arith.addi %mul3A_0, %arg0 : i32
    %mul3A_1 = arith.constant 8192 : i32
    %mul3A_2 = arith.muli %add3A, %mul3A_1 : i32
    "tpu.region"() ({
      %run_scoped3A = tpu.sem_alloc : memref<!tpu.dma_semaphore, #tpu.memory_space<semaphore_mem>>
      %dma_start3A_997 = arith.constant 0 : i32
      %dma_start3A_998 = tpu.memref_slice %arg9[%dma_start3A_997] : memref<144xf32, #tpu.memory_space<hbm>> -> memref<16xf32, #tpu.memory_space<hbm>>
      %dma_start3A_999 = arith.constant 0 : i32
      %dma_start3A_1000 = tpu.memref_slice %arg9[%dma_start3A_999] : memref<144xf32, #tpu.memory_space<hbm>> -> memref<16xf32, #tpu.memory_space<hbm>>
      tpu.enqueue_dma source(%dma_start3A_1000 : memref<16xf32, #tpu.memory_space<hbm>>) target(%arg19 : memref<16xf32, #tpu.memory_space<vmem>>) target_semaphore(%run_scoped3A : memref<!tpu.dma_semaphore, #tpu.memory_space<semaphore_mem>>)
      %dma_wait3A_1001 = arith.constant 0 : i32
      %dma_wait3A_1002 = tpu.memref_slice %arg9[%dma_wait3A_1001] : memref<144xf32, #tpu.memory_space<hbm>> -> memref<16xf32, #tpu.memory_space<hbm>>
      %dma_wait3A_1003 = arith.constant 0 : i32
      %dma_wait3A_1004 = tpu.memref_slice %arg9[%dma_wait3A_1003] : memref<144xf32, #tpu.memory_space<hbm>> -> memref<16xf32, #tpu.memory_space<hbm>>
      tpu.wait_dma2 semaphore(%run_scoped3A : memref<!tpu.dma_semaphore, #tpu.memory_space<semaphore_mem>>) src(%dma_wait3A_1004 : memref<16xf32, #tpu.memory_space<hbm>>) dst(%arg19 : memref<16xf32, #tpu.memory_space<vmem>>)
      tpu.yield
    }) : () -> ()
    %dma_start3A = tpu.memref_slice %arg2[%mul3A_2] : memref<262144xi32, #tpu.memory_space<hbm>> -> memref<8192xi32, #tpu.memory_space<hbm>>
    %dma_start3A_3 = tpu.memref_slice %arg2[%mul3A_2] : memref<262144xi32, #tpu.memory_space<hbm>> -> memref<8192xi32, #tpu.memory_space<hbm>>
    tpu.enqueue_dma source(%dma_start3A_3 : memref<8192xi32, #tpu.memory_space<hbm>>) target(%arg12 : memref<8192xi32, #tpu.memory_space<vmem>>) target_semaphore(%arg21 : memref<!tpu.dma_semaphore, #tpu.memory_space<semaphore_mem>>)
    %dma_start3A_4 = tpu.memref_slice %arg3[%mul3A_2] : memref<262144xi32, #tpu.memory_space<hbm>> -> memref<8192xi32, #tpu.memory_space<hbm>>
    %dma_start3A_5 = tpu.memref_slice %arg3[%mul3A_2] : memref<262144xi32, #tpu.memory_space<hbm>> -> memref<8192xi32, #tpu.memory_space<hbm>>
    tpu.enqueue_dma source(%dma_start3A_5 : memref<8192xi32, #tpu.memory_space<hbm>>) target(%arg13 : memref<8192xi32, #tpu.memory_space<vmem>>) target_semaphore(%arg22 : memref<!tpu.dma_semaphore, #tpu.memory_space<semaphore_mem>>)
    %mul3A_6 = arith.constant 80 : i32
    %mul3A_7 = arith.muli %arg1, %mul3A_6 : i32
    "tpu.region"() ({
      %run_scoped3A = tpu.sem_alloc : memref<!tpu.dma_semaphore, #tpu.memory_space<semaphore_mem>>
      %dma_start3A_997 = tpu.memref_slice %arg4[%mul3A_7] : memref<1280xi32, #tpu.memory_space<hbm>> -> memref<80xi32, #tpu.memory_space<hbm>>
      %dma_start3A_998 = tpu.memref_slice %arg4[%mul3A_7] : memref<1280xi32, #tpu.memory_space<hbm>> -> memref<80xi32, #tpu.memory_space<hbm>>
      tpu.enqueue_dma source(%dma_start3A_998 : memref<80xi32, #tpu.memory_space<hbm>>) target(%arg17 : memref<80xi32, #tpu.memory_space<vmem>>) target_semaphore(%run_scoped3A : memref<!tpu.dma_semaphore, #tpu.memory_space<semaphore_mem>>)
      %dma_wait3A_999 = tpu.memref_slice %arg4[%mul3A_7] : memref<1280xi32, #tpu.memory_space<hbm>> -> memref<80xi32, #tpu.memory_space<hbm>>
      %dma_wait3A_1000 = tpu.memref_slice %arg4[%mul3A_7] : memref<1280xi32, #tpu.memory_space<hbm>> -> memref<80xi32, #tpu.memory_space<hbm>>
      tpu.wait_dma2 semaphore(%run_scoped3A : memref<!tpu.dma_semaphore, #tpu.memory_space<semaphore_mem>>) src(%dma_wait3A_1000 : memref<80xi32, #tpu.memory_space<hbm>>) dst(%arg17 : memref<80xi32, #tpu.memory_space<vmem>>)
      tpu.yield
    }) : () -> ()
    "tpu.region"() ({
      %run_scoped3A = tpu.sem_alloc : memref<!tpu.dma_semaphore, #tpu.memory_space<semaphore_mem>>
      %dma_start3A_997 = tpu.memref_slice %arg5[%mul3A_7] : memref<1280xi32, #tpu.memory_space<hbm>> -> memref<80xi32, #tpu.memory_space<hbm>>
      %dma_start3A_998 = tpu.memref_slice %arg5[%mul3A_7] : memref<1280xi32, #tpu.memory_space<hbm>> -> memref<80xi32, #tpu.memory_space<hbm>>
      tpu.enqueue_dma source(%dma_start3A_998 : memref<80xi32, #tpu.memory_space<hbm>>) target(%arg18 : memref<80xi32, #tpu.memory_space<vmem>>) target_semaphore(%run_scoped3A : memref<!tpu.dma_semaphore, #tpu.memory_space<semaphore_mem>>)
      %dma_wait3A_999 = tpu.memref_slice %arg5[%mul3A_7] : memref<1280xi32, #tpu.memory_space<hbm>> -> memref<80xi32, #tpu.memory_space<hbm>>
      %dma_wait3A_1000 = tpu.memref_slice %arg5[%mul3A_7] : memref<1280xi32, #tpu.memory_space<hbm>> -> memref<80xi32, #tpu.memory_space<hbm>>
      tpu.wait_dma2 semaphore(%run_scoped3A : memref<!tpu.dma_semaphore, #tpu.memory_space<semaphore_mem>>) src(%dma_wait3A_1000 : memref<80xi32, #tpu.memory_space<hbm>>) dst(%arg18 : memref<80xi32, #tpu.memory_space<vmem>>)
      tpu.yield
    }) : () -> ()
    %dma_start3A_8 = arith.constant 0 : i32
    %dma_start3A_9 = arith.constant 0 : i32
    %dma_start3A_10 = tpu.memref_slice %arg14[%dma_start3A_8, %dma_start3A_9] : memref<256x128xf32, #tpu.memory_space<vmem>> -> memref<80x128xf32, #tpu.memory_space<vmem>>
    %dma_start3A_11 = arith.constant 0 : i32
    %dma_start3A_12 = arith.constant 0 : i32
    %dma_start3A_13 = tpu.memref_slice %arg6[%dma_start3A_11, %dma_start3A_12] : memref<12x128xf32, #tpu.memory_space<hbm>> -> memref<12x128xf32, #tpu.memory_space<hbm>>
    tpu.enqueue_indirect_dma source(%dma_start3A_13 : memref<12x128xf32, #tpu.memory_space<hbm>>) target(%dma_start3A_10 : memref<80x128xf32, #tpu.memory_space<vmem>>) offsets(%arg17 : memref<80xi32, #tpu.memory_space<vmem>>) semaphore(%arg20 : memref<!tpu.dma_semaphore, #tpu.memory_space<semaphore_mem>>)
    %dma_wait3A = arith.constant 0 : i32
    %dma_wait3A_14 = arith.constant 0 : i32
    %dma_wait3A_15 = tpu.memref_slice %arg14[%dma_wait3A, %dma_wait3A_14] : memref<256x128xf32, #tpu.memory_space<vmem>> -> memref<80x128xf32, #tpu.memory_space<vmem>>
    %dma_wait3A_16 = arith.constant 0 : i32
    %dma_wait3A_17 = arith.constant 0 : i32
    %dma_wait3A_18 = tpu.memref_slice %arg6[%dma_wait3A_16, %dma_wait3A_17] : memref<12x128xf32, #tpu.memory_space<hbm>> -> memref<12x128xf32, #tpu.memory_space<hbm>>
    tpu.wait_indirect_dma semaphore(%arg20 : memref<!tpu.dma_semaphore, #tpu.memory_space<semaphore_mem>>) src(%dma_wait3A_18 : memref<12x128xf32, #tpu.memory_space<hbm>>) dst(%dma_wait3A_15 : memref<80x128xf32, #tpu.memory_space<vmem>>)
    %dma_start3A_19 = arith.constant 0 : i32
    %dma_start3A_20 = arith.constant 0 : i32
    %dma_start3A_21 = tpu.memref_slice %arg14[%dma_start3A_19, %dma_start3A_20] : memref<256x128xf32, #tpu.memory_space<vmem>> -> memref<80x128xf32, #tpu.memory_space<vmem>>
    %dma_start3A_22 = arith.constant 0 : i32
    %dma_start3A_23 = arith.constant 0 : i32
    %dma_start3A_24 = tpu.memref_slice %arg7[%dma_start3A_22, %dma_start3A_23] : memref<100x128xf32, #tpu.memory_space<hbm>> -> memref<100x128xf32, #tpu.memory_space<hbm>>
    tpu.enqueue_indirect_dma source(%dma_start3A_24 : memref<100x128xf32, #tpu.memory_space<hbm>>) target(%dma_start3A_21 : memref<80x128xf32, #tpu.memory_space<vmem>>) offsets(%arg18 : memref<80xi32, #tpu.memory_space<vmem>>) semaphore(%arg20 : memref<!tpu.dma_semaphore, #tpu.memory_space<semaphore_mem>>) {add = true}
    %dma_wait3A_25 = arith.constant 0 : i32
    %dma_wait3A_26 = arith.constant 0 : i32
    %dma_wait3A_27 = tpu.memref_slice %arg14[%dma_wait3A_25, %dma_wait3A_26] : memref<256x128xf32, #tpu.memory_space<vmem>> -> memref<80x128xf32, #tpu.memory_space<vmem>>
    %dma_wait3A_28 = arith.constant 0 : i32
    %dma_wait3A_29 = arith.constant 0 : i32
    %dma_wait3A_30 = tpu.memref_slice %arg7[%dma_wait3A_28, %dma_wait3A_29] : memref<100x128xf32, #tpu.memory_space<hbm>> -> memref<100x128xf32, #tpu.memory_space<hbm>>
    tpu.wait_indirect_dma semaphore(%arg20 : memref<!tpu.dma_semaphore, #tpu.memory_space<semaphore_mem>>) src(%dma_wait3A_30 : memref<100x128xf32, #tpu.memory_space<hbm>>) dst(%dma_wait3A_27 : memref<80x128xf32, #tpu.memory_space<vmem>>)
    "tpu.region"() ({
      %run_scoped3A = tpu.sem_alloc : memref<!tpu.dma_semaphore, #tpu.memory_space<semaphore_mem>>
      %dma_start3A_997 = arith.constant 0 : i32
      %dma_start3A_998 = arith.constant 0 : i32
      %dma_start3A_999 = tpu.memref_slice %arg14[%dma_start3A_997, %dma_start3A_998] : memref<256x128xf32, #tpu.memory_space<vmem>> -> memref<80x128xf32, #tpu.memory_space<vmem>>
      %dma_start3A_1000 = arith.constant 0 : i32
      %dma_start3A_1001 = tpu.memref_slice %arg11[%mul3A_7, %dma_start3A_1000] : memref<1384x128xf32, #tpu.memory_space<vmem_shared>> -> memref<80x128xf32, #tpu.memory_space<vmem_shared>>
      %dma_start3A_1002 = arith.constant 0 : i32
      %dma_start3A_1003 = tpu.memref_slice %arg11[%mul3A_7, %dma_start3A_1002] : memref<1384x128xf32, #tpu.memory_space<vmem_shared>> -> memref<80x128xf32, #tpu.memory_space<vmem_shared>>
      %dma_start3A_1004 = arith.constant 0 : i32
      %dma_start3A_1005 = arith.constant 0 : i32
      %dma_start3A_1006 = tpu.memref_slice %arg14[%dma_start3A_1004, %dma_start3A_1005] : memref<256x128xf32, #tpu.memory_space<vmem>> -> memref<80x128xf32, #tpu.memory_space<vmem>>
      tpu.enqueue_dma source(%dma_start3A_1006 : memref<80x128xf32, #tpu.memory_space<vmem>>) target(%dma_start3A_1003 : memref<80x128xf32, #tpu.memory_space<vmem_shared>>) target_semaphore(%run_scoped3A : memref<!tpu.dma_semaphore, #tpu.memory_space<semaphore_mem>>)
      %dma_wait3A_1007 = arith.constant 0 : i32
      %dma_wait3A_1008 = arith.constant 0 : i32
      %dma_wait3A_1009 = tpu.memref_slice %arg14[%dma_wait3A_1007, %dma_wait3A_1008] : memref<256x128xf32, #tpu.memory_space<vmem>> -> memref<80x128xf32, #tpu.memory_space<vmem>>
      %dma_wait3A_1010 = arith.constant 0 : i32
      %dma_wait3A_1011 = tpu.memref_slice %arg11[%mul3A_7, %dma_wait3A_1010] : memref<1384x128xf32, #tpu.memory_space<vmem_shared>> -> memref<80x128xf32, #tpu.memory_space<vmem_shared>>
      %dma_wait3A_1012 = arith.constant 0 : i32
      %dma_wait3A_1013 = tpu.memref_slice %arg11[%mul3A_7, %dma_wait3A_1012] : memref<1384x128xf32, #tpu.memory_space<vmem_shared>> -> memref<80x128xf32, #tpu.memory_space<vmem_shared>>
      %dma_wait3A_1014 = arith.constant 0 : i32
      %dma_wait3A_1015 = arith.constant 0 : i32
      %dma_wait3A_1016 = tpu.memref_slice %arg14[%dma_wait3A_1014, %dma_wait3A_1015] : memref<256x128xf32, #tpu.memory_space<vmem>> -> memref<80x128xf32, #tpu.memory_space<vmem>>
      tpu.wait_dma2 semaphore(%run_scoped3A : memref<!tpu.dma_semaphore, #tpu.memory_space<semaphore_mem>>) src(%dma_wait3A_1016 : memref<80x128xf32, #tpu.memory_space<vmem>>) dst(%dma_wait3A_1013 : memref<80x128xf32, #tpu.memory_space<vmem_shared>>)
      tpu.yield
    }) : () -> ()
    %eq3A = arith.constant 0 : i32
    %eq3A_31 = arith.cmpi eq, %arg1, %eq3A : i32
    %convert_element_type3A = arith.extui %eq3A_31 : i1 to i32
    %cond3A = arith.constant 0 : i32
    %cond3A_32 = arith.cmpi ne, %convert_element_type3A, %cond3A : i32
    scf.if %cond3A_32 {
      "tpu.region"() ({
        %run_scoped3A = tpu.sem_alloc : memref<!tpu.dma_semaphore, #tpu.memory_space<semaphore_mem>>
        %dma_start3A_997 = arith.constant 0 : i32
        %dma_start3A_998 = arith.constant 0 : i32
        %dma_start3A_999 = tpu.memref_slice %arg15[%dma_start3A_997, %dma_start3A_998] : memref<256x128xf32, #tpu.memory_space<vmem>> -> memref<100x128xf32, #tpu.memory_space<vmem>>
        %dma_start3A_1000 = arith.constant 0 : i32
        %dma_start3A_1001 = arith.constant 0 : i32
        %dma_start3A_1002 = tpu.memref_slice %arg15[%dma_start3A_1000, %dma_start3A_1001] : memref<256x128xf32, #tpu.memory_space<vmem>> -> memref<100x128xf32, #tpu.memory_space<vmem>>
        tpu.enqueue_dma source(%arg8 : memref<100x128xf32, #tpu.memory_space<hbm>>) target(%dma_start3A_1002 : memref<100x128xf32, #tpu.memory_space<vmem>>) target_semaphore(%run_scoped3A : memref<!tpu.dma_semaphore, #tpu.memory_space<semaphore_mem>>)
        %dma_wait3A_1003 = arith.constant 0 : i32
        %dma_wait3A_1004 = arith.constant 0 : i32
        %dma_wait3A_1005 = tpu.memref_slice %arg15[%dma_wait3A_1003, %dma_wait3A_1004] : memref<256x128xf32, #tpu.memory_space<vmem>> -> memref<100x128xf32, #tpu.memory_space<vmem>>
        %dma_wait3A_1006 = arith.constant 0 : i32
        %dma_wait3A_1007 = arith.constant 0 : i32
        %dma_wait3A_1008 = tpu.memref_slice %arg15[%dma_wait3A_1006, %dma_wait3A_1007] : memref<256x128xf32, #tpu.memory_space<vmem>> -> memref<100x128xf32, #tpu.memory_space<vmem>>
        tpu.wait_dma2 semaphore(%run_scoped3A : memref<!tpu.dma_semaphore, #tpu.memory_space<semaphore_mem>>) src(%arg8 : memref<100x128xf32, #tpu.memory_space<hbm>>) dst(%dma_wait3A_1008 : memref<100x128xf32, #tpu.memory_space<vmem>>)
        tpu.yield
      }) : () -> ()
      "tpu.region"() ({
        %run_scoped3A = tpu.sem_alloc : memref<!tpu.dma_semaphore, #tpu.memory_space<semaphore_mem>>
        %dma_start3A_997 = arith.constant 0 : i32
        %dma_start3A_998 = arith.constant 0 : i32
        %dma_start3A_999 = tpu.memref_slice %arg15[%dma_start3A_997, %dma_start3A_998] : memref<256x128xf32, #tpu.memory_space<vmem>> -> memref<100x128xf32, #tpu.memory_space<vmem>>
        %dma_start3A_1000 = arith.constant 1280 : i32
        %dma_start3A_1001 = arith.constant 0 : i32
        %dma_start3A_1002 = tpu.memref_slice %arg11[%dma_start3A_1000, %dma_start3A_1001] : memref<1384x128xf32, #tpu.memory_space<vmem_shared>> -> memref<100x128xf32, #tpu.memory_space<vmem_shared>>
        %dma_start3A_1003 = arith.constant 1280 : i32
        %dma_start3A_1004 = arith.constant 0 : i32
        %dma_start3A_1005 = tpu.memref_slice %arg11[%dma_start3A_1003, %dma_start3A_1004] : memref<1384x128xf32, #tpu.memory_space<vmem_shared>> -> memref<100x128xf32, #tpu.memory_space<vmem_shared>>
        %dma_start3A_1006 = arith.constant 0 : i32
        %dma_start3A_1007 = arith.constant 0 : i32
        %dma_start3A_1008 = tpu.memref_slice %arg15[%dma_start3A_1006, %dma_start3A_1007] : memref<256x128xf32, #tpu.memory_space<vmem>> -> memref<100x128xf32, #tpu.memory_space<vmem>>
        tpu.enqueue_dma source(%dma_start3A_1008 : memref<100x128xf32, #tpu.memory_space<vmem>>) target(%dma_start3A_1005 : memref<100x128xf32, #tpu.memory_space<vmem_shared>>) target_semaphore(%run_scoped3A : memref<!tpu.dma_semaphore, #tpu.memory_space<semaphore_mem>>)
        %dma_wait3A_1009 = arith.constant 0 : i32
        %dma_wait3A_1010 = arith.constant 0 : i32
        %dma_wait3A_1011 = tpu.memref_slice %arg15[%dma_wait3A_1009, %dma_wait3A_1010] : memref<256x128xf32, #tpu.memory_space<vmem>> -> memref<100x128xf32, #tpu.memory_space<vmem>>
        %dma_wait3A_1012 = arith.constant 1280 : i32
        %dma_wait3A_1013 = arith.constant 0 : i32
        %dma_wait3A_1014 = tpu.memref_slice %arg11[%dma_wait3A_1012, %dma_wait3A_1013] : memref<1384x128xf32, #tpu.memory_space<vmem_shared>> -> memref<100x128xf32, #tpu.memory_space<vmem_shared>>
        %dma_wait3A_1015 = arith.constant 1280 : i32
        %dma_wait3A_1016 = arith.constant 0 : i32
        %dma_wait3A_1017 = tpu.memref_slice %arg11[%dma_wait3A_1015, %dma_wait3A_1016] : memref<1384x128xf32, #tpu.memory_space<vmem_shared>> -> memref<100x128xf32, #tpu.memory_space<vmem_shared>>
        %dma_wait3A_1018 = arith.constant 0 : i32
        %dma_wait3A_1019 = arith.constant 0 : i32
        %dma_wait3A_1020 = tpu.memref_slice %arg15[%dma_wait3A_1018, %dma_wait3A_1019] : memref<256x128xf32, #tpu.memory_space<vmem>> -> memref<100x128xf32, #tpu.memory_space<vmem>>
        tpu.wait_dma2 semaphore(%run_scoped3A : memref<!tpu.dma_semaphore, #tpu.memory_space<semaphore_mem>>) src(%dma_wait3A_1020 : memref<100x128xf32, #tpu.memory_space<vmem>>) dst(%dma_wait3A_1017 : memref<100x128xf32, #tpu.memory_space<vmem_shared>>)
        tpu.yield
      }) : () -> ()
    } else {
    }
    %dma_wait3A_33 = tpu.memref_slice %arg2[%mul3A_2] : memref<262144xi32, #tpu.memory_space<hbm>> -> memref<8192xi32, #tpu.memory_space<hbm>>
    %dma_wait3A_34 = tpu.memref_slice %arg2[%mul3A_2] : memref<262144xi32, #tpu.memory_space<hbm>> -> memref<8192xi32, #tpu.memory_space<hbm>>
    tpu.wait_dma2 semaphore(%arg21 : memref<!tpu.dma_semaphore, #tpu.memory_space<semaphore_mem>>) src(%dma_wait3A_34 : memref<8192xi32, #tpu.memory_space<hbm>>) dst(%arg12 : memref<8192xi32, #tpu.memory_space<vmem>>)
    %dma_wait3A_35 = tpu.memref_slice %arg3[%mul3A_2] : memref<262144xi32, #tpu.memory_space<hbm>> -> memref<8192xi32, #tpu.memory_space<hbm>>
    %dma_wait3A_36 = tpu.memref_slice %arg3[%mul3A_2] : memref<262144xi32, #tpu.memory_space<hbm>> -> memref<8192xi32, #tpu.memory_space<hbm>>
    tpu.wait_dma2 semaphore(%arg22 : memref<!tpu.dma_semaphore, #tpu.memory_space<semaphore_mem>>) src(%dma_wait3A_36 : memref<8192xi32, #tpu.memory_space<hbm>>) dst(%arg13 : memref<8192xi32, #tpu.memory_space<vmem>>)
    %barrier3A = arith.constant 0 : index
    tpu.barrier barrier_id(%barrier3A)
    %dma_start3A_37 = arith.constant 0 : i32
    %dma_start3A_38 = tpu.memref_slice %arg12[%dma_start3A_37] : memref<8192xi32, #tpu.memory_space<vmem>> -> memref<256xi32, #tpu.memory_space<vmem>>
    %dma_start3A_39 = arith.constant 0 : i32
    %dma_start3A_40 = arith.constant 0 : i32
    %dma_start3A_41 = tpu.memref_slice %arg11[%dma_start3A_39, %dma_start3A_40] : memref<1384x128xf32, #tpu.memory_space<vmem_shared>> -> memref<1384x128xf32, #tpu.memory_space<vmem_shared>>
    tpu.enqueue_indirect_dma source(%dma_start3A_41 : memref<1384x128xf32, #tpu.memory_space<vmem_shared>>) target(%arg14 : memref<256x128xf32, #tpu.memory_space<vmem>>) offsets(%dma_start3A_38 : memref<256xi32, #tpu.memory_space<vmem>>) semaphore(%arg21 : memref<!tpu.dma_semaphore, #tpu.memory_space<semaphore_mem>>)
    %dma_start3A_42 = arith.constant 256 : i32
    %dma_start3A_43 = tpu.memref_slice %arg12[%dma_start3A_42] : memref<8192xi32, #tpu.memory_space<vmem>> -> memref<256xi32, #tpu.memory_space<vmem>>
    %dma_start3A_44 = arith.constant 0 : i32
    %dma_start3A_45 = arith.constant 0 : i32
    %dma_start3A_46 = tpu.memref_slice %arg11[%dma_start3A_44, %dma_start3A_45] : memref<1384x128xf32, #tpu.memory_space<vmem_shared>> -> memref<1384x128xf32, #tpu.memory_space<vmem_shared>>
    tpu.enqueue_indirect_dma source(%dma_start3A_46 : memref<1384x128xf32, #tpu.memory_space<vmem_shared>>) target(%arg15 : memref<256x128xf32, #tpu.memory_space<vmem>>) offsets(%dma_start3A_43 : memref<256xi32, #tpu.memory_space<vmem>>) semaphore(%arg22 : memref<!tpu.dma_semaphore, #tpu.memory_space<semaphore_mem>>)
    %dma_wait3A_47 = arith.constant 0 : i32
    %dma_wait3A_48 = tpu.memref_slice %arg12[%dma_wait3A_47] : memref<8192xi32, #tpu.memory_space<vmem>> -> memref<256xi32, #tpu.memory_space<vmem>>
    %dma_wait3A_49 = arith.constant 0 : i32
    %dma_wait3A_50 = arith.constant 0 : i32
    %dma_wait3A_51 = tpu.memref_slice %arg11[%dma_wait3A_49, %dma_wait3A_50] : memref<1384x128xf32, #tpu.memory_space<vmem_shared>> -> memref<1384x128xf32, #tpu.memory_space<vmem_shared>>
    tpu.wait_indirect_dma semaphore(%arg21 : memref<!tpu.dma_semaphore, #tpu.memory_space<semaphore_mem>>) src(%dma_wait3A_51 : memref<1384x128xf32, #tpu.memory_space<vmem_shared>>) dst(%arg14 : memref<256x128xf32, #tpu.memory_space<vmem>>)
    %dma_start3A_52 = arith.constant 0 : i32
    %dma_start3A_53 = tpu.memref_slice %arg13[%dma_start3A_52] : memref<8192xi32, #tpu.memory_space<vmem>> -> memref<256xi32, #tpu.memory_space<vmem>>
    %dma_start3A_54 = arith.constant 0 : i32
    %dma_start3A_55 = arith.constant 0 : i32
    %dma_start3A_56 = tpu.memref_slice %arg11[%dma_start3A_54, %dma_start3A_55] : memref<1384x128xf32, #tpu.memory_space<vmem_shared>> -> memref<1384x128xf32, #tpu.memory_space<vmem_shared>>
    tpu.enqueue_indirect_dma source(%dma_start3A_56 : memref<1384x128xf32, #tpu.memory_space<vmem_shared>>) target(%arg14 : memref<256x128xf32, #tpu.memory_space<vmem>>) offsets(%dma_start3A_53 : memref<256xi32, #tpu.memory_space<vmem>>) semaphore(%arg24 : memref<!tpu.dma_semaphore, #tpu.memory_space<semaphore_mem>>) {add = true}
    %dma_start3A_57 = arith.constant 512 : i32
    %dma_start3A_58 = tpu.memref_slice %arg12[%dma_start3A_57] : memref<8192xi32, #tpu.memory_space<vmem>> -> memref<256xi32, #tpu.memory_space<vmem>>
    %dma_start3A_59 = arith.constant 0 : i32
    %dma_start3A_60 = arith.constant 0 : i32
    %dma_start3A_61 = tpu.memref_slice %arg11[%dma_start3A_59, %dma_start3A_60] : memref<1384x128xf32, #tpu.memory_space<vmem_shared>> -> memref<1384x128xf32, #tpu.memory_space<vmem_shared>>
    tpu.enqueue_indirect_dma source(%dma_start3A_61 : memref<1384x128xf32, #tpu.memory_space<vmem_shared>>) target(%arg16 : memref<256x128xf32, #tpu.memory_space<vmem>>) offsets(%dma_start3A_58 : memref<256xi32, #tpu.memory_space<vmem>>) semaphore(%arg23 : memref<!tpu.dma_semaphore, #tpu.memory_space<semaphore_mem>>)
    %dma_wait3A_62 = arith.constant 256 : i32
    %dma_wait3A_63 = tpu.memref_slice %arg12[%dma_wait3A_62] : memref<8192xi32, #tpu.memory_space<vmem>> -> memref<256xi32, #tpu.memory_space<vmem>>
    %dma_wait3A_64 = arith.constant 0 : i32
    %dma_wait3A_65 = arith.constant 0 : i32
    %dma_wait3A_66 = tpu.memref_slice %arg11[%dma_wait3A_64, %dma_wait3A_65] : memref<1384x128xf32, #tpu.memory_space<vmem_shared>> -> memref<1384x128xf32, #tpu.memory_space<vmem_shared>>
    tpu.wait_indirect_dma semaphore(%arg22 : memref<!tpu.dma_semaphore, #tpu.memory_space<semaphore_mem>>) src(%dma_wait3A_66 : memref<1384x128xf32, #tpu.memory_space<vmem_shared>>) dst(%arg15 : memref<256x128xf32, #tpu.memory_space<vmem>>)
    %dma_start3A_67 = arith.constant 256 : i32
    %dma_start3A_68 = tpu.memref_slice %arg13[%dma_start3A_67] : memref<8192xi32, #tpu.memory_space<vmem>> -> memref<256xi32, #tpu.memory_space<vmem>>
    %dma_start3A_69 = arith.constant 0 : i32
    %dma_start3A_70 = arith.constant 0 : i32
    %dma_start3A_71 = tpu.memref_slice %arg11[%dma_start3A_69, %dma_start3A_70] : memref<1384x128xf32, #tpu.memory_space<vmem_shared>> -> memref<1384x128xf32, #tpu.memory_space<vmem_shared>>
    tpu.enqueue_indirect_dma source(%dma_start3A_71 : memref<1384x128xf32, #tpu.memory_space<vmem_shared>>) target(%arg15 : memref<256x128xf32, #tpu.memory_space<vmem>>) offsets(%dma_start3A_68 : memref<256xi32, #tpu.memory_space<vmem>>) semaphore(%arg25 : memref<!tpu.dma_semaphore, #tpu.memory_space<semaphore_mem>>) {add = true}
    %dma_wait3A_72 = arith.constant 0 : i32
    %dma_wait3A_73 = tpu.memref_slice %arg13[%dma_wait3A_72] : memref<8192xi32, #tpu.memory_space<vmem>> -> memref<256xi32, #tpu.memory_space<vmem>>
    %dma_wait3A_74 = arith.constant 0 : i32
    %dma_wait3A_75 = arith.constant 0 : i32
    %dma_wait3A_76 = tpu.memref_slice %arg11[%dma_wait3A_74, %dma_wait3A_75] : memref<1384x128xf32, #tpu.memory_space<vmem_shared>> -> memref<1384x128xf32, #tpu.memory_space<vmem_shared>>
    tpu.wait_indirect_dma semaphore(%arg24 : memref<!tpu.dma_semaphore, #tpu.memory_space<semaphore_mem>>) src(%dma_wait3A_76 : memref<1384x128xf32, #tpu.memory_space<vmem_shared>>) dst(%arg14 : memref<256x128xf32, #tpu.memory_space<vmem>>)
    %add3A_77 = arith.constant 0 : i32
    %add3A_78 = arith.addi %mul3A_2, %add3A_77 : i32
    %dma_start3A_79 = arith.constant 0 : i32
    %dma_start3A_80 = tpu.memref_slice %arg10[%add3A_78, %dma_start3A_79] : memref<262144x128xf32, #tpu.memory_space<hbm>> -> memref<256x128xf32, #tpu.memory_space<hbm>>
    %dma_start3A_81 = arith.constant 0 : i32
    %dma_start3A_82 = tpu.memref_slice %arg10[%add3A_78, %dma_start3A_81] : memref<262144x128xf32, #tpu.memory_space<hbm>> -> memref<256x128xf32, #tpu.memory_space<hbm>>
    tpu.enqueue_dma source(%arg14 : memref<256x128xf32, #tpu.memory_space<vmem>>) target(%dma_start3A_82 : memref<256x128xf32, #tpu.memory_space<hbm>>) target_semaphore(%arg27 : memref<!tpu.dma_semaphore, #tpu.memory_space<semaphore_mem>>)
    %dma_wait3A_83 = arith.constant 0 : i32
    %dma_wait3A_84 = tpu.memref_slice %arg10[%add3A_78, %dma_wait3A_83] : memref<262144x128xf32, #tpu.memory_space<hbm>> -> memref<256x128xf32, #tpu.memory_space<hbm>>
    %dma_wait3A_85 = arith.constant 0 : i32
    %dma_wait3A_86 = tpu.memref_slice %arg10[%add3A_78, %dma_wait3A_85] : memref<262144x128xf32, #tpu.memory_space<hbm>> -> memref<256x128xf32, #tpu.memory_space<hbm>>
    tpu.wait_dma2 semaphore(%arg27 : memref<!tpu.dma_semaphore, #tpu.memory_space<semaphore_mem>>) src(%arg14 : memref<256x128xf32, #tpu.memory_space<vmem>>) dst(%dma_wait3A_86 : memref<256x128xf32, #tpu.memory_space<hbm>>)
    %dma_start3A_87 = arith.constant 768 : i32
    %dma_start3A_88 = tpu.memref_slice %arg12[%dma_start3A_87] : memref<8192xi32, #tpu.memory_space<vmem>> -> memref<256xi32, #tpu.memory_space<vmem>>
    %dma_start3A_89 = arith.constant 0 : i32
    %dma_start3A_90 = arith.constant 0 : i32
    %dma_start3A_91 = tpu.memref_slice %arg11[%dma_start3A_89, %dma_start3A_90] : memref<1384x128xf32, #tpu.memory_space<vmem_shared>> -> memref<1384x128xf32, #tpu.memory_space<vmem_shared>>
    tpu.enqueue_indirect_dma source(%dma_start3A_91 : memref<1384x128xf32, #tpu.memory_space<vmem_shared>>) target(%arg14 : memref<256x128xf32, #tpu.memory_space<vmem>>) offsets(%dma_start3A_88 : memref<256xi32, #tpu.memory_space<vmem>>) semaphore(%arg21 : memref<!tpu.dma_semaphore, #tpu.memory_space<semaphore_mem>>)
    %dma_wait3A_92 = arith.constant 512 : i32
    %dma_wait3A_93 = tpu.memref_slice %arg12[%dma_wait3A_92] : memref<8192xi32, #tpu.memory_space<vmem>> -> memref<256xi32, #tpu.memory_space<vmem>>
    %dma_wait3A_94 = arith.constant 0 : i32
    %dma_wait3A_95 = arith.constant 0 : i32
    %dma_wait3A_96 = tpu.memref_slice %arg11[%dma_wait3A_94, %dma_wait3A_95] : memref<1384x128xf32, #tpu.memory_space<vmem_shared>> -> memref<1384x128xf32, #tpu.memory_space<vmem_shared>>
    tpu.wait_indirect_dma semaphore(%arg23 : memref<!tpu.dma_semaphore, #tpu.memory_space<semaphore_mem>>) src(%dma_wait3A_96 : memref<1384x128xf32, #tpu.memory_space<vmem_shared>>) dst(%arg16 : memref<256x128xf32, #tpu.memory_space<vmem>>)
    %dma_start3A_97 = arith.constant 512 : i32
    %dma_start3A_98 = tpu.memref_slice %arg13[%dma_start3A_97] : memref<8192xi32, #tpu.memory_space<vmem>> -> memref<256xi32, #tpu.memory_space<vmem>>
    %dma_start3A_99 = arith.constant 0 : i32
    %dma_start3A_100 = arith.constant 0 : i32
    %dma_start3A_101 = tpu.memref_slice %arg11[%dma_start3A_99, %dma_start3A_100] : memref<1384x128xf32, #tpu.memory_space<vmem_shared>> -> memref<1384x128xf32, #tpu.memory_space<vmem_shared>>
    tpu.enqueue_indirect_dma source(%dma_start3A_101 : memref<1384x128xf32, #tpu.memory_space<vmem_shared>>) target(%arg16 : memref<256x128xf32, #tpu.memory_space<vmem>>) offsets(%dma_start3A_98 : memref<256xi32, #tpu.memory_space<vmem>>) semaphore(%arg26 : memref<!tpu.dma_semaphore, #tpu.memory_space<semaphore_mem>>) {add = true}
    %dma_wait3A_102 = arith.constant 256 : i32
    %dma_wait3A_103 = tpu.memref_slice %arg13[%dma_wait3A_102] : memref<8192xi32, #tpu.memory_space<vmem>> -> memref<256xi32, #tpu.memory_space<vmem>>
    %dma_wait3A_104 = arith.constant 0 : i32
    %dma_wait3A_105 = arith.constant 0 : i32
    %dma_wait3A_106 = tpu.memref_slice %arg11[%dma_wait3A_104, %dma_wait3A_105] : memref<1384x128xf32, #tpu.memory_space<vmem_shared>> -> memref<1384x128xf32, #tpu.memory_space<vmem_shared>>
    tpu.wait_indirect_dma semaphore(%arg25 : memref<!tpu.dma_semaphore, #tpu.memory_space<semaphore_mem>>) src(%dma_wait3A_106 : memref<1384x128xf32, #tpu.memory_space<vmem_shared>>) dst(%arg15 : memref<256x128xf32, #tpu.memory_space<vmem>>)
    %add3A_107 = arith.constant 256 : i32
    %add3A_108 = arith.addi %mul3A_2, %add3A_107 : i32
    %dma_start3A_109 = arith.constant 0 : i32
    %dma_start3A_110 = tpu.memref_slice %arg10[%add3A_108, %dma_start3A_109] : memref<262144x128xf32, #tpu.memory_space<hbm>> -> memref<256x128xf32, #tpu.memory_space<hbm>>
    %dma_start3A_111 = arith.constant 0 : i32
    %dma_start3A_112 = tpu.memref_slice %arg10[%add3A_108, %dma_start3A_111] : memref<262144x128xf32, #tpu.memory_space<hbm>> -> memref<256x128xf32, #tpu.memory_space<hbm>>
    tpu.enqueue_dma source(%arg15 : memref<256x128xf32, #tpu.memory_space<vmem>>) target(%dma_start3A_112 : memref<256x128xf32, #tpu.memory_space<hbm>>) target_semaphore(%arg28 : memref<!tpu.dma_semaphore, #tpu.memory_space<semaphore_mem>>)
    %dma_wait3A_113 = arith.constant 0 : i32
    %dma_wait3A_114 = tpu.memref_slice %arg10[%add3A_108, %dma_wait3A_113] : memref<262144x128xf32, #tpu.memory_space<hbm>> -> memref<256x128xf32, #tpu.memory_space<hbm>>
    %dma_wait3A_115 = arith.constant 0 : i32
    %dma_wait3A_116 = tpu.memref_slice %arg10[%add3A_108, %dma_wait3A_115] : memref<262144x128xf32, #tpu.memory_space<hbm>> -> memref<256x128xf32, #tpu.memory_space<hbm>>
    tpu.wait_dma2 semaphore(%arg28 : memref<!tpu.dma_semaphore, #tpu.memory_space<semaphore_mem>>) src(%arg15 : memref<256x128xf32, #tpu.memory_space<vmem>>) dst(%dma_wait3A_116 : memref<256x128xf32, #tpu.memory_space<hbm>>)
    %dma_start3A_117 = arith.constant 1024 : i32
    %dma_start3A_118 = tpu.memref_slice %arg12[%dma_start3A_117] : memref<8192xi32, #tpu.memory_space<vmem>> -> memref<256xi32, #tpu.memory_space<vmem>>
    %dma_start3A_119 = arith.constant 0 : i32
    %dma_start3A_120 = arith.constant 0 : i32
    %dma_start3A_121 = tpu.memref_slice %arg11[%dma_start3A_119, %dma_start3A_120] : memref<1384x128xf32, #tpu.memory_space<vmem_shared>> -> memref<1384x128xf32, #tpu.memory_space<vmem_shared>>
    tpu.enqueue_indirect_dma source(%dma_start3A_121 : memref<1384x128xf32, #tpu.memory_space<vmem_shared>>) target(%arg15 : memref<256x128xf32, #tpu.memory_space<vmem>>) offsets(%dma_start3A_118 : memref<256xi32, #tpu.memory_space<vmem>>) semaphore(%arg22 : memref<!tpu.dma_semaphore, #tpu.memory_space<semaphore_mem>>)
    %dma_wait3A_122 = arith.constant 768 : i32
    %dma_wait3A_123 = tpu.memref_slice %arg12[%dma_wait3A_122] : memref<8192xi32, #tpu.memory_space<vmem>> -> memref<256xi32, #tpu.memory_space<vmem>>
    %dma_wait3A_124 = arith.constant 0 : i32
    %dma_wait3A_125 = arith.constant 0 : i32
    %dma_wait3A_126 = tpu.memref_slice %arg11[%dma_wait3A_124, %dma_wait3A_125] : memref<1384x128xf32, #tpu.memory_space<vmem_shared>> -> memref<1384x128xf32, #tpu.memory_space<vmem_shared>>
    tpu.wait_indirect_dma semaphore(%arg21 : memref<!tpu.dma_semaphore, #tpu.memory_space<semaphore_mem>>) src(%dma_wait3A_126 : memref<1384x128xf32, #tpu.memory_space<vmem_shared>>) dst(%arg14 : memref<256x128xf32, #tpu.memory_space<vmem>>)
    %dma_start3A_127 = arith.constant 768 : i32
    %dma_start3A_128 = tpu.memref_slice %arg13[%dma_start3A_127] : memref<8192xi32, #tpu.memory_space<vmem>> -> memref<256xi32, #tpu.memory_space<vmem>>
    %dma_start3A_129 = arith.constant 0 : i32
    %dma_start3A_130 = arith.constant 0 : i32
    %dma_start3A_131 = tpu.memref_slice %arg11[%dma_start3A_129, %dma_start3A_130] : memref<1384x128xf32, #tpu.memory_space<vmem_shared>> -> memref<1384x128xf32, #tpu.memory_space<vmem_shared>>
    tpu.enqueue_indirect_dma source(%dma_start3A_131 : memref<1384x128xf32, #tpu.memory_space<vmem_shared>>) target(%arg14 : memref<256x128xf32, #tpu.memory_space<vmem>>) offsets(%dma_start3A_128 : memref<256xi32, #tpu.memory_space<vmem>>) semaphore(%arg24 : memref<!tpu.dma_semaphore, #tpu.memory_space<semaphore_mem>>) {add = true}
    %dma_wait3A_132 = arith.constant 512 : i32
    %dma_wait3A_133 = tpu.memref_slice %arg13[%dma_wait3A_132] : memref<8192xi32, #tpu.memory_space<vmem>> -> memref<256xi32, #tpu.memory_space<vmem>>
    %dma_wait3A_134 = arith.constant 0 : i32
    %dma_wait3A_135 = arith.constant 0 : i32
    %dma_wait3A_136 = tpu.memref_slice %arg11[%dma_wait3A_134, %dma_wait3A_135] : memref<1384x128xf32, #tpu.memory_space<vmem_shared>> -> memref<1384x128xf32, #tpu.memory_space<vmem_shared>>
    tpu.wait_indirect_dma semaphore(%arg26 : memref<!tpu.dma_semaphore, #tpu.memory_space<semaphore_mem>>) src(%dma_wait3A_136 : memref<1384x128xf32, #tpu.memory_space<vmem_shared>>) dst(%arg16 : memref<256x128xf32, #tpu.memory_space<vmem>>)
    %add3A_137 = arith.constant 512 : i32
    %add3A_138 = arith.addi %mul3A_2, %add3A_137 : i32
    %dma_start3A_139 = arith.constant 0 : i32
    %dma_start3A_140 = tpu.memref_slice %arg10[%add3A_138, %dma_start3A_139] : memref<262144x128xf32, #tpu.memory_space<hbm>> -> memref<256x128xf32, #tpu.memory_space<hbm>>
    %dma_start3A_141 = arith.constant 0 : i32
    %dma_start3A_142 = tpu.memref_slice %arg10[%add3A_138, %dma_start3A_141] : memref<262144x128xf32, #tpu.memory_space<hbm>> -> memref<256x128xf32, #tpu.memory_space<hbm>>
    tpu.enqueue_dma source(%arg16 : memref<256x128xf32, #tpu.memory_space<vmem>>) target(%dma_start3A_142 : memref<256x128xf32, #tpu.memory_space<hbm>>) target_semaphore(%arg29 : memref<!tpu.dma_semaphore, #tpu.memory_space<semaphore_mem>>)
    %dma_wait3A_143 = arith.constant 0 : i32
    %dma_wait3A_144 = tpu.memref_slice %arg10[%add3A_138, %dma_wait3A_143] : memref<262144x128xf32, #tpu.memory_space<hbm>> -> memref<256x128xf32, #tpu.memory_space<hbm>>
    %dma_wait3A_145 = arith.constant 0 : i32
    %dma_wait3A_146 = tpu.memref_slice %arg10[%add3A_138, %dma_wait3A_145] : memref<262144x128xf32, #tpu.memory_space<hbm>> -> memref<256x128xf32, #tpu.memory_space<hbm>>
    tpu.wait_dma2 semaphore(%arg29 : memref<!tpu.dma_semaphore, #tpu.memory_space<semaphore_mem>>) src(%arg16 : memref<256x128xf32, #tpu.memory_space<vmem>>) dst(%dma_wait3A_146 : memref<256x128xf32, #tpu.memory_space<hbm>>)
    %dma_start3A_147 = arith.constant 1280 : i32
    %dma_start3A_148 = tpu.memref_slice %arg12[%dma_start3A_147] : memref<8192xi32, #tpu.memory_space<vmem>> -> memref<256xi32, #tpu.memory_space<vmem>>
    %dma_start3A_149 = arith.constant 0 : i32
    %dma_start3A_150 = arith.constant 0 : i32
    %dma_start3A_151 = tpu.memref_slice %arg11[%dma_start3A_149, %dma_start3A_150] : memref<1384x128xf32, #tpu.memory_space<vmem_shared>> -> memref<1384x128xf32, #tpu.memory_space<vmem_shared>>
    tpu.enqueue_indirect_dma source(%dma_start3A_151 : memref<1384x128xf32, #tpu.memory_space<vmem_shared>>) target(%arg16 : memref<256x128xf32, #tpu.memory_space<vmem>>) offsets(%dma_start3A_148 : memref<256xi32, #tpu.memory_space<vmem>>) semaphore(%arg23 : memref<!tpu.dma_semaphore, #tpu.memory_space<semaphore_mem>>)
    %dma_wait3A_152 = arith.constant 1024 : i32
    %dma_wait3A_153 = tpu.memref_slice %arg12[%dma_wait3A_152] : memref<8192xi32, #tpu.memory_space<vmem>> -> memref<256xi32, #tpu.memory_space<vmem>>
    %dma_wait3A_154 = arith.constant 0 : i32
    %dma_wait3A_155 = arith.constant 0 : i32
    %dma_wait3A_156 = tpu.memref_slice %arg11[%dma_wait3A_154, %dma_wait3A_155] : memref<1384x128xf32, #tpu.memory_space<vmem_shared>> -> memref<1384x128xf32, #tpu.memory_space<vmem_shared>>
    tpu.wait_indirect_dma semaphore(%arg22 : memref<!tpu.dma_semaphore, #tpu.memory_space<semaphore_mem>>) src(%dma_wait3A_156 : memref<1384x128xf32, #tpu.memory_space<vmem_shared>>) dst(%arg15 : memref<256x128xf32, #tpu.memory_space<vmem>>)
    %dma_start3A_157 = arith.constant 1024 : i32
    %dma_start3A_158 = tpu.memref_slice %arg13[%dma_start3A_157] : memref<8192xi32, #tpu.memory_space<vmem>> -> memref<256xi32, #tpu.memory_space<vmem>>
    %dma_start3A_159 = arith.constant 0 : i32
    %dma_start3A_160 = arith.constant 0 : i32
    %dma_start3A_161 = tpu.memref_slice %arg11[%dma_start3A_159, %dma_start3A_160] : memref<1384x128xf32, #tpu.memory_space<vmem_shared>> -> memref<1384x128xf32, #tpu.memory_space<vmem_shared>>
    tpu.enqueue_indirect_dma source(%dma_start3A_161 : memref<1384x128xf32, #tpu.memory_space<vmem_shared>>) target(%arg15 : memref<256x128xf32, #tpu.memory_space<vmem>>) offsets(%dma_start3A_158 : memref<256xi32, #tpu.memory_space<vmem>>) semaphore(%arg25 : memref<!tpu.dma_semaphore, #tpu.memory_space<semaphore_mem>>) {add = true}
    %dma_wait3A_162 = arith.constant 768 : i32
    %dma_wait3A_163 = tpu.memref_slice %arg13[%dma_wait3A_162] : memref<8192xi32, #tpu.memory_space<vmem>> -> memref<256xi32, #tpu.memory_space<vmem>>
    %dma_wait3A_164 = arith.constant 0 : i32
    %dma_wait3A_165 = arith.constant 0 : i32
    %dma_wait3A_166 = tpu.memref_slice %arg11[%dma_wait3A_164, %dma_wait3A_165] : memref<1384x128xf32, #tpu.memory_space<vmem_shared>> -> memref<1384x128xf32, #tpu.memory_space<vmem_shared>>
    tpu.wait_indirect_dma semaphore(%arg24 : memref<!tpu.dma_semaphore, #tpu.memory_space<semaphore_mem>>) src(%dma_wait3A_166 : memref<1384x128xf32, #tpu.memory_space<vmem_shared>>) dst(%arg14 : memref<256x128xf32, #tpu.memory_space<vmem>>)
    %add3A_167 = arith.constant 768 : i32
    %add3A_168 = arith.addi %mul3A_2, %add3A_167 : i32
    %dma_start3A_169 = arith.constant 0 : i32
    %dma_start3A_170 = tpu.memref_slice %arg10[%add3A_168, %dma_start3A_169] : memref<262144x128xf32, #tpu.memory_space<hbm>> -> memref<256x128xf32, #tpu.memory_space<hbm>>
    %dma_start3A_171 = arith.constant 0 : i32
    %dma_start3A_172 = tpu.memref_slice %arg10[%add3A_168, %dma_start3A_171] : memref<262144x128xf32, #tpu.memory_space<hbm>> -> memref<256x128xf32, #tpu.memory_space<hbm>>
    tpu.enqueue_dma source(%arg14 : memref<256x128xf32, #tpu.memory_space<vmem>>) target(%dma_start3A_172 : memref<256x128xf32, #tpu.memory_space<hbm>>) target_semaphore(%arg27 : memref<!tpu.dma_semaphore, #tpu.memory_space<semaphore_mem>>)
    %dma_wait3A_173 = arith.constant 0 : i32
    %dma_wait3A_174 = tpu.memref_slice %arg10[%add3A_168, %dma_wait3A_173] : memref<262144x128xf32, #tpu.memory_space<hbm>> -> memref<256x128xf32, #tpu.memory_space<hbm>>
    %dma_wait3A_175 = arith.constant 0 : i32
    %dma_wait3A_176 = tpu.memref_slice %arg10[%add3A_168, %dma_wait3A_175] : memref<262144x128xf32, #tpu.memory_space<hbm>> -> memref<256x128xf32, #tpu.memory_space<hbm>>
    tpu.wait_dma2 semaphore(%arg27 : memref<!tpu.dma_semaphore, #tpu.memory_space<semaphore_mem>>) src(%arg14 : memref<256x128xf32, #tpu.memory_space<vmem>>) dst(%dma_wait3A_176 : memref<256x128xf32, #tpu.memory_space<hbm>>)
    %dma_start3A_177 = arith.constant 1536 : i32
    %dma_start3A_178 = tpu.memref_slice %arg12[%dma_start3A_177] : memref<8192xi32, #tpu.memory_space<vmem>> -> memref<256xi32, #tpu.memory_space<vmem>>
    %dma_start3A_179 = arith.constant 0 : i32
    %dma_start3A_180 = arith.constant 0 : i32
    %dma_start3A_181 = tpu.memref_slice %arg11[%dma_start3A_179, %dma_start3A_180] : memref<1384x128xf32, #tpu.memory_space<vmem_shared>> -> memref<1384x128xf32, #tpu.memory_space<vmem_shared>>
    tpu.enqueue_indirect_dma source(%dma_start3A_181 : memref<1384x128xf32, #tpu.memory_space<vmem_shared>>) target(%arg14 : memref<256x128xf32, #tpu.memory_space<vmem>>) offsets(%dma_start3A_178 : memref<256xi32, #tpu.memory_space<vmem>>) semaphore(%arg21 : memref<!tpu.dma_semaphore, #tpu.memory_space<semaphore_mem>>)
    %dma_wait3A_182 = arith.constant 1280 : i32
    %dma_wait3A_183 = tpu.memref_slice %arg12[%dma_wait3A_182] : memref<8192xi32, #tpu.memory_space<vmem>> -> memref<256xi32, #tpu.memory_space<vmem>>
    %dma_wait3A_184 = arith.constant 0 : i32
    %dma_wait3A_185 = arith.constant 0 : i32
    %dma_wait3A_186 = tpu.memref_slice %arg11[%dma_wait3A_184, %dma_wait3A_185] : memref<1384x128xf32, #tpu.memory_space<vmem_shared>> -> memref<1384x128xf32, #tpu.memory_space<vmem_shared>>
    tpu.wait_indirect_dma semaphore(%arg23 : memref<!tpu.dma_semaphore, #tpu.memory_space<semaphore_mem>>) src(%dma_wait3A_186 : memref<1384x128xf32, #tpu.memory_space<vmem_shared>>) dst(%arg16 : memref<256x128xf32, #tpu.memory_space<vmem>>)
    %dma_start3A_187 = arith.constant 1280 : i32
    %dma_start3A_188 = tpu.memref_slice %arg13[%dma_start3A_187] : memref<8192xi32, #tpu.memory_space<vmem>> -> memref<256xi32, #tpu.memory_space<vmem>>
    %dma_start3A_189 = arith.constant 0 : i32
    %dma_start3A_190 = arith.constant 0 : i32
    %dma_start3A_191 = tpu.memref_slice %arg11[%dma_start3A_189, %dma_start3A_190] : memref<1384x128xf32, #tpu.memory_space<vmem_shared>> -> memref<1384x128xf32, #tpu.memory_space<vmem_shared>>
    tpu.enqueue_indirect_dma source(%dma_start3A_191 : memref<1384x128xf32, #tpu.memory_space<vmem_shared>>) target(%arg16 : memref<256x128xf32, #tpu.memory_space<vmem>>) offsets(%dma_start3A_188 : memref<256xi32, #tpu.memory_space<vmem>>) semaphore(%arg26 : memref<!tpu.dma_semaphore, #tpu.memory_space<semaphore_mem>>) {add = true}
    %dma_wait3A_192 = arith.constant 1024 : i32
    %dma_wait3A_193 = tpu.memref_slice %arg13[%dma_wait3A_192] : memref<8192xi32, #tpu.memory_space<vmem>> -> memref<256xi32, #tpu.memory_space<vmem>>
    %dma_wait3A_194 = arith.constant 0 : i32
    %dma_wait3A_195 = arith.constant 0 : i32
    %dma_wait3A_196 = tpu.memref_slice %arg11[%dma_wait3A_194, %dma_wait3A_195] : memref<1384x128xf32, #tpu.memory_space<vmem_shared>> -> memref<1384x128xf32, #tpu.memory_space<vmem_shared>>
    tpu.wait_indirect_dma semaphore(%arg25 : memref<!tpu.dma_semaphore, #tpu.memory_space<semaphore_mem>>) src(%dma_wait3A_196 : memref<1384x128xf32, #tpu.memory_space<vmem_shared>>) dst(%arg15 : memref<256x128xf32, #tpu.memory_space<vmem>>)
    %add3A_197 = arith.constant 1024 : i32
    %add3A_198 = arith.addi %mul3A_2, %add3A_197 : i32
    %dma_start3A_199 = arith.constant 0 : i32
    %dma_start3A_200 = tpu.memref_slice %arg10[%add3A_198, %dma_start3A_199] : memref<262144x128xf32, #tpu.memory_space<hbm>> -> memref<256x128xf32, #tpu.memory_space<hbm>>
    %dma_start3A_201 = arith.constant 0 : i32
    %dma_start3A_202 = tpu.memref_slice %arg10[%add3A_198, %dma_start3A_201] : memref<262144x128xf32, #tpu.memory_space<hbm>> -> memref<256x128xf32, #tpu.memory_space<hbm>>
    tpu.enqueue_dma source(%arg15 : memref<256x128xf32, #tpu.memory_space<vmem>>) target(%dma_start3A_202 : memref<256x128xf32, #tpu.memory_space<hbm>>) target_semaphore(%arg28 : memref<!tpu.dma_semaphore, #tpu.memory_space<semaphore_mem>>)
    %dma_wait3A_203 = arith.constant 0 : i32
    %dma_wait3A_204 = tpu.memref_slice %arg10[%add3A_198, %dma_wait3A_203] : memref<262144x128xf32, #tpu.memory_space<hbm>> -> memref<256x128xf32, #tpu.memory_space<hbm>>
    %dma_wait3A_205 = arith.constant 0 : i32
    %dma_wait3A_206 = tpu.memref_slice %arg10[%add3A_198, %dma_wait3A_205] : memref<262144x128xf32, #tpu.memory_space<hbm>> -> memref<256x128xf32, #tpu.memory_space<hbm>>
    tpu.wait_dma2 semaphore(%arg28 : memref<!tpu.dma_semaphore, #tpu.memory_space<semaphore_mem>>) src(%arg15 : memref<256x128xf32, #tpu.memory_space<vmem>>) dst(%dma_wait3A_206 : memref<256x128xf32, #tpu.memory_space<hbm>>)
    %dma_start3A_207 = arith.constant 1792 : i32
    %dma_start3A_208 = tpu.memref_slice %arg12[%dma_start3A_207] : memref<8192xi32, #tpu.memory_space<vmem>> -> memref<256xi32, #tpu.memory_space<vmem>>
    %dma_start3A_209 = arith.constant 0 : i32
    %dma_start3A_210 = arith.constant 0 : i32
    %dma_start3A_211 = tpu.memref_slice %arg11[%dma_start3A_209, %dma_start3A_210] : memref<1384x128xf32, #tpu.memory_space<vmem_shared>> -> memref<1384x128xf32, #tpu.memory_space<vmem_shared>>
    tpu.enqueue_indirect_dma source(%dma_start3A_211 : memref<1384x128xf32, #tpu.memory_space<vmem_shared>>) target(%arg15 : memref<256x128xf32, #tpu.memory_space<vmem>>) offsets(%dma_start3A_208 : memref<256xi32, #tpu.memory_space<vmem>>) semaphore(%arg22 : memref<!tpu.dma_semaphore, #tpu.memory_space<semaphore_mem>>)
    %dma_wait3A_212 = arith.constant 1536 : i32
    %dma_wait3A_213 = tpu.memref_slice %arg12[%dma_wait3A_212] : memref<8192xi32, #tpu.memory_space<vmem>> -> memref<256xi32, #tpu.memory_space<vmem>>
    %dma_wait3A_214 = arith.constant 0 : i32
    %dma_wait3A_215 = arith.constant 0 : i32
    %dma_wait3A_216 = tpu.memref_slice %arg11[%dma_wait3A_214, %dma_wait3A_215] : memref<1384x128xf32, #tpu.memory_space<vmem_shared>> -> memref<1384x128xf32, #tpu.memory_space<vmem_shared>>
    tpu.wait_indirect_dma semaphore(%arg21 : memref<!tpu.dma_semaphore, #tpu.memory_space<semaphore_mem>>) src(%dma_wait3A_216 : memref<1384x128xf32, #tpu.memory_space<vmem_shared>>) dst(%arg14 : memref<256x128xf32, #tpu.memory_space<vmem>>)
    %dma_start3A_217 = arith.constant 1536 : i32
    %dma_start3A_218 = tpu.memref_slice %arg13[%dma_start3A_217] : memref<8192xi32, #tpu.memory_space<vmem>> -> memref<256xi32, #tpu.memory_space<vmem>>
    %dma_start3A_219 = arith.constant 0 : i32
    %dma_start3A_220 = arith.constant 0 : i32
    %dma_start3A_221 = tpu.memref_slice %arg11[%dma_start3A_219, %dma_start3A_220] : memref<1384x128xf32, #tpu.memory_space<vmem_shared>> -> memref<1384x128xf32, #tpu.memory_space<vmem_shared>>
    tpu.enqueue_indirect_dma source(%dma_start3A_221 : memref<1384x128xf32, #tpu.memory_space<vmem_shared>>) target(%arg14 : memref<256x128xf32, #tpu.memory_space<vmem>>) offsets(%dma_start3A_218 : memref<256xi32, #tpu.memory_space<vmem>>) semaphore(%arg24 : memref<!tpu.dma_semaphore, #tpu.memory_space<semaphore_mem>>) {add = true}
    %dma_wait3A_222 = arith.constant 1280 : i32
    %dma_wait3A_223 = tpu.memref_slice %arg13[%dma_wait3A_222] : memref<8192xi32, #tpu.memory_space<vmem>> -> memref<256xi32, #tpu.memory_space<vmem>>
    %dma_wait3A_224 = arith.constant 0 : i32
    %dma_wait3A_225 = arith.constant 0 : i32
    %dma_wait3A_226 = tpu.memref_slice %arg11[%dma_wait3A_224, %dma_wait3A_225] : memref<1384x128xf32, #tpu.memory_space<vmem_shared>> -> memref<1384x128xf32, #tpu.memory_space<vmem_shared>>
    tpu.wait_indirect_dma semaphore(%arg26 : memref<!tpu.dma_semaphore, #tpu.memory_space<semaphore_mem>>) src(%dma_wait3A_226 : memref<1384x128xf32, #tpu.memory_space<vmem_shared>>) dst(%arg16 : memref<256x128xf32, #tpu.memory_space<vmem>>)
    %add3A_227 = arith.constant 1280 : i32
    %add3A_228 = arith.addi %mul3A_2, %add3A_227 : i32
    %dma_start3A_229 = arith.constant 0 : i32
    %dma_start3A_230 = tpu.memref_slice %arg10[%add3A_228, %dma_start3A_229] : memref<262144x128xf32, #tpu.memory_space<hbm>> -> memref<256x128xf32, #tpu.memory_space<hbm>>
    %dma_start3A_231 = arith.constant 0 : i32
    %dma_start3A_232 = tpu.memref_slice %arg10[%add3A_228, %dma_start3A_231] : memref<262144x128xf32, #tpu.memory_space<hbm>> -> memref<256x128xf32, #tpu.memory_space<hbm>>
    tpu.enqueue_dma source(%arg16 : memref<256x128xf32, #tpu.memory_space<vmem>>) target(%dma_start3A_232 : memref<256x128xf32, #tpu.memory_space<hbm>>) target_semaphore(%arg29 : memref<!tpu.dma_semaphore, #tpu.memory_space<semaphore_mem>>)
    %dma_wait3A_233 = arith.constant 0 : i32
    %dma_wait3A_234 = tpu.memref_slice %arg10[%add3A_228, %dma_wait3A_233] : memref<262144x128xf32, #tpu.memory_space<hbm>> -> memref<256x128xf32, #tpu.memory_space<hbm>>
    %dma_wait3A_235 = arith.constant 0 : i32
    %dma_wait3A_236 = tpu.memref_slice %arg10[%add3A_228, %dma_wait3A_235] : memref<262144x128xf32, #tpu.memory_space<hbm>> -> memref<256x128xf32, #tpu.memory_space<hbm>>
    tpu.wait_dma2 semaphore(%arg29 : memref<!tpu.dma_semaphore, #tpu.memory_space<semaphore_mem>>) src(%arg16 : memref<256x128xf32, #tpu.memory_space<vmem>>) dst(%dma_wait3A_236 : memref<256x128xf32, #tpu.memory_space<hbm>>)
    %dma_start3A_237 = arith.constant 2048 : i32
    %dma_start3A_238 = tpu.memref_slice %arg12[%dma_start3A_237] : memref<8192xi32, #tpu.memory_space<vmem>> -> memref<256xi32, #tpu.memory_space<vmem>>
    %dma_start3A_239 = arith.constant 0 : i32
    %dma_start3A_240 = arith.constant 0 : i32
    %dma_start3A_241 = tpu.memref_slice %arg11[%dma_start3A_239, %dma_start3A_240] : memref<1384x128xf32, #tpu.memory_space<vmem_shared>> -> memref<1384x128xf32, #tpu.memory_space<vmem_shared>>
    tpu.enqueue_indirect_dma source(%dma_start3A_241 : memref<1384x128xf32, #tpu.memory_space<vmem_shared>>) target(%arg16 : memref<256x128xf32, #tpu.memory_space<vmem>>) offsets(%dma_start3A_238 : memref<256xi32, #tpu.memory_space<vmem>>) semaphore(%arg23 : memref<!tpu.dma_semaphore, #tpu.memory_space<semaphore_mem>>)
    %dma_wait3A_242 = arith.constant 1792 : i32
    %dma_wait3A_243 = tpu.memref_slice %arg12[%dma_wait3A_242] : memref<8192xi32, #tpu.memory_space<vmem>> -> memref<256xi32, #tpu.memory_space<vmem>>
    %dma_wait3A_244 = arith.constant 0 : i32
    %dma_wait3A_245 = arith.constant 0 : i32
    %dma_wait3A_246 = tpu.memref_slice %arg11[%dma_wait3A_244, %dma_wait3A_245] : memref<1384x128xf32, #tpu.memory_space<vmem_shared>> -> memref<1384x128xf32, #tpu.memory_space<vmem_shared>>
    tpu.wait_indirect_dma semaphore(%arg22 : memref<!tpu.dma_semaphore, #tpu.memory_space<semaphore_mem>>) src(%dma_wait3A_246 : memref<1384x128xf32, #tpu.memory_space<vmem_shared>>) dst(%arg15 : memref<256x128xf32, #tpu.memory_space<vmem>>)
    %dma_start3A_247 = arith.constant 1792 : i32
    %dma_start3A_248 = tpu.memref_slice %arg13[%dma_start3A_247] : memref<8192xi32, #tpu.memory_space<vmem>> -> memref<256xi32, #tpu.memory_space<vmem>>
    %dma_start3A_249 = arith.constant 0 : i32
    %dma_start3A_250 = arith.constant 0 : i32
    %dma_start3A_251 = tpu.memref_slice %arg11[%dma_start3A_249, %dma_start3A_250] : memref<1384x128xf32, #tpu.memory_space<vmem_shared>> -> memref<1384x128xf32, #tpu.memory_space<vmem_shared>>
    tpu.enqueue_indirect_dma source(%dma_start3A_251 : memref<1384x128xf32, #tpu.memory_space<vmem_shared>>) target(%arg15 : memref<256x128xf32, #tpu.memory_space<vmem>>) offsets(%dma_start3A_248 : memref<256xi32, #tpu.memory_space<vmem>>) semaphore(%arg25 : memref<!tpu.dma_semaphore, #tpu.memory_space<semaphore_mem>>) {add = true}
    %dma_wait3A_252 = arith.constant 1536 : i32
    %dma_wait3A_253 = tpu.memref_slice %arg13[%dma_wait3A_252] : memref<8192xi32, #tpu.memory_space<vmem>> -> memref<256xi32, #tpu.memory_space<vmem>>
    %dma_wait3A_254 = arith.constant 0 : i32
    %dma_wait3A_255 = arith.constant 0 : i32
    %dma_wait3A_256 = tpu.memref_slice %arg11[%dma_wait3A_254, %dma_wait3A_255] : memref<1384x128xf32, #tpu.memory_space<vmem_shared>> -> memref<1384x128xf32, #tpu.memory_space<vmem_shared>>
    tpu.wait_indirect_dma semaphore(%arg24 : memref<!tpu.dma_semaphore, #tpu.memory_space<semaphore_mem>>) src(%dma_wait3A_256 : memref<1384x128xf32, #tpu.memory_space<vmem_shared>>) dst(%arg14 : memref<256x128xf32, #tpu.memory_space<vmem>>)
    %add3A_257 = arith.constant 1536 : i32
    %add3A_258 = arith.addi %mul3A_2, %add3A_257 : i32
    %dma_start3A_259 = arith.constant 0 : i32
    %dma_start3A_260 = tpu.memref_slice %arg10[%add3A_258, %dma_start3A_259] : memref<262144x128xf32, #tpu.memory_space<hbm>> -> memref<256x128xf32, #tpu.memory_space<hbm>>
    %dma_start3A_261 = arith.constant 0 : i32
    %dma_start3A_262 = tpu.memref_slice %arg10[%add3A_258, %dma_start3A_261] : memref<262144x128xf32, #tpu.memory_space<hbm>> -> memref<256x128xf32, #tpu.memory_space<hbm>>
    tpu.enqueue_dma source(%arg14 : memref<256x128xf32, #tpu.memory_space<vmem>>) target(%dma_start3A_262 : memref<256x128xf32, #tpu.memory_space<hbm>>) target_semaphore(%arg27 : memref<!tpu.dma_semaphore, #tpu.memory_space<semaphore_mem>>)
    %dma_wait3A_263 = arith.constant 0 : i32
    %dma_wait3A_264 = tpu.memref_slice %arg10[%add3A_258, %dma_wait3A_263] : memref<262144x128xf32, #tpu.memory_space<hbm>> -> memref<256x128xf32, #tpu.memory_space<hbm>>
    %dma_wait3A_265 = arith.constant 0 : i32
    %dma_wait3A_266 = tpu.memref_slice %arg10[%add3A_258, %dma_wait3A_265] : memref<262144x128xf32, #tpu.memory_space<hbm>> -> memref<256x128xf32, #tpu.memory_space<hbm>>
    tpu.wait_dma2 semaphore(%arg27 : memref<!tpu.dma_semaphore, #tpu.memory_space<semaphore_mem>>) src(%arg14 : memref<256x128xf32, #tpu.memory_space<vmem>>) dst(%dma_wait3A_266 : memref<256x128xf32, #tpu.memory_space<hbm>>)
    %dma_start3A_267 = arith.constant 2304 : i32
    %dma_start3A_268 = tpu.memref_slice %arg12[%dma_start3A_267] : memref<8192xi32, #tpu.memory_space<vmem>> -> memref<256xi32, #tpu.memory_space<vmem>>
    %dma_start3A_269 = arith.constant 0 : i32
    %dma_start3A_270 = arith.constant 0 : i32
    %dma_start3A_271 = tpu.memref_slice %arg11[%dma_start3A_269, %dma_start3A_270] : memref<1384x128xf32, #tpu.memory_space<vmem_shared>> -> memref<1384x128xf32, #tpu.memory_space<vmem_shared>>
    tpu.enqueue_indirect_dma source(%dma_start3A_271 : memref<1384x128xf32, #tpu.memory_space<vmem_shared>>) target(%arg14 : memref<256x128xf32, #tpu.memory_space<vmem>>) offsets(%dma_start3A_268 : memref<256xi32, #tpu.memory_space<vmem>>) semaphore(%arg21 : memref<!tpu.dma_semaphore, #tpu.memory_space<semaphore_mem>>)
    %dma_wait3A_272 = arith.constant 2048 : i32
    %dma_wait3A_273 = tpu.memref_slice %arg12[%dma_wait3A_272] : memref<8192xi32, #tpu.memory_space<vmem>> -> memref<256xi32, #tpu.memory_space<vmem>>
    %dma_wait3A_274 = arith.constant 0 : i32
    %dma_wait3A_275 = arith.constant 0 : i32
    %dma_wait3A_276 = tpu.memref_slice %arg11[%dma_wait3A_274, %dma_wait3A_275] : memref<1384x128xf32, #tpu.memory_space<vmem_shared>> -> memref<1384x128xf32, #tpu.memory_space<vmem_shared>>
    tpu.wait_indirect_dma semaphore(%arg23 : memref<!tpu.dma_semaphore, #tpu.memory_space<semaphore_mem>>) src(%dma_wait3A_276 : memref<1384x128xf32, #tpu.memory_space<vmem_shared>>) dst(%arg16 : memref<256x128xf32, #tpu.memory_space<vmem>>)
    %dma_start3A_277 = arith.constant 2048 : i32
    %dma_start3A_278 = tpu.memref_slice %arg13[%dma_start3A_277] : memref<8192xi32, #tpu.memory_space<vmem>> -> memref<256xi32, #tpu.memory_space<vmem>>
    %dma_start3A_279 = arith.constant 0 : i32
    %dma_start3A_280 = arith.constant 0 : i32
    %dma_start3A_281 = tpu.memref_slice %arg11[%dma_start3A_279, %dma_start3A_280] : memref<1384x128xf32, #tpu.memory_space<vmem_shared>> -> memref<1384x128xf32, #tpu.memory_space<vmem_shared>>
    tpu.enqueue_indirect_dma source(%dma_start3A_281 : memref<1384x128xf32, #tpu.memory_space<vmem_shared>>) target(%arg16 : memref<256x128xf32, #tpu.memory_space<vmem>>) offsets(%dma_start3A_278 : memref<256xi32, #tpu.memory_space<vmem>>) semaphore(%arg26 : memref<!tpu.dma_semaphore, #tpu.memory_space<semaphore_mem>>) {add = true}
    %dma_wait3A_282 = arith.constant 1792 : i32
    %dma_wait3A_283 = tpu.memref_slice %arg13[%dma_wait3A_282] : memref<8192xi32, #tpu.memory_space<vmem>> -> memref<256xi32, #tpu.memory_space<vmem>>
    %dma_wait3A_284 = arith.constant 0 : i32
    %dma_wait3A_285 = arith.constant 0 : i32
    %dma_wait3A_286 = tpu.memref_slice %arg11[%dma_wait3A_284, %dma_wait3A_285] : memref<1384x128xf32, #tpu.memory_space<vmem_shared>> -> memref<1384x128xf32, #tpu.memory_space<vmem_shared>>
    tpu.wait_indirect_dma semaphore(%arg25 : memref<!tpu.dma_semaphore, #tpu.memory_space<semaphore_mem>>) src(%dma_wait3A_286 : memref<1384x128xf32, #tpu.memory_space<vmem_shared>>) dst(%arg15 : memref<256x128xf32, #tpu.memory_space<vmem>>)
    %add3A_287 = arith.constant 1792 : i32
    %add3A_288 = arith.addi %mul3A_2, %add3A_287 : i32
    %dma_start3A_289 = arith.constant 0 : i32
    %dma_start3A_290 = tpu.memref_slice %arg10[%add3A_288, %dma_start3A_289] : memref<262144x128xf32, #tpu.memory_space<hbm>> -> memref<256x128xf32, #tpu.memory_space<hbm>>
    %dma_start3A_291 = arith.constant 0 : i32
    %dma_start3A_292 = tpu.memref_slice %arg10[%add3A_288, %dma_start3A_291] : memref<262144x128xf32, #tpu.memory_space<hbm>> -> memref<256x128xf32, #tpu.memory_space<hbm>>
    tpu.enqueue_dma source(%arg15 : memref<256x128xf32, #tpu.memory_space<vmem>>) target(%dma_start3A_292 : memref<256x128xf32, #tpu.memory_space<hbm>>) target_semaphore(%arg28 : memref<!tpu.dma_semaphore, #tpu.memory_space<semaphore_mem>>)
    %dma_wait3A_293 = arith.constant 0 : i32
    %dma_wait3A_294 = tpu.memref_slice %arg10[%add3A_288, %dma_wait3A_293] : memref<262144x128xf32, #tpu.memory_space<hbm>> -> memref<256x128xf32, #tpu.memory_space<hbm>>
    %dma_wait3A_295 = arith.constant 0 : i32
    %dma_wait3A_296 = tpu.memref_slice %arg10[%add3A_288, %dma_wait3A_295] : memref<262144x128xf32, #tpu.memory_space<hbm>> -> memref<256x128xf32, #tpu.memory_space<hbm>>
    tpu.wait_dma2 semaphore(%arg28 : memref<!tpu.dma_semaphore, #tpu.memory_space<semaphore_mem>>) src(%arg15 : memref<256x128xf32, #tpu.memory_space<vmem>>) dst(%dma_wait3A_296 : memref<256x128xf32, #tpu.memory_space<hbm>>)
    %dma_start3A_297 = arith.constant 2560 : i32
    %dma_start3A_298 = tpu.memref_slice %arg12[%dma_start3A_297] : memref<8192xi32, #tpu.memory_space<vmem>> -> memref<256xi32, #tpu.memory_space<vmem>>
    %dma_start3A_299 = arith.constant 0 : i32
    %dma_start3A_300 = arith.constant 0 : i32
    %dma_start3A_301 = tpu.memref_slice %arg11[%dma_start3A_299, %dma_start3A_300] : memref<1384x128xf32, #tpu.memory_space<vmem_shared>> -> memref<1384x128xf32, #tpu.memory_space<vmem_shared>>
    tpu.enqueue_indirect_dma source(%dma_start3A_301 : memref<1384x128xf32, #tpu.memory_space<vmem_shared>>) target(%arg15 : memref<256x128xf32, #tpu.memory_space<vmem>>) offsets(%dma_start3A_298 : memref<256xi32, #tpu.memory_space<vmem>>) semaphore(%arg22 : memref<!tpu.dma_semaphore, #tpu.memory_space<semaphore_mem>>)
    %dma_wait3A_302 = arith.constant 2304 : i32
    %dma_wait3A_303 = tpu.memref_slice %arg12[%dma_wait3A_302] : memref<8192xi32, #tpu.memory_space<vmem>> -> memref<256xi32, #tpu.memory_space<vmem>>
    %dma_wait3A_304 = arith.constant 0 : i32
    %dma_wait3A_305 = arith.constant 0 : i32
    %dma_wait3A_306 = tpu.memref_slice %arg11[%dma_wait3A_304, %dma_wait3A_305] : memref<1384x128xf32, #tpu.memory_space<vmem_shared>> -> memref<1384x128xf32, #tpu.memory_space<vmem_shared>>
    tpu.wait_indirect_dma semaphore(%arg21 : memref<!tpu.dma_semaphore, #tpu.memory_space<semaphore_mem>>) src(%dma_wait3A_306 : memref<1384x128xf32, #tpu.memory_space<vmem_shared>>) dst(%arg14 : memref<256x128xf32, #tpu.memory_space<vmem>>)
    %dma_start3A_307 = arith.constant 2304 : i32
    %dma_start3A_308 = tpu.memref_slice %arg13[%dma_start3A_307] : memref<8192xi32, #tpu.memory_space<vmem>> -> memref<256xi32, #tpu.memory_space<vmem>>
    %dma_start3A_309 = arith.constant 0 : i32
    %dma_start3A_310 = arith.constant 0 : i32
    %dma_start3A_311 = tpu.memref_slice %arg11[%dma_start3A_309, %dma_start3A_310] : memref<1384x128xf32, #tpu.memory_space<vmem_shared>> -> memref<1384x128xf32, #tpu.memory_space<vmem_shared>>
    tpu.enqueue_indirect_dma source(%dma_start3A_311 : memref<1384x128xf32, #tpu.memory_space<vmem_shared>>) target(%arg14 : memref<256x128xf32, #tpu.memory_space<vmem>>) offsets(%dma_start3A_308 : memref<256xi32, #tpu.memory_space<vmem>>) semaphore(%arg24 : memref<!tpu.dma_semaphore, #tpu.memory_space<semaphore_mem>>) {add = true}
    %dma_wait3A_312 = arith.constant 2048 : i32
    %dma_wait3A_313 = tpu.memref_slice %arg13[%dma_wait3A_312] : memref<8192xi32, #tpu.memory_space<vmem>> -> memref<256xi32, #tpu.memory_space<vmem>>
    %dma_wait3A_314 = arith.constant 0 : i32
    %dma_wait3A_315 = arith.constant 0 : i32
    %dma_wait3A_316 = tpu.memref_slice %arg11[%dma_wait3A_314, %dma_wait3A_315] : memref<1384x128xf32, #tpu.memory_space<vmem_shared>> -> memref<1384x128xf32, #tpu.memory_space<vmem_shared>>
    tpu.wait_indirect_dma semaphore(%arg26 : memref<!tpu.dma_semaphore, #tpu.memory_space<semaphore_mem>>) src(%dma_wait3A_316 : memref<1384x128xf32, #tpu.memory_space<vmem_shared>>) dst(%arg16 : memref<256x128xf32, #tpu.memory_space<vmem>>)
    %add3A_317 = arith.constant 2048 : i32
    %add3A_318 = arith.addi %mul3A_2, %add3A_317 : i32
    %dma_start3A_319 = arith.constant 0 : i32
    %dma_start3A_320 = tpu.memref_slice %arg10[%add3A_318, %dma_start3A_319] : memref<262144x128xf32, #tpu.memory_space<hbm>> -> memref<256x128xf32, #tpu.memory_space<hbm>>
    %dma_start3A_321 = arith.constant 0 : i32
    %dma_start3A_322 = tpu.memref_slice %arg10[%add3A_318, %dma_start3A_321] : memref<262144x128xf32, #tpu.memory_space<hbm>> -> memref<256x128xf32, #tpu.memory_space<hbm>>
    tpu.enqueue_dma source(%arg16 : memref<256x128xf32, #tpu.memory_space<vmem>>) target(%dma_start3A_322 : memref<256x128xf32, #tpu.memory_space<hbm>>) target_semaphore(%arg29 : memref<!tpu.dma_semaphore, #tpu.memory_space<semaphore_mem>>)
    %dma_wait3A_323 = arith.constant 0 : i32
    %dma_wait3A_324 = tpu.memref_slice %arg10[%add3A_318, %dma_wait3A_323] : memref<262144x128xf32, #tpu.memory_space<hbm>> -> memref<256x128xf32, #tpu.memory_space<hbm>>
    %dma_wait3A_325 = arith.constant 0 : i32
    %dma_wait3A_326 = tpu.memref_slice %arg10[%add3A_318, %dma_wait3A_325] : memref<262144x128xf32, #tpu.memory_space<hbm>> -> memref<256x128xf32, #tpu.memory_space<hbm>>
    tpu.wait_dma2 semaphore(%arg29 : memref<!tpu.dma_semaphore, #tpu.memory_space<semaphore_mem>>) src(%arg16 : memref<256x128xf32, #tpu.memory_space<vmem>>) dst(%dma_wait3A_326 : memref<256x128xf32, #tpu.memory_space<hbm>>)
    %dma_start3A_327 = arith.constant 2816 : i32
    %dma_start3A_328 = tpu.memref_slice %arg12[%dma_start3A_327] : memref<8192xi32, #tpu.memory_space<vmem>> -> memref<256xi32, #tpu.memory_space<vmem>>
    %dma_start3A_329 = arith.constant 0 : i32
    %dma_start3A_330 = arith.constant 0 : i32
    %dma_start3A_331 = tpu.memref_slice %arg11[%dma_start3A_329, %dma_start3A_330] : memref<1384x128xf32, #tpu.memory_space<vmem_shared>> -> memref<1384x128xf32, #tpu.memory_space<vmem_shared>>
    tpu.enqueue_indirect_dma source(%dma_start3A_331 : memref<1384x128xf32, #tpu.memory_space<vmem_shared>>) target(%arg16 : memref<256x128xf32, #tpu.memory_space<vmem>>) offsets(%dma_start3A_328 : memref<256xi32, #tpu.memory_space<vmem>>) semaphore(%arg23 : memref<!tpu.dma_semaphore, #tpu.memory_space<semaphore_mem>>)
    %dma_wait3A_332 = arith.constant 2560 : i32
    %dma_wait3A_333 = tpu.memref_slice %arg12[%dma_wait3A_332] : memref<8192xi32, #tpu.memory_space<vmem>> -> memref<256xi32, #tpu.memory_space<vmem>>
    %dma_wait3A_334 = arith.constant 0 : i32
    %dma_wait3A_335 = arith.constant 0 : i32
    %dma_wait3A_336 = tpu.memref_slice %arg11[%dma_wait3A_334, %dma_wait3A_335] : memref<1384x128xf32, #tpu.memory_space<vmem_shared>> -> memref<1384x128xf32, #tpu.memory_space<vmem_shared>>
    tpu.wait_indirect_dma semaphore(%arg22 : memref<!tpu.dma_semaphore, #tpu.memory_space<semaphore_mem>>) src(%dma_wait3A_336 : memref<1384x128xf32, #tpu.memory_space<vmem_shared>>) dst(%arg15 : memref<256x128xf32, #tpu.memory_space<vmem>>)
    %dma_start3A_337 = arith.constant 2560 : i32
    %dma_start3A_338 = tpu.memref_slice %arg13[%dma_start3A_337] : memref<8192xi32, #tpu.memory_space<vmem>> -> memref<256xi32, #tpu.memory_space<vmem>>
    %dma_start3A_339 = arith.constant 0 : i32
    %dma_start3A_340 = arith.constant 0 : i32
    %dma_start3A_341 = tpu.memref_slice %arg11[%dma_start3A_339, %dma_start3A_340] : memref<1384x128xf32, #tpu.memory_space<vmem_shared>> -> memref<1384x128xf32, #tpu.memory_space<vmem_shared>>
    tpu.enqueue_indirect_dma source(%dma_start3A_341 : memref<1384x128xf32, #tpu.memory_space<vmem_shared>>) target(%arg15 : memref<256x128xf32, #tpu.memory_space<vmem>>) offsets(%dma_start3A_338 : memref<256xi32, #tpu.memory_space<vmem>>) semaphore(%arg25 : memref<!tpu.dma_semaphore, #tpu.memory_space<semaphore_mem>>) {add = true}
    %dma_wait3A_342 = arith.constant 2304 : i32
    %dma_wait3A_343 = tpu.memref_slice %arg13[%dma_wait3A_342] : memref<8192xi32, #tpu.memory_space<vmem>> -> memref<256xi32, #tpu.memory_space<vmem>>
    %dma_wait3A_344 = arith.constant 0 : i32
    %dma_wait3A_345 = arith.constant 0 : i32
    %dma_wait3A_346 = tpu.memref_slice %arg11[%dma_wait3A_344, %dma_wait3A_345] : memref<1384x128xf32, #tpu.memory_space<vmem_shared>> -> memref<1384x128xf32, #tpu.memory_space<vmem_shared>>
    tpu.wait_indirect_dma semaphore(%arg24 : memref<!tpu.dma_semaphore, #tpu.memory_space<semaphore_mem>>) src(%dma_wait3A_346 : memref<1384x128xf32, #tpu.memory_space<vmem_shared>>) dst(%arg14 : memref<256x128xf32, #tpu.memory_space<vmem>>)
    %add3A_347 = arith.constant 2304 : i32
    %add3A_348 = arith.addi %mul3A_2, %add3A_347 : i32
    %dma_start3A_349 = arith.constant 0 : i32
    %dma_start3A_350 = tpu.memref_slice %arg10[%add3A_348, %dma_start3A_349] : memref<262144x128xf32, #tpu.memory_space<hbm>> -> memref<256x128xf32, #tpu.memory_space<hbm>>
    %dma_start3A_351 = arith.constant 0 : i32
    %dma_start3A_352 = tpu.memref_slice %arg10[%add3A_348, %dma_start3A_351] : memref<262144x128xf32, #tpu.memory_space<hbm>> -> memref<256x128xf32, #tpu.memory_space<hbm>>
    tpu.enqueue_dma source(%arg14 : memref<256x128xf32, #tpu.memory_space<vmem>>) target(%dma_start3A_352 : memref<256x128xf32, #tpu.memory_space<hbm>>) target_semaphore(%arg27 : memref<!tpu.dma_semaphore, #tpu.memory_space<semaphore_mem>>)
    %dma_wait3A_353 = arith.constant 0 : i32
    %dma_wait3A_354 = tpu.memref_slice %arg10[%add3A_348, %dma_wait3A_353] : memref<262144x128xf32, #tpu.memory_space<hbm>> -> memref<256x128xf32, #tpu.memory_space<hbm>>
    %dma_wait3A_355 = arith.constant 0 : i32
    %dma_wait3A_356 = tpu.memref_slice %arg10[%add3A_348, %dma_wait3A_355] : memref<262144x128xf32, #tpu.memory_space<hbm>> -> memref<256x128xf32, #tpu.memory_space<hbm>>
    tpu.wait_dma2 semaphore(%arg27 : memref<!tpu.dma_semaphore, #tpu.memory_space<semaphore_mem>>) src(%arg14 : memref<256x128xf32, #tpu.memory_space<vmem>>) dst(%dma_wait3A_356 : memref<256x128xf32, #tpu.memory_space<hbm>>)
    %dma_start3A_357 = arith.constant 3072 : i32
    %dma_start3A_358 = tpu.memref_slice %arg12[%dma_start3A_357] : memref<8192xi32, #tpu.memory_space<vmem>> -> memref<256xi32, #tpu.memory_space<vmem>>
    %dma_start3A_359 = arith.constant 0 : i32
    %dma_start3A_360 = arith.constant 0 : i32
    %dma_start3A_361 = tpu.memref_slice %arg11[%dma_start3A_359, %dma_start3A_360] : memref<1384x128xf32, #tpu.memory_space<vmem_shared>> -> memref<1384x128xf32, #tpu.memory_space<vmem_shared>>
    tpu.enqueue_indirect_dma source(%dma_start3A_361 : memref<1384x128xf32, #tpu.memory_space<vmem_shared>>) target(%arg14 : memref<256x128xf32, #tpu.memory_space<vmem>>) offsets(%dma_start3A_358 : memref<256xi32, #tpu.memory_space<vmem>>) semaphore(%arg21 : memref<!tpu.dma_semaphore, #tpu.memory_space<semaphore_mem>>)
    %dma_wait3A_362 = arith.constant 2816 : i32
    %dma_wait3A_363 = tpu.memref_slice %arg12[%dma_wait3A_362] : memref<8192xi32, #tpu.memory_space<vmem>> -> memref<256xi32, #tpu.memory_space<vmem>>
    %dma_wait3A_364 = arith.constant 0 : i32
    %dma_wait3A_365 = arith.constant 0 : i32
    %dma_wait3A_366 = tpu.memref_slice %arg11[%dma_wait3A_364, %dma_wait3A_365] : memref<1384x128xf32, #tpu.memory_space<vmem_shared>> -> memref<1384x128xf32, #tpu.memory_space<vmem_shared>>
    tpu.wait_indirect_dma semaphore(%arg23 : memref<!tpu.dma_semaphore, #tpu.memory_space<semaphore_mem>>) src(%dma_wait3A_366 : memref<1384x128xf32, #tpu.memory_space<vmem_shared>>) dst(%arg16 : memref<256x128xf32, #tpu.memory_space<vmem>>)
    %dma_start3A_367 = arith.constant 2816 : i32
    %dma_start3A_368 = tpu.memref_slice %arg13[%dma_start3A_367] : memref<8192xi32, #tpu.memory_space<vmem>> -> memref<256xi32, #tpu.memory_space<vmem>>
    %dma_start3A_369 = arith.constant 0 : i32
    %dma_start3A_370 = arith.constant 0 : i32
    %dma_start3A_371 = tpu.memref_slice %arg11[%dma_start3A_369, %dma_start3A_370] : memref<1384x128xf32, #tpu.memory_space<vmem_shared>> -> memref<1384x128xf32, #tpu.memory_space<vmem_shared>>
    tpu.enqueue_indirect_dma source(%dma_start3A_371 : memref<1384x128xf32, #tpu.memory_space<vmem_shared>>) target(%arg16 : memref<256x128xf32, #tpu.memory_space<vmem>>) offsets(%dma_start3A_368 : memref<256xi32, #tpu.memory_space<vmem>>) semaphore(%arg26 : memref<!tpu.dma_semaphore, #tpu.memory_space<semaphore_mem>>) {add = true}
    %dma_wait3A_372 = arith.constant 2560 : i32
    %dma_wait3A_373 = tpu.memref_slice %arg13[%dma_wait3A_372] : memref<8192xi32, #tpu.memory_space<vmem>> -> memref<256xi32, #tpu.memory_space<vmem>>
    %dma_wait3A_374 = arith.constant 0 : i32
    %dma_wait3A_375 = arith.constant 0 : i32
    %dma_wait3A_376 = tpu.memref_slice %arg11[%dma_wait3A_374, %dma_wait3A_375] : memref<1384x128xf32, #tpu.memory_space<vmem_shared>> -> memref<1384x128xf32, #tpu.memory_space<vmem_shared>>
    tpu.wait_indirect_dma semaphore(%arg25 : memref<!tpu.dma_semaphore, #tpu.memory_space<semaphore_mem>>) src(%dma_wait3A_376 : memref<1384x128xf32, #tpu.memory_space<vmem_shared>>) dst(%arg15 : memref<256x128xf32, #tpu.memory_space<vmem>>)
    %add3A_377 = arith.constant 2560 : i32
    %add3A_378 = arith.addi %mul3A_2, %add3A_377 : i32
    %dma_start3A_379 = arith.constant 0 : i32
    %dma_start3A_380 = tpu.memref_slice %arg10[%add3A_378, %dma_start3A_379] : memref<262144x128xf32, #tpu.memory_space<hbm>> -> memref<256x128xf32, #tpu.memory_space<hbm>>
    %dma_start3A_381 = arith.constant 0 : i32
    %dma_start3A_382 = tpu.memref_slice %arg10[%add3A_378, %dma_start3A_381] : memref<262144x128xf32, #tpu.memory_space<hbm>> -> memref<256x128xf32, #tpu.memory_space<hbm>>
    tpu.enqueue_dma source(%arg15 : memref<256x128xf32, #tpu.memory_space<vmem>>) target(%dma_start3A_382 : memref<256x128xf32, #tpu.memory_space<hbm>>) target_semaphore(%arg28 : memref<!tpu.dma_semaphore, #tpu.memory_space<semaphore_mem>>)
    %dma_wait3A_383 = arith.constant 0 : i32
    %dma_wait3A_384 = tpu.memref_slice %arg10[%add3A_378, %dma_wait3A_383] : memref<262144x128xf32, #tpu.memory_space<hbm>> -> memref<256x128xf32, #tpu.memory_space<hbm>>
    %dma_wait3A_385 = arith.constant 0 : i32
    %dma_wait3A_386 = tpu.memref_slice %arg10[%add3A_378, %dma_wait3A_385] : memref<262144x128xf32, #tpu.memory_space<hbm>> -> memref<256x128xf32, #tpu.memory_space<hbm>>
    tpu.wait_dma2 semaphore(%arg28 : memref<!tpu.dma_semaphore, #tpu.memory_space<semaphore_mem>>) src(%arg15 : memref<256x128xf32, #tpu.memory_space<vmem>>) dst(%dma_wait3A_386 : memref<256x128xf32, #tpu.memory_space<hbm>>)
    %dma_start3A_387 = arith.constant 3328 : i32
    %dma_start3A_388 = tpu.memref_slice %arg12[%dma_start3A_387] : memref<8192xi32, #tpu.memory_space<vmem>> -> memref<256xi32, #tpu.memory_space<vmem>>
    %dma_start3A_389 = arith.constant 0 : i32
    %dma_start3A_390 = arith.constant 0 : i32
    %dma_start3A_391 = tpu.memref_slice %arg11[%dma_start3A_389, %dma_start3A_390] : memref<1384x128xf32, #tpu.memory_space<vmem_shared>> -> memref<1384x128xf32, #tpu.memory_space<vmem_shared>>
    tpu.enqueue_indirect_dma source(%dma_start3A_391 : memref<1384x128xf32, #tpu.memory_space<vmem_shared>>) target(%arg15 : memref<256x128xf32, #tpu.memory_space<vmem>>) offsets(%dma_start3A_388 : memref<256xi32, #tpu.memory_space<vmem>>) semaphore(%arg22 : memref<!tpu.dma_semaphore, #tpu.memory_space<semaphore_mem>>)
    %dma_wait3A_392 = arith.constant 3072 : i32
    %dma_wait3A_393 = tpu.memref_slice %arg12[%dma_wait3A_392] : memref<8192xi32, #tpu.memory_space<vmem>> -> memref<256xi32, #tpu.memory_space<vmem>>
    %dma_wait3A_394 = arith.constant 0 : i32
    %dma_wait3A_395 = arith.constant 0 : i32
    %dma_wait3A_396 = tpu.memref_slice %arg11[%dma_wait3A_394, %dma_wait3A_395] : memref<1384x128xf32, #tpu.memory_space<vmem_shared>> -> memref<1384x128xf32, #tpu.memory_space<vmem_shared>>
    tpu.wait_indirect_dma semaphore(%arg21 : memref<!tpu.dma_semaphore, #tpu.memory_space<semaphore_mem>>) src(%dma_wait3A_396 : memref<1384x128xf32, #tpu.memory_space<vmem_shared>>) dst(%arg14 : memref<256x128xf32, #tpu.memory_space<vmem>>)
    %dma_start3A_397 = arith.constant 3072 : i32
    %dma_start3A_398 = tpu.memref_slice %arg13[%dma_start3A_397] : memref<8192xi32, #tpu.memory_space<vmem>> -> memref<256xi32, #tpu.memory_space<vmem>>
    %dma_start3A_399 = arith.constant 0 : i32
    %dma_start3A_400 = arith.constant 0 : i32
    %dma_start3A_401 = tpu.memref_slice %arg11[%dma_start3A_399, %dma_start3A_400] : memref<1384x128xf32, #tpu.memory_space<vmem_shared>> -> memref<1384x128xf32, #tpu.memory_space<vmem_shared>>
    tpu.enqueue_indirect_dma source(%dma_start3A_401 : memref<1384x128xf32, #tpu.memory_space<vmem_shared>>) target(%arg14 : memref<256x128xf32, #tpu.memory_space<vmem>>) offsets(%dma_start3A_398 : memref<256xi32, #tpu.memory_space<vmem>>) semaphore(%arg24 : memref<!tpu.dma_semaphore, #tpu.memory_space<semaphore_mem>>) {add = true}
    %dma_wait3A_402 = arith.constant 2816 : i32
    %dma_wait3A_403 = tpu.memref_slice %arg13[%dma_wait3A_402] : memref<8192xi32, #tpu.memory_space<vmem>> -> memref<256xi32, #tpu.memory_space<vmem>>
    %dma_wait3A_404 = arith.constant 0 : i32
    %dma_wait3A_405 = arith.constant 0 : i32
    %dma_wait3A_406 = tpu.memref_slice %arg11[%dma_wait3A_404, %dma_wait3A_405] : memref<1384x128xf32, #tpu.memory_space<vmem_shared>> -> memref<1384x128xf32, #tpu.memory_space<vmem_shared>>
    tpu.wait_indirect_dma semaphore(%arg26 : memref<!tpu.dma_semaphore, #tpu.memory_space<semaphore_mem>>) src(%dma_wait3A_406 : memref<1384x128xf32, #tpu.memory_space<vmem_shared>>) dst(%arg16 : memref<256x128xf32, #tpu.memory_space<vmem>>)
    %add3A_407 = arith.constant 2816 : i32
    %add3A_408 = arith.addi %mul3A_2, %add3A_407 : i32
    %dma_start3A_409 = arith.constant 0 : i32
    %dma_start3A_410 = tpu.memref_slice %arg10[%add3A_408, %dma_start3A_409] : memref<262144x128xf32, #tpu.memory_space<hbm>> -> memref<256x128xf32, #tpu.memory_space<hbm>>
    %dma_start3A_411 = arith.constant 0 : i32
    %dma_start3A_412 = tpu.memref_slice %arg10[%add3A_408, %dma_start3A_411] : memref<262144x128xf32, #tpu.memory_space<hbm>> -> memref<256x128xf32, #tpu.memory_space<hbm>>
    tpu.enqueue_dma source(%arg16 : memref<256x128xf32, #tpu.memory_space<vmem>>) target(%dma_start3A_412 : memref<256x128xf32, #tpu.memory_space<hbm>>) target_semaphore(%arg29 : memref<!tpu.dma_semaphore, #tpu.memory_space<semaphore_mem>>)
    %dma_wait3A_413 = arith.constant 0 : i32
    %dma_wait3A_414 = tpu.memref_slice %arg10[%add3A_408, %dma_wait3A_413] : memref<262144x128xf32, #tpu.memory_space<hbm>> -> memref<256x128xf32, #tpu.memory_space<hbm>>
    %dma_wait3A_415 = arith.constant 0 : i32
    %dma_wait3A_416 = tpu.memref_slice %arg10[%add3A_408, %dma_wait3A_415] : memref<262144x128xf32, #tpu.memory_space<hbm>> -> memref<256x128xf32, #tpu.memory_space<hbm>>
    tpu.wait_dma2 semaphore(%arg29 : memref<!tpu.dma_semaphore, #tpu.memory_space<semaphore_mem>>) src(%arg16 : memref<256x128xf32, #tpu.memory_space<vmem>>) dst(%dma_wait3A_416 : memref<256x128xf32, #tpu.memory_space<hbm>>)
    %dma_start3A_417 = arith.constant 3584 : i32
    %dma_start3A_418 = tpu.memref_slice %arg12[%dma_start3A_417] : memref<8192xi32, #tpu.memory_space<vmem>> -> memref<256xi32, #tpu.memory_space<vmem>>
    %dma_start3A_419 = arith.constant 0 : i32
    %dma_start3A_420 = arith.constant 0 : i32
    %dma_start3A_421 = tpu.memref_slice %arg11[%dma_start3A_419, %dma_start3A_420] : memref<1384x128xf32, #tpu.memory_space<vmem_shared>> -> memref<1384x128xf32, #tpu.memory_space<vmem_shared>>
    tpu.enqueue_indirect_dma source(%dma_start3A_421 : memref<1384x128xf32, #tpu.memory_space<vmem_shared>>) target(%arg16 : memref<256x128xf32, #tpu.memory_space<vmem>>) offsets(%dma_start3A_418 : memref<256xi32, #tpu.memory_space<vmem>>) semaphore(%arg23 : memref<!tpu.dma_semaphore, #tpu.memory_space<semaphore_mem>>)
    %dma_wait3A_422 = arith.constant 3328 : i32
    %dma_wait3A_423 = tpu.memref_slice %arg12[%dma_wait3A_422] : memref<8192xi32, #tpu.memory_space<vmem>> -> memref<256xi32, #tpu.memory_space<vmem>>
    %dma_wait3A_424 = arith.constant 0 : i32
    %dma_wait3A_425 = arith.constant 0 : i32
    %dma_wait3A_426 = tpu.memref_slice %arg11[%dma_wait3A_424, %dma_wait3A_425] : memref<1384x128xf32, #tpu.memory_space<vmem_shared>> -> memref<1384x128xf32, #tpu.memory_space<vmem_shared>>
    tpu.wait_indirect_dma semaphore(%arg22 : memref<!tpu.dma_semaphore, #tpu.memory_space<semaphore_mem>>) src(%dma_wait3A_426 : memref<1384x128xf32, #tpu.memory_space<vmem_shared>>) dst(%arg15 : memref<256x128xf32, #tpu.memory_space<vmem>>)
    %dma_start3A_427 = arith.constant 3328 : i32
    %dma_start3A_428 = tpu.memref_slice %arg13[%dma_start3A_427] : memref<8192xi32, #tpu.memory_space<vmem>> -> memref<256xi32, #tpu.memory_space<vmem>>
    %dma_start3A_429 = arith.constant 0 : i32
    %dma_start3A_430 = arith.constant 0 : i32
    %dma_start3A_431 = tpu.memref_slice %arg11[%dma_start3A_429, %dma_start3A_430] : memref<1384x128xf32, #tpu.memory_space<vmem_shared>> -> memref<1384x128xf32, #tpu.memory_space<vmem_shared>>
    tpu.enqueue_indirect_dma source(%dma_start3A_431 : memref<1384x128xf32, #tpu.memory_space<vmem_shared>>) target(%arg15 : memref<256x128xf32, #tpu.memory_space<vmem>>) offsets(%dma_start3A_428 : memref<256xi32, #tpu.memory_space<vmem>>) semaphore(%arg25 : memref<!tpu.dma_semaphore, #tpu.memory_space<semaphore_mem>>) {add = true}
    %dma_wait3A_432 = arith.constant 3072 : i32
    %dma_wait3A_433 = tpu.memref_slice %arg13[%dma_wait3A_432] : memref<8192xi32, #tpu.memory_space<vmem>> -> memref<256xi32, #tpu.memory_space<vmem>>
    %dma_wait3A_434 = arith.constant 0 : i32
    %dma_wait3A_435 = arith.constant 0 : i32
    %dma_wait3A_436 = tpu.memref_slice %arg11[%dma_wait3A_434, %dma_wait3A_435] : memref<1384x128xf32, #tpu.memory_space<vmem_shared>> -> memref<1384x128xf32, #tpu.memory_space<vmem_shared>>
    tpu.wait_indirect_dma semaphore(%arg24 : memref<!tpu.dma_semaphore, #tpu.memory_space<semaphore_mem>>) src(%dma_wait3A_436 : memref<1384x128xf32, #tpu.memory_space<vmem_shared>>) dst(%arg14 : memref<256x128xf32, #tpu.memory_space<vmem>>)
    %add3A_437 = arith.constant 3072 : i32
    %add3A_438 = arith.addi %mul3A_2, %add3A_437 : i32
    %dma_start3A_439 = arith.constant 0 : i32
    %dma_start3A_440 = tpu.memref_slice %arg10[%add3A_438, %dma_start3A_439] : memref<262144x128xf32, #tpu.memory_space<hbm>> -> memref<256x128xf32, #tpu.memory_space<hbm>>
    %dma_start3A_441 = arith.constant 0 : i32
    %dma_start3A_442 = tpu.memref_slice %arg10[%add3A_438, %dma_start3A_441] : memref<262144x128xf32, #tpu.memory_space<hbm>> -> memref<256x128xf32, #tpu.memory_space<hbm>>
    tpu.enqueue_dma source(%arg14 : memref<256x128xf32, #tpu.memory_space<vmem>>) target(%dma_start3A_442 : memref<256x128xf32, #tpu.memory_space<hbm>>) target_semaphore(%arg27 : memref<!tpu.dma_semaphore, #tpu.memory_space<semaphore_mem>>)
    %dma_wait3A_443 = arith.constant 0 : i32
    %dma_wait3A_444 = tpu.memref_slice %arg10[%add3A_438, %dma_wait3A_443] : memref<262144x128xf32, #tpu.memory_space<hbm>> -> memref<256x128xf32, #tpu.memory_space<hbm>>
    %dma_wait3A_445 = arith.constant 0 : i32
    %dma_wait3A_446 = tpu.memref_slice %arg10[%add3A_438, %dma_wait3A_445] : memref<262144x128xf32, #tpu.memory_space<hbm>> -> memref<256x128xf32, #tpu.memory_space<hbm>>
    tpu.wait_dma2 semaphore(%arg27 : memref<!tpu.dma_semaphore, #tpu.memory_space<semaphore_mem>>) src(%arg14 : memref<256x128xf32, #tpu.memory_space<vmem>>) dst(%dma_wait3A_446 : memref<256x128xf32, #tpu.memory_space<hbm>>)
    %dma_start3A_447 = arith.constant 3840 : i32
    %dma_start3A_448 = tpu.memref_slice %arg12[%dma_start3A_447] : memref<8192xi32, #tpu.memory_space<vmem>> -> memref<256xi32, #tpu.memory_space<vmem>>
    %dma_start3A_449 = arith.constant 0 : i32
    %dma_start3A_450 = arith.constant 0 : i32
    %dma_start3A_451 = tpu.memref_slice %arg11[%dma_start3A_449, %dma_start3A_450] : memref<1384x128xf32, #tpu.memory_space<vmem_shared>> -> memref<1384x128xf32, #tpu.memory_space<vmem_shared>>
    tpu.enqueue_indirect_dma source(%dma_start3A_451 : memref<1384x128xf32, #tpu.memory_space<vmem_shared>>) target(%arg14 : memref<256x128xf32, #tpu.memory_space<vmem>>) offsets(%dma_start3A_448 : memref<256xi32, #tpu.memory_space<vmem>>) semaphore(%arg21 : memref<!tpu.dma_semaphore, #tpu.memory_space<semaphore_mem>>)
    %dma_wait3A_452 = arith.constant 3584 : i32
    %dma_wait3A_453 = tpu.memref_slice %arg12[%dma_wait3A_452] : memref<8192xi32, #tpu.memory_space<vmem>> -> memref<256xi32, #tpu.memory_space<vmem>>
    %dma_wait3A_454 = arith.constant 0 : i32
    %dma_wait3A_455 = arith.constant 0 : i32
    %dma_wait3A_456 = tpu.memref_slice %arg11[%dma_wait3A_454, %dma_wait3A_455] : memref<1384x128xf32, #tpu.memory_space<vmem_shared>> -> memref<1384x128xf32, #tpu.memory_space<vmem_shared>>
    tpu.wait_indirect_dma semaphore(%arg23 : memref<!tpu.dma_semaphore, #tpu.memory_space<semaphore_mem>>) src(%dma_wait3A_456 : memref<1384x128xf32, #tpu.memory_space<vmem_shared>>) dst(%arg16 : memref<256x128xf32, #tpu.memory_space<vmem>>)
    %dma_start3A_457 = arith.constant 3584 : i32
    %dma_start3A_458 = tpu.memref_slice %arg13[%dma_start3A_457] : memref<8192xi32, #tpu.memory_space<vmem>> -> memref<256xi32, #tpu.memory_space<vmem>>
    %dma_start3A_459 = arith.constant 0 : i32
    %dma_start3A_460 = arith.constant 0 : i32
    %dma_start3A_461 = tpu.memref_slice %arg11[%dma_start3A_459, %dma_start3A_460] : memref<1384x128xf32, #tpu.memory_space<vmem_shared>> -> memref<1384x128xf32, #tpu.memory_space<vmem_shared>>
    tpu.enqueue_indirect_dma source(%dma_start3A_461 : memref<1384x128xf32, #tpu.memory_space<vmem_shared>>) target(%arg16 : memref<256x128xf32, #tpu.memory_space<vmem>>) offsets(%dma_start3A_458 : memref<256xi32, #tpu.memory_space<vmem>>) semaphore(%arg26 : memref<!tpu.dma_semaphore, #tpu.memory_space<semaphore_mem>>) {add = true}
    %dma_wait3A_462 = arith.constant 3328 : i32
    %dma_wait3A_463 = tpu.memref_slice %arg13[%dma_wait3A_462] : memref<8192xi32, #tpu.memory_space<vmem>> -> memref<256xi32, #tpu.memory_space<vmem>>
    %dma_wait3A_464 = arith.constant 0 : i32
    %dma_wait3A_465 = arith.constant 0 : i32
    %dma_wait3A_466 = tpu.memref_slice %arg11[%dma_wait3A_464, %dma_wait3A_465] : memref<1384x128xf32, #tpu.memory_space<vmem_shared>> -> memref<1384x128xf32, #tpu.memory_space<vmem_shared>>
    tpu.wait_indirect_dma semaphore(%arg25 : memref<!tpu.dma_semaphore, #tpu.memory_space<semaphore_mem>>) src(%dma_wait3A_466 : memref<1384x128xf32, #tpu.memory_space<vmem_shared>>) dst(%arg15 : memref<256x128xf32, #tpu.memory_space<vmem>>)
    %add3A_467 = arith.constant 3328 : i32
    %add3A_468 = arith.addi %mul3A_2, %add3A_467 : i32
    %dma_start3A_469 = arith.constant 0 : i32
    %dma_start3A_470 = tpu.memref_slice %arg10[%add3A_468, %dma_start3A_469] : memref<262144x128xf32, #tpu.memory_space<hbm>> -> memref<256x128xf32, #tpu.memory_space<hbm>>
    %dma_start3A_471 = arith.constant 0 : i32
    %dma_start3A_472 = tpu.memref_slice %arg10[%add3A_468, %dma_start3A_471] : memref<262144x128xf32, #tpu.memory_space<hbm>> -> memref<256x128xf32, #tpu.memory_space<hbm>>
    tpu.enqueue_dma source(%arg15 : memref<256x128xf32, #tpu.memory_space<vmem>>) target(%dma_start3A_472 : memref<256x128xf32, #tpu.memory_space<hbm>>) target_semaphore(%arg28 : memref<!tpu.dma_semaphore, #tpu.memory_space<semaphore_mem>>)
    %dma_wait3A_473 = arith.constant 0 : i32
    %dma_wait3A_474 = tpu.memref_slice %arg10[%add3A_468, %dma_wait3A_473] : memref<262144x128xf32, #tpu.memory_space<hbm>> -> memref<256x128xf32, #tpu.memory_space<hbm>>
    %dma_wait3A_475 = arith.constant 0 : i32
    %dma_wait3A_476 = tpu.memref_slice %arg10[%add3A_468, %dma_wait3A_475] : memref<262144x128xf32, #tpu.memory_space<hbm>> -> memref<256x128xf32, #tpu.memory_space<hbm>>
    tpu.wait_dma2 semaphore(%arg28 : memref<!tpu.dma_semaphore, #tpu.memory_space<semaphore_mem>>) src(%arg15 : memref<256x128xf32, #tpu.memory_space<vmem>>) dst(%dma_wait3A_476 : memref<256x128xf32, #tpu.memory_space<hbm>>)
    %dma_start3A_477 = arith.constant 4096 : i32
    %dma_start3A_478 = tpu.memref_slice %arg12[%dma_start3A_477] : memref<8192xi32, #tpu.memory_space<vmem>> -> memref<256xi32, #tpu.memory_space<vmem>>
    %dma_start3A_479 = arith.constant 0 : i32
    %dma_start3A_480 = arith.constant 0 : i32
    %dma_start3A_481 = tpu.memref_slice %arg11[%dma_start3A_479, %dma_start3A_480] : memref<1384x128xf32, #tpu.memory_space<vmem_shared>> -> memref<1384x128xf32, #tpu.memory_space<vmem_shared>>
    tpu.enqueue_indirect_dma source(%dma_start3A_481 : memref<1384x128xf32, #tpu.memory_space<vmem_shared>>) target(%arg15 : memref<256x128xf32, #tpu.memory_space<vmem>>) offsets(%dma_start3A_478 : memref<256xi32, #tpu.memory_space<vmem>>) semaphore(%arg22 : memref<!tpu.dma_semaphore, #tpu.memory_space<semaphore_mem>>)
    %dma_wait3A_482 = arith.constant 3840 : i32
    %dma_wait3A_483 = tpu.memref_slice %arg12[%dma_wait3A_482] : memref<8192xi32, #tpu.memory_space<vmem>> -> memref<256xi32, #tpu.memory_space<vmem>>
    %dma_wait3A_484 = arith.constant 0 : i32
    %dma_wait3A_485 = arith.constant 0 : i32
    %dma_wait3A_486 = tpu.memref_slice %arg11[%dma_wait3A_484, %dma_wait3A_485] : memref<1384x128xf32, #tpu.memory_space<vmem_shared>> -> memref<1384x128xf32, #tpu.memory_space<vmem_shared>>
    tpu.wait_indirect_dma semaphore(%arg21 : memref<!tpu.dma_semaphore, #tpu.memory_space<semaphore_mem>>) src(%dma_wait3A_486 : memref<1384x128xf32, #tpu.memory_space<vmem_shared>>) dst(%arg14 : memref<256x128xf32, #tpu.memory_space<vmem>>)
    %dma_start3A_487 = arith.constant 3840 : i32
    %dma_start3A_488 = tpu.memref_slice %arg13[%dma_start3A_487] : memref<8192xi32, #tpu.memory_space<vmem>> -> memref<256xi32, #tpu.memory_space<vmem>>
    %dma_start3A_489 = arith.constant 0 : i32
    %dma_start3A_490 = arith.constant 0 : i32
    %dma_start3A_491 = tpu.memref_slice %arg11[%dma_start3A_489, %dma_start3A_490] : memref<1384x128xf32, #tpu.memory_space<vmem_shared>> -> memref<1384x128xf32, #tpu.memory_space<vmem_shared>>
    tpu.enqueue_indirect_dma source(%dma_start3A_491 : memref<1384x128xf32, #tpu.memory_space<vmem_shared>>) target(%arg14 : memref<256x128xf32, #tpu.memory_space<vmem>>) offsets(%dma_start3A_488 : memref<256xi32, #tpu.memory_space<vmem>>) semaphore(%arg24 : memref<!tpu.dma_semaphore, #tpu.memory_space<semaphore_mem>>) {add = true}
    %dma_wait3A_492 = arith.constant 3584 : i32
    %dma_wait3A_493 = tpu.memref_slice %arg13[%dma_wait3A_492] : memref<8192xi32, #tpu.memory_space<vmem>> -> memref<256xi32, #tpu.memory_space<vmem>>
    %dma_wait3A_494 = arith.constant 0 : i32
    %dma_wait3A_495 = arith.constant 0 : i32
    %dma_wait3A_496 = tpu.memref_slice %arg11[%dma_wait3A_494, %dma_wait3A_495] : memref<1384x128xf32, #tpu.memory_space<vmem_shared>> -> memref<1384x128xf32, #tpu.memory_space<vmem_shared>>
    tpu.wait_indirect_dma semaphore(%arg26 : memref<!tpu.dma_semaphore, #tpu.memory_space<semaphore_mem>>) src(%dma_wait3A_496 : memref<1384x128xf32, #tpu.memory_space<vmem_shared>>) dst(%arg16 : memref<256x128xf32, #tpu.memory_space<vmem>>)
    %add3A_497 = arith.constant 3584 : i32
    %add3A_498 = arith.addi %mul3A_2, %add3A_497 : i32
    %dma_start3A_499 = arith.constant 0 : i32
    %dma_start3A_500 = tpu.memref_slice %arg10[%add3A_498, %dma_start3A_499] : memref<262144x128xf32, #tpu.memory_space<hbm>> -> memref<256x128xf32, #tpu.memory_space<hbm>>
    %dma_start3A_501 = arith.constant 0 : i32
    %dma_start3A_502 = tpu.memref_slice %arg10[%add3A_498, %dma_start3A_501] : memref<262144x128xf32, #tpu.memory_space<hbm>> -> memref<256x128xf32, #tpu.memory_space<hbm>>
    tpu.enqueue_dma source(%arg16 : memref<256x128xf32, #tpu.memory_space<vmem>>) target(%dma_start3A_502 : memref<256x128xf32, #tpu.memory_space<hbm>>) target_semaphore(%arg29 : memref<!tpu.dma_semaphore, #tpu.memory_space<semaphore_mem>>)
    %dma_wait3A_503 = arith.constant 0 : i32
    %dma_wait3A_504 = tpu.memref_slice %arg10[%add3A_498, %dma_wait3A_503] : memref<262144x128xf32, #tpu.memory_space<hbm>> -> memref<256x128xf32, #tpu.memory_space<hbm>>
    %dma_wait3A_505 = arith.constant 0 : i32
    %dma_wait3A_506 = tpu.memref_slice %arg10[%add3A_498, %dma_wait3A_505] : memref<262144x128xf32, #tpu.memory_space<hbm>> -> memref<256x128xf32, #tpu.memory_space<hbm>>
    tpu.wait_dma2 semaphore(%arg29 : memref<!tpu.dma_semaphore, #tpu.memory_space<semaphore_mem>>) src(%arg16 : memref<256x128xf32, #tpu.memory_space<vmem>>) dst(%dma_wait3A_506 : memref<256x128xf32, #tpu.memory_space<hbm>>)
    %dma_start3A_507 = arith.constant 4352 : i32
    %dma_start3A_508 = tpu.memref_slice %arg12[%dma_start3A_507] : memref<8192xi32, #tpu.memory_space<vmem>> -> memref<256xi32, #tpu.memory_space<vmem>>
    %dma_start3A_509 = arith.constant 0 : i32
    %dma_start3A_510 = arith.constant 0 : i32
    %dma_start3A_511 = tpu.memref_slice %arg11[%dma_start3A_509, %dma_start3A_510] : memref<1384x128xf32, #tpu.memory_space<vmem_shared>> -> memref<1384x128xf32, #tpu.memory_space<vmem_shared>>
    tpu.enqueue_indirect_dma source(%dma_start3A_511 : memref<1384x128xf32, #tpu.memory_space<vmem_shared>>) target(%arg16 : memref<256x128xf32, #tpu.memory_space<vmem>>) offsets(%dma_start3A_508 : memref<256xi32, #tpu.memory_space<vmem>>) semaphore(%arg23 : memref<!tpu.dma_semaphore, #tpu.memory_space<semaphore_mem>>)
    %dma_wait3A_512 = arith.constant 4096 : i32
    %dma_wait3A_513 = tpu.memref_slice %arg12[%dma_wait3A_512] : memref<8192xi32, #tpu.memory_space<vmem>> -> memref<256xi32, #tpu.memory_space<vmem>>
    %dma_wait3A_514 = arith.constant 0 : i32
    %dma_wait3A_515 = arith.constant 0 : i32
    %dma_wait3A_516 = tpu.memref_slice %arg11[%dma_wait3A_514, %dma_wait3A_515] : memref<1384x128xf32, #tpu.memory_space<vmem_shared>> -> memref<1384x128xf32, #tpu.memory_space<vmem_shared>>
    tpu.wait_indirect_dma semaphore(%arg22 : memref<!tpu.dma_semaphore, #tpu.memory_space<semaphore_mem>>) src(%dma_wait3A_516 : memref<1384x128xf32, #tpu.memory_space<vmem_shared>>) dst(%arg15 : memref<256x128xf32, #tpu.memory_space<vmem>>)
    %dma_start3A_517 = arith.constant 4096 : i32
    %dma_start3A_518 = tpu.memref_slice %arg13[%dma_start3A_517] : memref<8192xi32, #tpu.memory_space<vmem>> -> memref<256xi32, #tpu.memory_space<vmem>>
    %dma_start3A_519 = arith.constant 0 : i32
    %dma_start3A_520 = arith.constant 0 : i32
    %dma_start3A_521 = tpu.memref_slice %arg11[%dma_start3A_519, %dma_start3A_520] : memref<1384x128xf32, #tpu.memory_space<vmem_shared>> -> memref<1384x128xf32, #tpu.memory_space<vmem_shared>>
    tpu.enqueue_indirect_dma source(%dma_start3A_521 : memref<1384x128xf32, #tpu.memory_space<vmem_shared>>) target(%arg15 : memref<256x128xf32, #tpu.memory_space<vmem>>) offsets(%dma_start3A_518 : memref<256xi32, #tpu.memory_space<vmem>>) semaphore(%arg25 : memref<!tpu.dma_semaphore, #tpu.memory_space<semaphore_mem>>) {add = true}
    %dma_wait3A_522 = arith.constant 3840 : i32
    %dma_wait3A_523 = tpu.memref_slice %arg13[%dma_wait3A_522] : memref<8192xi32, #tpu.memory_space<vmem>> -> memref<256xi32, #tpu.memory_space<vmem>>
    %dma_wait3A_524 = arith.constant 0 : i32
    %dma_wait3A_525 = arith.constant 0 : i32
    %dma_wait3A_526 = tpu.memref_slice %arg11[%dma_wait3A_524, %dma_wait3A_525] : memref<1384x128xf32, #tpu.memory_space<vmem_shared>> -> memref<1384x128xf32, #tpu.memory_space<vmem_shared>>
    tpu.wait_indirect_dma semaphore(%arg24 : memref<!tpu.dma_semaphore, #tpu.memory_space<semaphore_mem>>) src(%dma_wait3A_526 : memref<1384x128xf32, #tpu.memory_space<vmem_shared>>) dst(%arg14 : memref<256x128xf32, #tpu.memory_space<vmem>>)
    %add3A_527 = arith.constant 3840 : i32
    %add3A_528 = arith.addi %mul3A_2, %add3A_527 : i32
    %dma_start3A_529 = arith.constant 0 : i32
    %dma_start3A_530 = tpu.memref_slice %arg10[%add3A_528, %dma_start3A_529] : memref<262144x128xf32, #tpu.memory_space<hbm>> -> memref<256x128xf32, #tpu.memory_space<hbm>>
    %dma_start3A_531 = arith.constant 0 : i32
    %dma_start3A_532 = tpu.memref_slice %arg10[%add3A_528, %dma_start3A_531] : memref<262144x128xf32, #tpu.memory_space<hbm>> -> memref<256x128xf32, #tpu.memory_space<hbm>>
    tpu.enqueue_dma source(%arg14 : memref<256x128xf32, #tpu.memory_space<vmem>>) target(%dma_start3A_532 : memref<256x128xf32, #tpu.memory_space<hbm>>) target_semaphore(%arg27 : memref<!tpu.dma_semaphore, #tpu.memory_space<semaphore_mem>>)
    %dma_wait3A_533 = arith.constant 0 : i32
    %dma_wait3A_534 = tpu.memref_slice %arg10[%add3A_528, %dma_wait3A_533] : memref<262144x128xf32, #tpu.memory_space<hbm>> -> memref<256x128xf32, #tpu.memory_space<hbm>>
    %dma_wait3A_535 = arith.constant 0 : i32
    %dma_wait3A_536 = tpu.memref_slice %arg10[%add3A_528, %dma_wait3A_535] : memref<262144x128xf32, #tpu.memory_space<hbm>> -> memref<256x128xf32, #tpu.memory_space<hbm>>
    tpu.wait_dma2 semaphore(%arg27 : memref<!tpu.dma_semaphore, #tpu.memory_space<semaphore_mem>>) src(%arg14 : memref<256x128xf32, #tpu.memory_space<vmem>>) dst(%dma_wait3A_536 : memref<256x128xf32, #tpu.memory_space<hbm>>)
    %dma_start3A_537 = arith.constant 4608 : i32
    %dma_start3A_538 = tpu.memref_slice %arg12[%dma_start3A_537] : memref<8192xi32, #tpu.memory_space<vmem>> -> memref<256xi32, #tpu.memory_space<vmem>>
    %dma_start3A_539 = arith.constant 0 : i32
    %dma_start3A_540 = arith.constant 0 : i32
    %dma_start3A_541 = tpu.memref_slice %arg11[%dma_start3A_539, %dma_start3A_540] : memref<1384x128xf32, #tpu.memory_space<vmem_shared>> -> memref<1384x128xf32, #tpu.memory_space<vmem_shared>>
    tpu.enqueue_indirect_dma source(%dma_start3A_541 : memref<1384x128xf32, #tpu.memory_space<vmem_shared>>) target(%arg14 : memref<256x128xf32, #tpu.memory_space<vmem>>) offsets(%dma_start3A_538 : memref<256xi32, #tpu.memory_space<vmem>>) semaphore(%arg21 : memref<!tpu.dma_semaphore, #tpu.memory_space<semaphore_mem>>)
    %dma_wait3A_542 = arith.constant 4352 : i32
    %dma_wait3A_543 = tpu.memref_slice %arg12[%dma_wait3A_542] : memref<8192xi32, #tpu.memory_space<vmem>> -> memref<256xi32, #tpu.memory_space<vmem>>
    %dma_wait3A_544 = arith.constant 0 : i32
    %dma_wait3A_545 = arith.constant 0 : i32
    %dma_wait3A_546 = tpu.memref_slice %arg11[%dma_wait3A_544, %dma_wait3A_545] : memref<1384x128xf32, #tpu.memory_space<vmem_shared>> -> memref<1384x128xf32, #tpu.memory_space<vmem_shared>>
    tpu.wait_indirect_dma semaphore(%arg23 : memref<!tpu.dma_semaphore, #tpu.memory_space<semaphore_mem>>) src(%dma_wait3A_546 : memref<1384x128xf32, #tpu.memory_space<vmem_shared>>) dst(%arg16 : memref<256x128xf32, #tpu.memory_space<vmem>>)
    %dma_start3A_547 = arith.constant 4352 : i32
    %dma_start3A_548 = tpu.memref_slice %arg13[%dma_start3A_547] : memref<8192xi32, #tpu.memory_space<vmem>> -> memref<256xi32, #tpu.memory_space<vmem>>
    %dma_start3A_549 = arith.constant 0 : i32
    %dma_start3A_550 = arith.constant 0 : i32
    %dma_start3A_551 = tpu.memref_slice %arg11[%dma_start3A_549, %dma_start3A_550] : memref<1384x128xf32, #tpu.memory_space<vmem_shared>> -> memref<1384x128xf32, #tpu.memory_space<vmem_shared>>
    tpu.enqueue_indirect_dma source(%dma_start3A_551 : memref<1384x128xf32, #tpu.memory_space<vmem_shared>>) target(%arg16 : memref<256x128xf32, #tpu.memory_space<vmem>>) offsets(%dma_start3A_548 : memref<256xi32, #tpu.memory_space<vmem>>) semaphore(%arg26 : memref<!tpu.dma_semaphore, #tpu.memory_space<semaphore_mem>>) {add = true}
    %dma_wait3A_552 = arith.constant 4096 : i32
    %dma_wait3A_553 = tpu.memref_slice %arg13[%dma_wait3A_552] : memref<8192xi32, #tpu.memory_space<vmem>> -> memref<256xi32, #tpu.memory_space<vmem>>
    %dma_wait3A_554 = arith.constant 0 : i32
    %dma_wait3A_555 = arith.constant 0 : i32
    %dma_wait3A_556 = tpu.memref_slice %arg11[%dma_wait3A_554, %dma_wait3A_555] : memref<1384x128xf32, #tpu.memory_space<vmem_shared>> -> memref<1384x128xf32, #tpu.memory_space<vmem_shared>>
    tpu.wait_indirect_dma semaphore(%arg25 : memref<!tpu.dma_semaphore, #tpu.memory_space<semaphore_mem>>) src(%dma_wait3A_556 : memref<1384x128xf32, #tpu.memory_space<vmem_shared>>) dst(%arg15 : memref<256x128xf32, #tpu.memory_space<vmem>>)
    %add3A_557 = arith.constant 4096 : i32
    %add3A_558 = arith.addi %mul3A_2, %add3A_557 : i32
    %dma_start3A_559 = arith.constant 0 : i32
    %dma_start3A_560 = tpu.memref_slice %arg10[%add3A_558, %dma_start3A_559] : memref<262144x128xf32, #tpu.memory_space<hbm>> -> memref<256x128xf32, #tpu.memory_space<hbm>>
    %dma_start3A_561 = arith.constant 0 : i32
    %dma_start3A_562 = tpu.memref_slice %arg10[%add3A_558, %dma_start3A_561] : memref<262144x128xf32, #tpu.memory_space<hbm>> -> memref<256x128xf32, #tpu.memory_space<hbm>>
    tpu.enqueue_dma source(%arg15 : memref<256x128xf32, #tpu.memory_space<vmem>>) target(%dma_start3A_562 : memref<256x128xf32, #tpu.memory_space<hbm>>) target_semaphore(%arg28 : memref<!tpu.dma_semaphore, #tpu.memory_space<semaphore_mem>>)
    %dma_wait3A_563 = arith.constant 0 : i32
    %dma_wait3A_564 = tpu.memref_slice %arg10[%add3A_558, %dma_wait3A_563] : memref<262144x128xf32, #tpu.memory_space<hbm>> -> memref<256x128xf32, #tpu.memory_space<hbm>>
    %dma_wait3A_565 = arith.constant 0 : i32
    %dma_wait3A_566 = tpu.memref_slice %arg10[%add3A_558, %dma_wait3A_565] : memref<262144x128xf32, #tpu.memory_space<hbm>> -> memref<256x128xf32, #tpu.memory_space<hbm>>
    tpu.wait_dma2 semaphore(%arg28 : memref<!tpu.dma_semaphore, #tpu.memory_space<semaphore_mem>>) src(%arg15 : memref<256x128xf32, #tpu.memory_space<vmem>>) dst(%dma_wait3A_566 : memref<256x128xf32, #tpu.memory_space<hbm>>)
    %dma_start3A_567 = arith.constant 4864 : i32
    %dma_start3A_568 = tpu.memref_slice %arg12[%dma_start3A_567] : memref<8192xi32, #tpu.memory_space<vmem>> -> memref<256xi32, #tpu.memory_space<vmem>>
    %dma_start3A_569 = arith.constant 0 : i32
    %dma_start3A_570 = arith.constant 0 : i32
    %dma_start3A_571 = tpu.memref_slice %arg11[%dma_start3A_569, %dma_start3A_570] : memref<1384x128xf32, #tpu.memory_space<vmem_shared>> -> memref<1384x128xf32, #tpu.memory_space<vmem_shared>>
    tpu.enqueue_indirect_dma source(%dma_start3A_571 : memref<1384x128xf32, #tpu.memory_space<vmem_shared>>) target(%arg15 : memref<256x128xf32, #tpu.memory_space<vmem>>) offsets(%dma_start3A_568 : memref<256xi32, #tpu.memory_space<vmem>>) semaphore(%arg22 : memref<!tpu.dma_semaphore, #tpu.memory_space<semaphore_mem>>)
    %dma_wait3A_572 = arith.constant 4608 : i32
    %dma_wait3A_573 = tpu.memref_slice %arg12[%dma_wait3A_572] : memref<8192xi32, #tpu.memory_space<vmem>> -> memref<256xi32, #tpu.memory_space<vmem>>
    %dma_wait3A_574 = arith.constant 0 : i32
    %dma_wait3A_575 = arith.constant 0 : i32
    %dma_wait3A_576 = tpu.memref_slice %arg11[%dma_wait3A_574, %dma_wait3A_575] : memref<1384x128xf32, #tpu.memory_space<vmem_shared>> -> memref<1384x128xf32, #tpu.memory_space<vmem_shared>>
    tpu.wait_indirect_dma semaphore(%arg21 : memref<!tpu.dma_semaphore, #tpu.memory_space<semaphore_mem>>) src(%dma_wait3A_576 : memref<1384x128xf32, #tpu.memory_space<vmem_shared>>) dst(%arg14 : memref<256x128xf32, #tpu.memory_space<vmem>>)
    %dma_start3A_577 = arith.constant 4608 : i32
    %dma_start3A_578 = tpu.memref_slice %arg13[%dma_start3A_577] : memref<8192xi32, #tpu.memory_space<vmem>> -> memref<256xi32, #tpu.memory_space<vmem>>
    %dma_start3A_579 = arith.constant 0 : i32
    %dma_start3A_580 = arith.constant 0 : i32
    %dma_start3A_581 = tpu.memref_slice %arg11[%dma_start3A_579, %dma_start3A_580] : memref<1384x128xf32, #tpu.memory_space<vmem_shared>> -> memref<1384x128xf32, #tpu.memory_space<vmem_shared>>
    tpu.enqueue_indirect_dma source(%dma_start3A_581 : memref<1384x128xf32, #tpu.memory_space<vmem_shared>>) target(%arg14 : memref<256x128xf32, #tpu.memory_space<vmem>>) offsets(%dma_start3A_578 : memref<256xi32, #tpu.memory_space<vmem>>) semaphore(%arg24 : memref<!tpu.dma_semaphore, #tpu.memory_space<semaphore_mem>>) {add = true}
    %dma_wait3A_582 = arith.constant 4352 : i32
    %dma_wait3A_583 = tpu.memref_slice %arg13[%dma_wait3A_582] : memref<8192xi32, #tpu.memory_space<vmem>> -> memref<256xi32, #tpu.memory_space<vmem>>
    %dma_wait3A_584 = arith.constant 0 : i32
    %dma_wait3A_585 = arith.constant 0 : i32
    %dma_wait3A_586 = tpu.memref_slice %arg11[%dma_wait3A_584, %dma_wait3A_585] : memref<1384x128xf32, #tpu.memory_space<vmem_shared>> -> memref<1384x128xf32, #tpu.memory_space<vmem_shared>>
    tpu.wait_indirect_dma semaphore(%arg26 : memref<!tpu.dma_semaphore, #tpu.memory_space<semaphore_mem>>) src(%dma_wait3A_586 : memref<1384x128xf32, #tpu.memory_space<vmem_shared>>) dst(%arg16 : memref<256x128xf32, #tpu.memory_space<vmem>>)
    %add3A_587 = arith.constant 4352 : i32
    %add3A_588 = arith.addi %mul3A_2, %add3A_587 : i32
    %dma_start3A_589 = arith.constant 0 : i32
    %dma_start3A_590 = tpu.memref_slice %arg10[%add3A_588, %dma_start3A_589] : memref<262144x128xf32, #tpu.memory_space<hbm>> -> memref<256x128xf32, #tpu.memory_space<hbm>>
    %dma_start3A_591 = arith.constant 0 : i32
    %dma_start3A_592 = tpu.memref_slice %arg10[%add3A_588, %dma_start3A_591] : memref<262144x128xf32, #tpu.memory_space<hbm>> -> memref<256x128xf32, #tpu.memory_space<hbm>>
    tpu.enqueue_dma source(%arg16 : memref<256x128xf32, #tpu.memory_space<vmem>>) target(%dma_start3A_592 : memref<256x128xf32, #tpu.memory_space<hbm>>) target_semaphore(%arg29 : memref<!tpu.dma_semaphore, #tpu.memory_space<semaphore_mem>>)
    %dma_wait3A_593 = arith.constant 0 : i32
    %dma_wait3A_594 = tpu.memref_slice %arg10[%add3A_588, %dma_wait3A_593] : memref<262144x128xf32, #tpu.memory_space<hbm>> -> memref<256x128xf32, #tpu.memory_space<hbm>>
    %dma_wait3A_595 = arith.constant 0 : i32
    %dma_wait3A_596 = tpu.memref_slice %arg10[%add3A_588, %dma_wait3A_595] : memref<262144x128xf32, #tpu.memory_space<hbm>> -> memref<256x128xf32, #tpu.memory_space<hbm>>
    tpu.wait_dma2 semaphore(%arg29 : memref<!tpu.dma_semaphore, #tpu.memory_space<semaphore_mem>>) src(%arg16 : memref<256x128xf32, #tpu.memory_space<vmem>>) dst(%dma_wait3A_596 : memref<256x128xf32, #tpu.memory_space<hbm>>)
    %dma_start3A_597 = arith.constant 5120 : i32
    %dma_start3A_598 = tpu.memref_slice %arg12[%dma_start3A_597] : memref<8192xi32, #tpu.memory_space<vmem>> -> memref<256xi32, #tpu.memory_space<vmem>>
    %dma_start3A_599 = arith.constant 0 : i32
    %dma_start3A_600 = arith.constant 0 : i32
    %dma_start3A_601 = tpu.memref_slice %arg11[%dma_start3A_599, %dma_start3A_600] : memref<1384x128xf32, #tpu.memory_space<vmem_shared>> -> memref<1384x128xf32, #tpu.memory_space<vmem_shared>>
    tpu.enqueue_indirect_dma source(%dma_start3A_601 : memref<1384x128xf32, #tpu.memory_space<vmem_shared>>) target(%arg16 : memref<256x128xf32, #tpu.memory_space<vmem>>) offsets(%dma_start3A_598 : memref<256xi32, #tpu.memory_space<vmem>>) semaphore(%arg23 : memref<!tpu.dma_semaphore, #tpu.memory_space<semaphore_mem>>)
    %dma_wait3A_602 = arith.constant 4864 : i32
    %dma_wait3A_603 = tpu.memref_slice %arg12[%dma_wait3A_602] : memref<8192xi32, #tpu.memory_space<vmem>> -> memref<256xi32, #tpu.memory_space<vmem>>
    %dma_wait3A_604 = arith.constant 0 : i32
    %dma_wait3A_605 = arith.constant 0 : i32
    %dma_wait3A_606 = tpu.memref_slice %arg11[%dma_wait3A_604, %dma_wait3A_605] : memref<1384x128xf32, #tpu.memory_space<vmem_shared>> -> memref<1384x128xf32, #tpu.memory_space<vmem_shared>>
    tpu.wait_indirect_dma semaphore(%arg22 : memref<!tpu.dma_semaphore, #tpu.memory_space<semaphore_mem>>) src(%dma_wait3A_606 : memref<1384x128xf32, #tpu.memory_space<vmem_shared>>) dst(%arg15 : memref<256x128xf32, #tpu.memory_space<vmem>>)
    %dma_start3A_607 = arith.constant 4864 : i32
    %dma_start3A_608 = tpu.memref_slice %arg13[%dma_start3A_607] : memref<8192xi32, #tpu.memory_space<vmem>> -> memref<256xi32, #tpu.memory_space<vmem>>
    %dma_start3A_609 = arith.constant 0 : i32
    %dma_start3A_610 = arith.constant 0 : i32
    %dma_start3A_611 = tpu.memref_slice %arg11[%dma_start3A_609, %dma_start3A_610] : memref<1384x128xf32, #tpu.memory_space<vmem_shared>> -> memref<1384x128xf32, #tpu.memory_space<vmem_shared>>
    tpu.enqueue_indirect_dma source(%dma_start3A_611 : memref<1384x128xf32, #tpu.memory_space<vmem_shared>>) target(%arg15 : memref<256x128xf32, #tpu.memory_space<vmem>>) offsets(%dma_start3A_608 : memref<256xi32, #tpu.memory_space<vmem>>) semaphore(%arg25 : memref<!tpu.dma_semaphore, #tpu.memory_space<semaphore_mem>>) {add = true}
    %dma_wait3A_612 = arith.constant 4608 : i32
    %dma_wait3A_613 = tpu.memref_slice %arg13[%dma_wait3A_612] : memref<8192xi32, #tpu.memory_space<vmem>> -> memref<256xi32, #tpu.memory_space<vmem>>
    %dma_wait3A_614 = arith.constant 0 : i32
    %dma_wait3A_615 = arith.constant 0 : i32
    %dma_wait3A_616 = tpu.memref_slice %arg11[%dma_wait3A_614, %dma_wait3A_615] : memref<1384x128xf32, #tpu.memory_space<vmem_shared>> -> memref<1384x128xf32, #tpu.memory_space<vmem_shared>>
    tpu.wait_indirect_dma semaphore(%arg24 : memref<!tpu.dma_semaphore, #tpu.memory_space<semaphore_mem>>) src(%dma_wait3A_616 : memref<1384x128xf32, #tpu.memory_space<vmem_shared>>) dst(%arg14 : memref<256x128xf32, #tpu.memory_space<vmem>>)
    %add3A_617 = arith.constant 4608 : i32
    %add3A_618 = arith.addi %mul3A_2, %add3A_617 : i32
    %dma_start3A_619 = arith.constant 0 : i32
    %dma_start3A_620 = tpu.memref_slice %arg10[%add3A_618, %dma_start3A_619] : memref<262144x128xf32, #tpu.memory_space<hbm>> -> memref<256x128xf32, #tpu.memory_space<hbm>>
    %dma_start3A_621 = arith.constant 0 : i32
    %dma_start3A_622 = tpu.memref_slice %arg10[%add3A_618, %dma_start3A_621] : memref<262144x128xf32, #tpu.memory_space<hbm>> -> memref<256x128xf32, #tpu.memory_space<hbm>>
    tpu.enqueue_dma source(%arg14 : memref<256x128xf32, #tpu.memory_space<vmem>>) target(%dma_start3A_622 : memref<256x128xf32, #tpu.memory_space<hbm>>) target_semaphore(%arg27 : memref<!tpu.dma_semaphore, #tpu.memory_space<semaphore_mem>>)
    %dma_wait3A_623 = arith.constant 0 : i32
    %dma_wait3A_624 = tpu.memref_slice %arg10[%add3A_618, %dma_wait3A_623] : memref<262144x128xf32, #tpu.memory_space<hbm>> -> memref<256x128xf32, #tpu.memory_space<hbm>>
    %dma_wait3A_625 = arith.constant 0 : i32
    %dma_wait3A_626 = tpu.memref_slice %arg10[%add3A_618, %dma_wait3A_625] : memref<262144x128xf32, #tpu.memory_space<hbm>> -> memref<256x128xf32, #tpu.memory_space<hbm>>
    tpu.wait_dma2 semaphore(%arg27 : memref<!tpu.dma_semaphore, #tpu.memory_space<semaphore_mem>>) src(%arg14 : memref<256x128xf32, #tpu.memory_space<vmem>>) dst(%dma_wait3A_626 : memref<256x128xf32, #tpu.memory_space<hbm>>)
    %dma_start3A_627 = arith.constant 5376 : i32
    %dma_start3A_628 = tpu.memref_slice %arg12[%dma_start3A_627] : memref<8192xi32, #tpu.memory_space<vmem>> -> memref<256xi32, #tpu.memory_space<vmem>>
    %dma_start3A_629 = arith.constant 0 : i32
    %dma_start3A_630 = arith.constant 0 : i32
    %dma_start3A_631 = tpu.memref_slice %arg11[%dma_start3A_629, %dma_start3A_630] : memref<1384x128xf32, #tpu.memory_space<vmem_shared>> -> memref<1384x128xf32, #tpu.memory_space<vmem_shared>>
    tpu.enqueue_indirect_dma source(%dma_start3A_631 : memref<1384x128xf32, #tpu.memory_space<vmem_shared>>) target(%arg14 : memref<256x128xf32, #tpu.memory_space<vmem>>) offsets(%dma_start3A_628 : memref<256xi32, #tpu.memory_space<vmem>>) semaphore(%arg21 : memref<!tpu.dma_semaphore, #tpu.memory_space<semaphore_mem>>)
    %dma_wait3A_632 = arith.constant 5120 : i32
    %dma_wait3A_633 = tpu.memref_slice %arg12[%dma_wait3A_632] : memref<8192xi32, #tpu.memory_space<vmem>> -> memref<256xi32, #tpu.memory_space<vmem>>
    %dma_wait3A_634 = arith.constant 0 : i32
    %dma_wait3A_635 = arith.constant 0 : i32
    %dma_wait3A_636 = tpu.memref_slice %arg11[%dma_wait3A_634, %dma_wait3A_635] : memref<1384x128xf32, #tpu.memory_space<vmem_shared>> -> memref<1384x128xf32, #tpu.memory_space<vmem_shared>>
    tpu.wait_indirect_dma semaphore(%arg23 : memref<!tpu.dma_semaphore, #tpu.memory_space<semaphore_mem>>) src(%dma_wait3A_636 : memref<1384x128xf32, #tpu.memory_space<vmem_shared>>) dst(%arg16 : memref<256x128xf32, #tpu.memory_space<vmem>>)
    %dma_start3A_637 = arith.constant 5120 : i32
    %dma_start3A_638 = tpu.memref_slice %arg13[%dma_start3A_637] : memref<8192xi32, #tpu.memory_space<vmem>> -> memref<256xi32, #tpu.memory_space<vmem>>
    %dma_start3A_639 = arith.constant 0 : i32
    %dma_start3A_640 = arith.constant 0 : i32
    %dma_start3A_641 = tpu.memref_slice %arg11[%dma_start3A_639, %dma_start3A_640] : memref<1384x128xf32, #tpu.memory_space<vmem_shared>> -> memref<1384x128xf32, #tpu.memory_space<vmem_shared>>
    tpu.enqueue_indirect_dma source(%dma_start3A_641 : memref<1384x128xf32, #tpu.memory_space<vmem_shared>>) target(%arg16 : memref<256x128xf32, #tpu.memory_space<vmem>>) offsets(%dma_start3A_638 : memref<256xi32, #tpu.memory_space<vmem>>) semaphore(%arg26 : memref<!tpu.dma_semaphore, #tpu.memory_space<semaphore_mem>>) {add = true}
    %dma_wait3A_642 = arith.constant 4864 : i32
    %dma_wait3A_643 = tpu.memref_slice %arg13[%dma_wait3A_642] : memref<8192xi32, #tpu.memory_space<vmem>> -> memref<256xi32, #tpu.memory_space<vmem>>
    %dma_wait3A_644 = arith.constant 0 : i32
    %dma_wait3A_645 = arith.constant 0 : i32
    %dma_wait3A_646 = tpu.memref_slice %arg11[%dma_wait3A_644, %dma_wait3A_645] : memref<1384x128xf32, #tpu.memory_space<vmem_shared>> -> memref<1384x128xf32, #tpu.memory_space<vmem_shared>>
    tpu.wait_indirect_dma semaphore(%arg25 : memref<!tpu.dma_semaphore, #tpu.memory_space<semaphore_mem>>) src(%dma_wait3A_646 : memref<1384x128xf32, #tpu.memory_space<vmem_shared>>) dst(%arg15 : memref<256x128xf32, #tpu.memory_space<vmem>>)
    %add3A_647 = arith.constant 4864 : i32
    %add3A_648 = arith.addi %mul3A_2, %add3A_647 : i32
    %dma_start3A_649 = arith.constant 0 : i32
    %dma_start3A_650 = tpu.memref_slice %arg10[%add3A_648, %dma_start3A_649] : memref<262144x128xf32, #tpu.memory_space<hbm>> -> memref<256x128xf32, #tpu.memory_space<hbm>>
    %dma_start3A_651 = arith.constant 0 : i32
    %dma_start3A_652 = tpu.memref_slice %arg10[%add3A_648, %dma_start3A_651] : memref<262144x128xf32, #tpu.memory_space<hbm>> -> memref<256x128xf32, #tpu.memory_space<hbm>>
    tpu.enqueue_dma source(%arg15 : memref<256x128xf32, #tpu.memory_space<vmem>>) target(%dma_start3A_652 : memref<256x128xf32, #tpu.memory_space<hbm>>) target_semaphore(%arg28 : memref<!tpu.dma_semaphore, #tpu.memory_space<semaphore_mem>>)
    %dma_wait3A_653 = arith.constant 0 : i32
    %dma_wait3A_654 = tpu.memref_slice %arg10[%add3A_648, %dma_wait3A_653] : memref<262144x128xf32, #tpu.memory_space<hbm>> -> memref<256x128xf32, #tpu.memory_space<hbm>>
    %dma_wait3A_655 = arith.constant 0 : i32
    %dma_wait3A_656 = tpu.memref_slice %arg10[%add3A_648, %dma_wait3A_655] : memref<262144x128xf32, #tpu.memory_space<hbm>> -> memref<256x128xf32, #tpu.memory_space<hbm>>
    tpu.wait_dma2 semaphore(%arg28 : memref<!tpu.dma_semaphore, #tpu.memory_space<semaphore_mem>>) src(%arg15 : memref<256x128xf32, #tpu.memory_space<vmem>>) dst(%dma_wait3A_656 : memref<256x128xf32, #tpu.memory_space<hbm>>)
    %dma_start3A_657 = arith.constant 5632 : i32
    %dma_start3A_658 = tpu.memref_slice %arg12[%dma_start3A_657] : memref<8192xi32, #tpu.memory_space<vmem>> -> memref<256xi32, #tpu.memory_space<vmem>>
    %dma_start3A_659 = arith.constant 0 : i32
    %dma_start3A_660 = arith.constant 0 : i32
    %dma_start3A_661 = tpu.memref_slice %arg11[%dma_start3A_659, %dma_start3A_660] : memref<1384x128xf32, #tpu.memory_space<vmem_shared>> -> memref<1384x128xf32, #tpu.memory_space<vmem_shared>>
    tpu.enqueue_indirect_dma source(%dma_start3A_661 : memref<1384x128xf32, #tpu.memory_space<vmem_shared>>) target(%arg15 : memref<256x128xf32, #tpu.memory_space<vmem>>) offsets(%dma_start3A_658 : memref<256xi32, #tpu.memory_space<vmem>>) semaphore(%arg22 : memref<!tpu.dma_semaphore, #tpu.memory_space<semaphore_mem>>)
    %dma_wait3A_662 = arith.constant 5376 : i32
    %dma_wait3A_663 = tpu.memref_slice %arg12[%dma_wait3A_662] : memref<8192xi32, #tpu.memory_space<vmem>> -> memref<256xi32, #tpu.memory_space<vmem>>
    %dma_wait3A_664 = arith.constant 0 : i32
    %dma_wait3A_665 = arith.constant 0 : i32
    %dma_wait3A_666 = tpu.memref_slice %arg11[%dma_wait3A_664, %dma_wait3A_665] : memref<1384x128xf32, #tpu.memory_space<vmem_shared>> -> memref<1384x128xf32, #tpu.memory_space<vmem_shared>>
    tpu.wait_indirect_dma semaphore(%arg21 : memref<!tpu.dma_semaphore, #tpu.memory_space<semaphore_mem>>) src(%dma_wait3A_666 : memref<1384x128xf32, #tpu.memory_space<vmem_shared>>) dst(%arg14 : memref<256x128xf32, #tpu.memory_space<vmem>>)
    %dma_start3A_667 = arith.constant 5376 : i32
    %dma_start3A_668 = tpu.memref_slice %arg13[%dma_start3A_667] : memref<8192xi32, #tpu.memory_space<vmem>> -> memref<256xi32, #tpu.memory_space<vmem>>
    %dma_start3A_669 = arith.constant 0 : i32
    %dma_start3A_670 = arith.constant 0 : i32
    %dma_start3A_671 = tpu.memref_slice %arg11[%dma_start3A_669, %dma_start3A_670] : memref<1384x128xf32, #tpu.memory_space<vmem_shared>> -> memref<1384x128xf32, #tpu.memory_space<vmem_shared>>
    tpu.enqueue_indirect_dma source(%dma_start3A_671 : memref<1384x128xf32, #tpu.memory_space<vmem_shared>>) target(%arg14 : memref<256x128xf32, #tpu.memory_space<vmem>>) offsets(%dma_start3A_668 : memref<256xi32, #tpu.memory_space<vmem>>) semaphore(%arg24 : memref<!tpu.dma_semaphore, #tpu.memory_space<semaphore_mem>>) {add = true}
    %dma_wait3A_672 = arith.constant 5120 : i32
    %dma_wait3A_673 = tpu.memref_slice %arg13[%dma_wait3A_672] : memref<8192xi32, #tpu.memory_space<vmem>> -> memref<256xi32, #tpu.memory_space<vmem>>
    %dma_wait3A_674 = arith.constant 0 : i32
    %dma_wait3A_675 = arith.constant 0 : i32
    %dma_wait3A_676 = tpu.memref_slice %arg11[%dma_wait3A_674, %dma_wait3A_675] : memref<1384x128xf32, #tpu.memory_space<vmem_shared>> -> memref<1384x128xf32, #tpu.memory_space<vmem_shared>>
    tpu.wait_indirect_dma semaphore(%arg26 : memref<!tpu.dma_semaphore, #tpu.memory_space<semaphore_mem>>) src(%dma_wait3A_676 : memref<1384x128xf32, #tpu.memory_space<vmem_shared>>) dst(%arg16 : memref<256x128xf32, #tpu.memory_space<vmem>>)
    %add3A_677 = arith.constant 5120 : i32
    %add3A_678 = arith.addi %mul3A_2, %add3A_677 : i32
    %dma_start3A_679 = arith.constant 0 : i32
    %dma_start3A_680 = tpu.memref_slice %arg10[%add3A_678, %dma_start3A_679] : memref<262144x128xf32, #tpu.memory_space<hbm>> -> memref<256x128xf32, #tpu.memory_space<hbm>>
    %dma_start3A_681 = arith.constant 0 : i32
    %dma_start3A_682 = tpu.memref_slice %arg10[%add3A_678, %dma_start3A_681] : memref<262144x128xf32, #tpu.memory_space<hbm>> -> memref<256x128xf32, #tpu.memory_space<hbm>>
    tpu.enqueue_dma source(%arg16 : memref<256x128xf32, #tpu.memory_space<vmem>>) target(%dma_start3A_682 : memref<256x128xf32, #tpu.memory_space<hbm>>) target_semaphore(%arg29 : memref<!tpu.dma_semaphore, #tpu.memory_space<semaphore_mem>>)
    %dma_wait3A_683 = arith.constant 0 : i32
    %dma_wait3A_684 = tpu.memref_slice %arg10[%add3A_678, %dma_wait3A_683] : memref<262144x128xf32, #tpu.memory_space<hbm>> -> memref<256x128xf32, #tpu.memory_space<hbm>>
    %dma_wait3A_685 = arith.constant 0 : i32
    %dma_wait3A_686 = tpu.memref_slice %arg10[%add3A_678, %dma_wait3A_685] : memref<262144x128xf32, #tpu.memory_space<hbm>> -> memref<256x128xf32, #tpu.memory_space<hbm>>
    tpu.wait_dma2 semaphore(%arg29 : memref<!tpu.dma_semaphore, #tpu.memory_space<semaphore_mem>>) src(%arg16 : memref<256x128xf32, #tpu.memory_space<vmem>>) dst(%dma_wait3A_686 : memref<256x128xf32, #tpu.memory_space<hbm>>)
    %dma_start3A_687 = arith.constant 5888 : i32
    %dma_start3A_688 = tpu.memref_slice %arg12[%dma_start3A_687] : memref<8192xi32, #tpu.memory_space<vmem>> -> memref<256xi32, #tpu.memory_space<vmem>>
    %dma_start3A_689 = arith.constant 0 : i32
    %dma_start3A_690 = arith.constant 0 : i32
    %dma_start3A_691 = tpu.memref_slice %arg11[%dma_start3A_689, %dma_start3A_690] : memref<1384x128xf32, #tpu.memory_space<vmem_shared>> -> memref<1384x128xf32, #tpu.memory_space<vmem_shared>>
    tpu.enqueue_indirect_dma source(%dma_start3A_691 : memref<1384x128xf32, #tpu.memory_space<vmem_shared>>) target(%arg16 : memref<256x128xf32, #tpu.memory_space<vmem>>) offsets(%dma_start3A_688 : memref<256xi32, #tpu.memory_space<vmem>>) semaphore(%arg23 : memref<!tpu.dma_semaphore, #tpu.memory_space<semaphore_mem>>)
    %dma_wait3A_692 = arith.constant 5632 : i32
    %dma_wait3A_693 = tpu.memref_slice %arg12[%dma_wait3A_692] : memref<8192xi32, #tpu.memory_space<vmem>> -> memref<256xi32, #tpu.memory_space<vmem>>
    %dma_wait3A_694 = arith.constant 0 : i32
    %dma_wait3A_695 = arith.constant 0 : i32
    %dma_wait3A_696 = tpu.memref_slice %arg11[%dma_wait3A_694, %dma_wait3A_695] : memref<1384x128xf32, #tpu.memory_space<vmem_shared>> -> memref<1384x128xf32, #tpu.memory_space<vmem_shared>>
    tpu.wait_indirect_dma semaphore(%arg22 : memref<!tpu.dma_semaphore, #tpu.memory_space<semaphore_mem>>) src(%dma_wait3A_696 : memref<1384x128xf32, #tpu.memory_space<vmem_shared>>) dst(%arg15 : memref<256x128xf32, #tpu.memory_space<vmem>>)
    %dma_start3A_697 = arith.constant 5632 : i32
    %dma_start3A_698 = tpu.memref_slice %arg13[%dma_start3A_697] : memref<8192xi32, #tpu.memory_space<vmem>> -> memref<256xi32, #tpu.memory_space<vmem>>
    %dma_start3A_699 = arith.constant 0 : i32
    %dma_start3A_700 = arith.constant 0 : i32
    %dma_start3A_701 = tpu.memref_slice %arg11[%dma_start3A_699, %dma_start3A_700] : memref<1384x128xf32, #tpu.memory_space<vmem_shared>> -> memref<1384x128xf32, #tpu.memory_space<vmem_shared>>
    tpu.enqueue_indirect_dma source(%dma_start3A_701 : memref<1384x128xf32, #tpu.memory_space<vmem_shared>>) target(%arg15 : memref<256x128xf32, #tpu.memory_space<vmem>>) offsets(%dma_start3A_698 : memref<256xi32, #tpu.memory_space<vmem>>) semaphore(%arg25 : memref<!tpu.dma_semaphore, #tpu.memory_space<semaphore_mem>>) {add = true}
    %dma_wait3A_702 = arith.constant 5376 : i32
    %dma_wait3A_703 = tpu.memref_slice %arg13[%dma_wait3A_702] : memref<8192xi32, #tpu.memory_space<vmem>> -> memref<256xi32, #tpu.memory_space<vmem>>
    %dma_wait3A_704 = arith.constant 0 : i32
    %dma_wait3A_705 = arith.constant 0 : i32
    %dma_wait3A_706 = tpu.memref_slice %arg11[%dma_wait3A_704, %dma_wait3A_705] : memref<1384x128xf32, #tpu.memory_space<vmem_shared>> -> memref<1384x128xf32, #tpu.memory_space<vmem_shared>>
    tpu.wait_indirect_dma semaphore(%arg24 : memref<!tpu.dma_semaphore, #tpu.memory_space<semaphore_mem>>) src(%dma_wait3A_706 : memref<1384x128xf32, #tpu.memory_space<vmem_shared>>) dst(%arg14 : memref<256x128xf32, #tpu.memory_space<vmem>>)
    %add3A_707 = arith.constant 5376 : i32
    %add3A_708 = arith.addi %mul3A_2, %add3A_707 : i32
    %dma_start3A_709 = arith.constant 0 : i32
    %dma_start3A_710 = tpu.memref_slice %arg10[%add3A_708, %dma_start3A_709] : memref<262144x128xf32, #tpu.memory_space<hbm>> -> memref<256x128xf32, #tpu.memory_space<hbm>>
    %dma_start3A_711 = arith.constant 0 : i32
    %dma_start3A_712 = tpu.memref_slice %arg10[%add3A_708, %dma_start3A_711] : memref<262144x128xf32, #tpu.memory_space<hbm>> -> memref<256x128xf32, #tpu.memory_space<hbm>>
    tpu.enqueue_dma source(%arg14 : memref<256x128xf32, #tpu.memory_space<vmem>>) target(%dma_start3A_712 : memref<256x128xf32, #tpu.memory_space<hbm>>) target_semaphore(%arg27 : memref<!tpu.dma_semaphore, #tpu.memory_space<semaphore_mem>>)
    %dma_wait3A_713 = arith.constant 0 : i32
    %dma_wait3A_714 = tpu.memref_slice %arg10[%add3A_708, %dma_wait3A_713] : memref<262144x128xf32, #tpu.memory_space<hbm>> -> memref<256x128xf32, #tpu.memory_space<hbm>>
    %dma_wait3A_715 = arith.constant 0 : i32
    %dma_wait3A_716 = tpu.memref_slice %arg10[%add3A_708, %dma_wait3A_715] : memref<262144x128xf32, #tpu.memory_space<hbm>> -> memref<256x128xf32, #tpu.memory_space<hbm>>
    tpu.wait_dma2 semaphore(%arg27 : memref<!tpu.dma_semaphore, #tpu.memory_space<semaphore_mem>>) src(%arg14 : memref<256x128xf32, #tpu.memory_space<vmem>>) dst(%dma_wait3A_716 : memref<256x128xf32, #tpu.memory_space<hbm>>)
    %dma_start3A_717 = arith.constant 6144 : i32
    %dma_start3A_718 = tpu.memref_slice %arg12[%dma_start3A_717] : memref<8192xi32, #tpu.memory_space<vmem>> -> memref<256xi32, #tpu.memory_space<vmem>>
    %dma_start3A_719 = arith.constant 0 : i32
    %dma_start3A_720 = arith.constant 0 : i32
    %dma_start3A_721 = tpu.memref_slice %arg11[%dma_start3A_719, %dma_start3A_720] : memref<1384x128xf32, #tpu.memory_space<vmem_shared>> -> memref<1384x128xf32, #tpu.memory_space<vmem_shared>>
    tpu.enqueue_indirect_dma source(%dma_start3A_721 : memref<1384x128xf32, #tpu.memory_space<vmem_shared>>) target(%arg14 : memref<256x128xf32, #tpu.memory_space<vmem>>) offsets(%dma_start3A_718 : memref<256xi32, #tpu.memory_space<vmem>>) semaphore(%arg21 : memref<!tpu.dma_semaphore, #tpu.memory_space<semaphore_mem>>)
    %dma_wait3A_722 = arith.constant 5888 : i32
    %dma_wait3A_723 = tpu.memref_slice %arg12[%dma_wait3A_722] : memref<8192xi32, #tpu.memory_space<vmem>> -> memref<256xi32, #tpu.memory_space<vmem>>
    %dma_wait3A_724 = arith.constant 0 : i32
    %dma_wait3A_725 = arith.constant 0 : i32
    %dma_wait3A_726 = tpu.memref_slice %arg11[%dma_wait3A_724, %dma_wait3A_725] : memref<1384x128xf32, #tpu.memory_space<vmem_shared>> -> memref<1384x128xf32, #tpu.memory_space<vmem_shared>>
    tpu.wait_indirect_dma semaphore(%arg23 : memref<!tpu.dma_semaphore, #tpu.memory_space<semaphore_mem>>) src(%dma_wait3A_726 : memref<1384x128xf32, #tpu.memory_space<vmem_shared>>) dst(%arg16 : memref<256x128xf32, #tpu.memory_space<vmem>>)
    %dma_start3A_727 = arith.constant 5888 : i32
    %dma_start3A_728 = tpu.memref_slice %arg13[%dma_start3A_727] : memref<8192xi32, #tpu.memory_space<vmem>> -> memref<256xi32, #tpu.memory_space<vmem>>
    %dma_start3A_729 = arith.constant 0 : i32
    %dma_start3A_730 = arith.constant 0 : i32
    %dma_start3A_731 = tpu.memref_slice %arg11[%dma_start3A_729, %dma_start3A_730] : memref<1384x128xf32, #tpu.memory_space<vmem_shared>> -> memref<1384x128xf32, #tpu.memory_space<vmem_shared>>
    tpu.enqueue_indirect_dma source(%dma_start3A_731 : memref<1384x128xf32, #tpu.memory_space<vmem_shared>>) target(%arg16 : memref<256x128xf32, #tpu.memory_space<vmem>>) offsets(%dma_start3A_728 : memref<256xi32, #tpu.memory_space<vmem>>) semaphore(%arg26 : memref<!tpu.dma_semaphore, #tpu.memory_space<semaphore_mem>>) {add = true}
    %dma_wait3A_732 = arith.constant 5632 : i32
    %dma_wait3A_733 = tpu.memref_slice %arg13[%dma_wait3A_732] : memref<8192xi32, #tpu.memory_space<vmem>> -> memref<256xi32, #tpu.memory_space<vmem>>
    %dma_wait3A_734 = arith.constant 0 : i32
    %dma_wait3A_735 = arith.constant 0 : i32
    %dma_wait3A_736 = tpu.memref_slice %arg11[%dma_wait3A_734, %dma_wait3A_735] : memref<1384x128xf32, #tpu.memory_space<vmem_shared>> -> memref<1384x128xf32, #tpu.memory_space<vmem_shared>>
    tpu.wait_indirect_dma semaphore(%arg25 : memref<!tpu.dma_semaphore, #tpu.memory_space<semaphore_mem>>) src(%dma_wait3A_736 : memref<1384x128xf32, #tpu.memory_space<vmem_shared>>) dst(%arg15 : memref<256x128xf32, #tpu.memory_space<vmem>>)
    %add3A_737 = arith.constant 5632 : i32
    %add3A_738 = arith.addi %mul3A_2, %add3A_737 : i32
    %dma_start3A_739 = arith.constant 0 : i32
    %dma_start3A_740 = tpu.memref_slice %arg10[%add3A_738, %dma_start3A_739] : memref<262144x128xf32, #tpu.memory_space<hbm>> -> memref<256x128xf32, #tpu.memory_space<hbm>>
    %dma_start3A_741 = arith.constant 0 : i32
    %dma_start3A_742 = tpu.memref_slice %arg10[%add3A_738, %dma_start3A_741] : memref<262144x128xf32, #tpu.memory_space<hbm>> -> memref<256x128xf32, #tpu.memory_space<hbm>>
    tpu.enqueue_dma source(%arg15 : memref<256x128xf32, #tpu.memory_space<vmem>>) target(%dma_start3A_742 : memref<256x128xf32, #tpu.memory_space<hbm>>) target_semaphore(%arg28 : memref<!tpu.dma_semaphore, #tpu.memory_space<semaphore_mem>>)
    %dma_wait3A_743 = arith.constant 0 : i32
    %dma_wait3A_744 = tpu.memref_slice %arg10[%add3A_738, %dma_wait3A_743] : memref<262144x128xf32, #tpu.memory_space<hbm>> -> memref<256x128xf32, #tpu.memory_space<hbm>>
    %dma_wait3A_745 = arith.constant 0 : i32
    %dma_wait3A_746 = tpu.memref_slice %arg10[%add3A_738, %dma_wait3A_745] : memref<262144x128xf32, #tpu.memory_space<hbm>> -> memref<256x128xf32, #tpu.memory_space<hbm>>
    tpu.wait_dma2 semaphore(%arg28 : memref<!tpu.dma_semaphore, #tpu.memory_space<semaphore_mem>>) src(%arg15 : memref<256x128xf32, #tpu.memory_space<vmem>>) dst(%dma_wait3A_746 : memref<256x128xf32, #tpu.memory_space<hbm>>)
    %dma_start3A_747 = arith.constant 6400 : i32
    %dma_start3A_748 = tpu.memref_slice %arg12[%dma_start3A_747] : memref<8192xi32, #tpu.memory_space<vmem>> -> memref<256xi32, #tpu.memory_space<vmem>>
    %dma_start3A_749 = arith.constant 0 : i32
    %dma_start3A_750 = arith.constant 0 : i32
    %dma_start3A_751 = tpu.memref_slice %arg11[%dma_start3A_749, %dma_start3A_750] : memref<1384x128xf32, #tpu.memory_space<vmem_shared>> -> memref<1384x128xf32, #tpu.memory_space<vmem_shared>>
    tpu.enqueue_indirect_dma source(%dma_start3A_751 : memref<1384x128xf32, #tpu.memory_space<vmem_shared>>) target(%arg15 : memref<256x128xf32, #tpu.memory_space<vmem>>) offsets(%dma_start3A_748 : memref<256xi32, #tpu.memory_space<vmem>>) semaphore(%arg22 : memref<!tpu.dma_semaphore, #tpu.memory_space<semaphore_mem>>)
    %dma_wait3A_752 = arith.constant 6144 : i32
    %dma_wait3A_753 = tpu.memref_slice %arg12[%dma_wait3A_752] : memref<8192xi32, #tpu.memory_space<vmem>> -> memref<256xi32, #tpu.memory_space<vmem>>
    %dma_wait3A_754 = arith.constant 0 : i32
    %dma_wait3A_755 = arith.constant 0 : i32
    %dma_wait3A_756 = tpu.memref_slice %arg11[%dma_wait3A_754, %dma_wait3A_755] : memref<1384x128xf32, #tpu.memory_space<vmem_shared>> -> memref<1384x128xf32, #tpu.memory_space<vmem_shared>>
    tpu.wait_indirect_dma semaphore(%arg21 : memref<!tpu.dma_semaphore, #tpu.memory_space<semaphore_mem>>) src(%dma_wait3A_756 : memref<1384x128xf32, #tpu.memory_space<vmem_shared>>) dst(%arg14 : memref<256x128xf32, #tpu.memory_space<vmem>>)
    %dma_start3A_757 = arith.constant 6144 : i32
    %dma_start3A_758 = tpu.memref_slice %arg13[%dma_start3A_757] : memref<8192xi32, #tpu.memory_space<vmem>> -> memref<256xi32, #tpu.memory_space<vmem>>
    %dma_start3A_759 = arith.constant 0 : i32
    %dma_start3A_760 = arith.constant 0 : i32
    %dma_start3A_761 = tpu.memref_slice %arg11[%dma_start3A_759, %dma_start3A_760] : memref<1384x128xf32, #tpu.memory_space<vmem_shared>> -> memref<1384x128xf32, #tpu.memory_space<vmem_shared>>
    tpu.enqueue_indirect_dma source(%dma_start3A_761 : memref<1384x128xf32, #tpu.memory_space<vmem_shared>>) target(%arg14 : memref<256x128xf32, #tpu.memory_space<vmem>>) offsets(%dma_start3A_758 : memref<256xi32, #tpu.memory_space<vmem>>) semaphore(%arg24 : memref<!tpu.dma_semaphore, #tpu.memory_space<semaphore_mem>>) {add = true}
    %dma_wait3A_762 = arith.constant 5888 : i32
    %dma_wait3A_763 = tpu.memref_slice %arg13[%dma_wait3A_762] : memref<8192xi32, #tpu.memory_space<vmem>> -> memref<256xi32, #tpu.memory_space<vmem>>
    %dma_wait3A_764 = arith.constant 0 : i32
    %dma_wait3A_765 = arith.constant 0 : i32
    %dma_wait3A_766 = tpu.memref_slice %arg11[%dma_wait3A_764, %dma_wait3A_765] : memref<1384x128xf32, #tpu.memory_space<vmem_shared>> -> memref<1384x128xf32, #tpu.memory_space<vmem_shared>>
    tpu.wait_indirect_dma semaphore(%arg26 : memref<!tpu.dma_semaphore, #tpu.memory_space<semaphore_mem>>) src(%dma_wait3A_766 : memref<1384x128xf32, #tpu.memory_space<vmem_shared>>) dst(%arg16 : memref<256x128xf32, #tpu.memory_space<vmem>>)
    %add3A_767 = arith.constant 5888 : i32
    %add3A_768 = arith.addi %mul3A_2, %add3A_767 : i32
    %dma_start3A_769 = arith.constant 0 : i32
    %dma_start3A_770 = tpu.memref_slice %arg10[%add3A_768, %dma_start3A_769] : memref<262144x128xf32, #tpu.memory_space<hbm>> -> memref<256x128xf32, #tpu.memory_space<hbm>>
    %dma_start3A_771 = arith.constant 0 : i32
    %dma_start3A_772 = tpu.memref_slice %arg10[%add3A_768, %dma_start3A_771] : memref<262144x128xf32, #tpu.memory_space<hbm>> -> memref<256x128xf32, #tpu.memory_space<hbm>>
    tpu.enqueue_dma source(%arg16 : memref<256x128xf32, #tpu.memory_space<vmem>>) target(%dma_start3A_772 : memref<256x128xf32, #tpu.memory_space<hbm>>) target_semaphore(%arg29 : memref<!tpu.dma_semaphore, #tpu.memory_space<semaphore_mem>>)
    %dma_wait3A_773 = arith.constant 0 : i32
    %dma_wait3A_774 = tpu.memref_slice %arg10[%add3A_768, %dma_wait3A_773] : memref<262144x128xf32, #tpu.memory_space<hbm>> -> memref<256x128xf32, #tpu.memory_space<hbm>>
    %dma_wait3A_775 = arith.constant 0 : i32
    %dma_wait3A_776 = tpu.memref_slice %arg10[%add3A_768, %dma_wait3A_775] : memref<262144x128xf32, #tpu.memory_space<hbm>> -> memref<256x128xf32, #tpu.memory_space<hbm>>
    tpu.wait_dma2 semaphore(%arg29 : memref<!tpu.dma_semaphore, #tpu.memory_space<semaphore_mem>>) src(%arg16 : memref<256x128xf32, #tpu.memory_space<vmem>>) dst(%dma_wait3A_776 : memref<256x128xf32, #tpu.memory_space<hbm>>)
    %dma_start3A_777 = arith.constant 6656 : i32
    %dma_start3A_778 = tpu.memref_slice %arg12[%dma_start3A_777] : memref<8192xi32, #tpu.memory_space<vmem>> -> memref<256xi32, #tpu.memory_space<vmem>>
    %dma_start3A_779 = arith.constant 0 : i32
    %dma_start3A_780 = arith.constant 0 : i32
    %dma_start3A_781 = tpu.memref_slice %arg11[%dma_start3A_779, %dma_start3A_780] : memref<1384x128xf32, #tpu.memory_space<vmem_shared>> -> memref<1384x128xf32, #tpu.memory_space<vmem_shared>>
    tpu.enqueue_indirect_dma source(%dma_start3A_781 : memref<1384x128xf32, #tpu.memory_space<vmem_shared>>) target(%arg16 : memref<256x128xf32, #tpu.memory_space<vmem>>) offsets(%dma_start3A_778 : memref<256xi32, #tpu.memory_space<vmem>>) semaphore(%arg23 : memref<!tpu.dma_semaphore, #tpu.memory_space<semaphore_mem>>)
    %dma_wait3A_782 = arith.constant 6400 : i32
    %dma_wait3A_783 = tpu.memref_slice %arg12[%dma_wait3A_782] : memref<8192xi32, #tpu.memory_space<vmem>> -> memref<256xi32, #tpu.memory_space<vmem>>
    %dma_wait3A_784 = arith.constant 0 : i32
    %dma_wait3A_785 = arith.constant 0 : i32
    %dma_wait3A_786 = tpu.memref_slice %arg11[%dma_wait3A_784, %dma_wait3A_785] : memref<1384x128xf32, #tpu.memory_space<vmem_shared>> -> memref<1384x128xf32, #tpu.memory_space<vmem_shared>>
    tpu.wait_indirect_dma semaphore(%arg22 : memref<!tpu.dma_semaphore, #tpu.memory_space<semaphore_mem>>) src(%dma_wait3A_786 : memref<1384x128xf32, #tpu.memory_space<vmem_shared>>) dst(%arg15 : memref<256x128xf32, #tpu.memory_space<vmem>>)
    %dma_start3A_787 = arith.constant 6400 : i32
    %dma_start3A_788 = tpu.memref_slice %arg13[%dma_start3A_787] : memref<8192xi32, #tpu.memory_space<vmem>> -> memref<256xi32, #tpu.memory_space<vmem>>
    %dma_start3A_789 = arith.constant 0 : i32
    %dma_start3A_790 = arith.constant 0 : i32
    %dma_start3A_791 = tpu.memref_slice %arg11[%dma_start3A_789, %dma_start3A_790] : memref<1384x128xf32, #tpu.memory_space<vmem_shared>> -> memref<1384x128xf32, #tpu.memory_space<vmem_shared>>
    tpu.enqueue_indirect_dma source(%dma_start3A_791 : memref<1384x128xf32, #tpu.memory_space<vmem_shared>>) target(%arg15 : memref<256x128xf32, #tpu.memory_space<vmem>>) offsets(%dma_start3A_788 : memref<256xi32, #tpu.memory_space<vmem>>) semaphore(%arg25 : memref<!tpu.dma_semaphore, #tpu.memory_space<semaphore_mem>>) {add = true}
    %dma_wait3A_792 = arith.constant 6144 : i32
    %dma_wait3A_793 = tpu.memref_slice %arg13[%dma_wait3A_792] : memref<8192xi32, #tpu.memory_space<vmem>> -> memref<256xi32, #tpu.memory_space<vmem>>
    %dma_wait3A_794 = arith.constant 0 : i32
    %dma_wait3A_795 = arith.constant 0 : i32
    %dma_wait3A_796 = tpu.memref_slice %arg11[%dma_wait3A_794, %dma_wait3A_795] : memref<1384x128xf32, #tpu.memory_space<vmem_shared>> -> memref<1384x128xf32, #tpu.memory_space<vmem_shared>>
    tpu.wait_indirect_dma semaphore(%arg24 : memref<!tpu.dma_semaphore, #tpu.memory_space<semaphore_mem>>) src(%dma_wait3A_796 : memref<1384x128xf32, #tpu.memory_space<vmem_shared>>) dst(%arg14 : memref<256x128xf32, #tpu.memory_space<vmem>>)
    %add3A_797 = arith.constant 6144 : i32
    %add3A_798 = arith.addi %mul3A_2, %add3A_797 : i32
    %dma_start3A_799 = arith.constant 0 : i32
    %dma_start3A_800 = tpu.memref_slice %arg10[%add3A_798, %dma_start3A_799] : memref<262144x128xf32, #tpu.memory_space<hbm>> -> memref<256x128xf32, #tpu.memory_space<hbm>>
    %dma_start3A_801 = arith.constant 0 : i32
    %dma_start3A_802 = tpu.memref_slice %arg10[%add3A_798, %dma_start3A_801] : memref<262144x128xf32, #tpu.memory_space<hbm>> -> memref<256x128xf32, #tpu.memory_space<hbm>>
    tpu.enqueue_dma source(%arg14 : memref<256x128xf32, #tpu.memory_space<vmem>>) target(%dma_start3A_802 : memref<256x128xf32, #tpu.memory_space<hbm>>) target_semaphore(%arg27 : memref<!tpu.dma_semaphore, #tpu.memory_space<semaphore_mem>>)
    %dma_wait3A_803 = arith.constant 0 : i32
    %dma_wait3A_804 = tpu.memref_slice %arg10[%add3A_798, %dma_wait3A_803] : memref<262144x128xf32, #tpu.memory_space<hbm>> -> memref<256x128xf32, #tpu.memory_space<hbm>>
    %dma_wait3A_805 = arith.constant 0 : i32
    %dma_wait3A_806 = tpu.memref_slice %arg10[%add3A_798, %dma_wait3A_805] : memref<262144x128xf32, #tpu.memory_space<hbm>> -> memref<256x128xf32, #tpu.memory_space<hbm>>
    tpu.wait_dma2 semaphore(%arg27 : memref<!tpu.dma_semaphore, #tpu.memory_space<semaphore_mem>>) src(%arg14 : memref<256x128xf32, #tpu.memory_space<vmem>>) dst(%dma_wait3A_806 : memref<256x128xf32, #tpu.memory_space<hbm>>)
    %dma_start3A_807 = arith.constant 6912 : i32
    %dma_start3A_808 = tpu.memref_slice %arg12[%dma_start3A_807] : memref<8192xi32, #tpu.memory_space<vmem>> -> memref<256xi32, #tpu.memory_space<vmem>>
    %dma_start3A_809 = arith.constant 0 : i32
    %dma_start3A_810 = arith.constant 0 : i32
    %dma_start3A_811 = tpu.memref_slice %arg11[%dma_start3A_809, %dma_start3A_810] : memref<1384x128xf32, #tpu.memory_space<vmem_shared>> -> memref<1384x128xf32, #tpu.memory_space<vmem_shared>>
    tpu.enqueue_indirect_dma source(%dma_start3A_811 : memref<1384x128xf32, #tpu.memory_space<vmem_shared>>) target(%arg14 : memref<256x128xf32, #tpu.memory_space<vmem>>) offsets(%dma_start3A_808 : memref<256xi32, #tpu.memory_space<vmem>>) semaphore(%arg21 : memref<!tpu.dma_semaphore, #tpu.memory_space<semaphore_mem>>)
    %dma_wait3A_812 = arith.constant 6656 : i32
    %dma_wait3A_813 = tpu.memref_slice %arg12[%dma_wait3A_812] : memref<8192xi32, #tpu.memory_space<vmem>> -> memref<256xi32, #tpu.memory_space<vmem>>
    %dma_wait3A_814 = arith.constant 0 : i32
    %dma_wait3A_815 = arith.constant 0 : i32
    %dma_wait3A_816 = tpu.memref_slice %arg11[%dma_wait3A_814, %dma_wait3A_815] : memref<1384x128xf32, #tpu.memory_space<vmem_shared>> -> memref<1384x128xf32, #tpu.memory_space<vmem_shared>>
    tpu.wait_indirect_dma semaphore(%arg23 : memref<!tpu.dma_semaphore, #tpu.memory_space<semaphore_mem>>) src(%dma_wait3A_816 : memref<1384x128xf32, #tpu.memory_space<vmem_shared>>) dst(%arg16 : memref<256x128xf32, #tpu.memory_space<vmem>>)
    %dma_start3A_817 = arith.constant 6656 : i32
    %dma_start3A_818 = tpu.memref_slice %arg13[%dma_start3A_817] : memref<8192xi32, #tpu.memory_space<vmem>> -> memref<256xi32, #tpu.memory_space<vmem>>
    %dma_start3A_819 = arith.constant 0 : i32
    %dma_start3A_820 = arith.constant 0 : i32
    %dma_start3A_821 = tpu.memref_slice %arg11[%dma_start3A_819, %dma_start3A_820] : memref<1384x128xf32, #tpu.memory_space<vmem_shared>> -> memref<1384x128xf32, #tpu.memory_space<vmem_shared>>
    tpu.enqueue_indirect_dma source(%dma_start3A_821 : memref<1384x128xf32, #tpu.memory_space<vmem_shared>>) target(%arg16 : memref<256x128xf32, #tpu.memory_space<vmem>>) offsets(%dma_start3A_818 : memref<256xi32, #tpu.memory_space<vmem>>) semaphore(%arg26 : memref<!tpu.dma_semaphore, #tpu.memory_space<semaphore_mem>>) {add = true}
    %dma_wait3A_822 = arith.constant 6400 : i32
    %dma_wait3A_823 = tpu.memref_slice %arg13[%dma_wait3A_822] : memref<8192xi32, #tpu.memory_space<vmem>> -> memref<256xi32, #tpu.memory_space<vmem>>
    %dma_wait3A_824 = arith.constant 0 : i32
    %dma_wait3A_825 = arith.constant 0 : i32
    %dma_wait3A_826 = tpu.memref_slice %arg11[%dma_wait3A_824, %dma_wait3A_825] : memref<1384x128xf32, #tpu.memory_space<vmem_shared>> -> memref<1384x128xf32, #tpu.memory_space<vmem_shared>>
    tpu.wait_indirect_dma semaphore(%arg25 : memref<!tpu.dma_semaphore, #tpu.memory_space<semaphore_mem>>) src(%dma_wait3A_826 : memref<1384x128xf32, #tpu.memory_space<vmem_shared>>) dst(%arg15 : memref<256x128xf32, #tpu.memory_space<vmem>>)
    %add3A_827 = arith.constant 6400 : i32
    %add3A_828 = arith.addi %mul3A_2, %add3A_827 : i32
    %dma_start3A_829 = arith.constant 0 : i32
    %dma_start3A_830 = tpu.memref_slice %arg10[%add3A_828, %dma_start3A_829] : memref<262144x128xf32, #tpu.memory_space<hbm>> -> memref<256x128xf32, #tpu.memory_space<hbm>>
    %dma_start3A_831 = arith.constant 0 : i32
    %dma_start3A_832 = tpu.memref_slice %arg10[%add3A_828, %dma_start3A_831] : memref<262144x128xf32, #tpu.memory_space<hbm>> -> memref<256x128xf32, #tpu.memory_space<hbm>>
    tpu.enqueue_dma source(%arg15 : memref<256x128xf32, #tpu.memory_space<vmem>>) target(%dma_start3A_832 : memref<256x128xf32, #tpu.memory_space<hbm>>) target_semaphore(%arg28 : memref<!tpu.dma_semaphore, #tpu.memory_space<semaphore_mem>>)
    %dma_wait3A_833 = arith.constant 0 : i32
    %dma_wait3A_834 = tpu.memref_slice %arg10[%add3A_828, %dma_wait3A_833] : memref<262144x128xf32, #tpu.memory_space<hbm>> -> memref<256x128xf32, #tpu.memory_space<hbm>>
    %dma_wait3A_835 = arith.constant 0 : i32
    %dma_wait3A_836 = tpu.memref_slice %arg10[%add3A_828, %dma_wait3A_835] : memref<262144x128xf32, #tpu.memory_space<hbm>> -> memref<256x128xf32, #tpu.memory_space<hbm>>
    tpu.wait_dma2 semaphore(%arg28 : memref<!tpu.dma_semaphore, #tpu.memory_space<semaphore_mem>>) src(%arg15 : memref<256x128xf32, #tpu.memory_space<vmem>>) dst(%dma_wait3A_836 : memref<256x128xf32, #tpu.memory_space<hbm>>)
    %dma_start3A_837 = arith.constant 7168 : i32
    %dma_start3A_838 = tpu.memref_slice %arg12[%dma_start3A_837] : memref<8192xi32, #tpu.memory_space<vmem>> -> memref<256xi32, #tpu.memory_space<vmem>>
    %dma_start3A_839 = arith.constant 0 : i32
    %dma_start3A_840 = arith.constant 0 : i32
    %dma_start3A_841 = tpu.memref_slice %arg11[%dma_start3A_839, %dma_start3A_840] : memref<1384x128xf32, #tpu.memory_space<vmem_shared>> -> memref<1384x128xf32, #tpu.memory_space<vmem_shared>>
    tpu.enqueue_indirect_dma source(%dma_start3A_841 : memref<1384x128xf32, #tpu.memory_space<vmem_shared>>) target(%arg15 : memref<256x128xf32, #tpu.memory_space<vmem>>) offsets(%dma_start3A_838 : memref<256xi32, #tpu.memory_space<vmem>>) semaphore(%arg22 : memref<!tpu.dma_semaphore, #tpu.memory_space<semaphore_mem>>)
    %dma_wait3A_842 = arith.constant 6912 : i32
    %dma_wait3A_843 = tpu.memref_slice %arg12[%dma_wait3A_842] : memref<8192xi32, #tpu.memory_space<vmem>> -> memref<256xi32, #tpu.memory_space<vmem>>
    %dma_wait3A_844 = arith.constant 0 : i32
    %dma_wait3A_845 = arith.constant 0 : i32
    %dma_wait3A_846 = tpu.memref_slice %arg11[%dma_wait3A_844, %dma_wait3A_845] : memref<1384x128xf32, #tpu.memory_space<vmem_shared>> -> memref<1384x128xf32, #tpu.memory_space<vmem_shared>>
    tpu.wait_indirect_dma semaphore(%arg21 : memref<!tpu.dma_semaphore, #tpu.memory_space<semaphore_mem>>) src(%dma_wait3A_846 : memref<1384x128xf32, #tpu.memory_space<vmem_shared>>) dst(%arg14 : memref<256x128xf32, #tpu.memory_space<vmem>>)
    %dma_start3A_847 = arith.constant 6912 : i32
    %dma_start3A_848 = tpu.memref_slice %arg13[%dma_start3A_847] : memref<8192xi32, #tpu.memory_space<vmem>> -> memref<256xi32, #tpu.memory_space<vmem>>
    %dma_start3A_849 = arith.constant 0 : i32
    %dma_start3A_850 = arith.constant 0 : i32
    %dma_start3A_851 = tpu.memref_slice %arg11[%dma_start3A_849, %dma_start3A_850] : memref<1384x128xf32, #tpu.memory_space<vmem_shared>> -> memref<1384x128xf32, #tpu.memory_space<vmem_shared>>
    tpu.enqueue_indirect_dma source(%dma_start3A_851 : memref<1384x128xf32, #tpu.memory_space<vmem_shared>>) target(%arg14 : memref<256x128xf32, #tpu.memory_space<vmem>>) offsets(%dma_start3A_848 : memref<256xi32, #tpu.memory_space<vmem>>) semaphore(%arg24 : memref<!tpu.dma_semaphore, #tpu.memory_space<semaphore_mem>>) {add = true}
    %dma_wait3A_852 = arith.constant 6656 : i32
    %dma_wait3A_853 = tpu.memref_slice %arg13[%dma_wait3A_852] : memref<8192xi32, #tpu.memory_space<vmem>> -> memref<256xi32, #tpu.memory_space<vmem>>
    %dma_wait3A_854 = arith.constant 0 : i32
    %dma_wait3A_855 = arith.constant 0 : i32
    %dma_wait3A_856 = tpu.memref_slice %arg11[%dma_wait3A_854, %dma_wait3A_855] : memref<1384x128xf32, #tpu.memory_space<vmem_shared>> -> memref<1384x128xf32, #tpu.memory_space<vmem_shared>>
    tpu.wait_indirect_dma semaphore(%arg26 : memref<!tpu.dma_semaphore, #tpu.memory_space<semaphore_mem>>) src(%dma_wait3A_856 : memref<1384x128xf32, #tpu.memory_space<vmem_shared>>) dst(%arg16 : memref<256x128xf32, #tpu.memory_space<vmem>>)
    %add3A_857 = arith.constant 6656 : i32
    %add3A_858 = arith.addi %mul3A_2, %add3A_857 : i32
    %dma_start3A_859 = arith.constant 0 : i32
    %dma_start3A_860 = tpu.memref_slice %arg10[%add3A_858, %dma_start3A_859] : memref<262144x128xf32, #tpu.memory_space<hbm>> -> memref<256x128xf32, #tpu.memory_space<hbm>>
    %dma_start3A_861 = arith.constant 0 : i32
    %dma_start3A_862 = tpu.memref_slice %arg10[%add3A_858, %dma_start3A_861] : memref<262144x128xf32, #tpu.memory_space<hbm>> -> memref<256x128xf32, #tpu.memory_space<hbm>>
    tpu.enqueue_dma source(%arg16 : memref<256x128xf32, #tpu.memory_space<vmem>>) target(%dma_start3A_862 : memref<256x128xf32, #tpu.memory_space<hbm>>) target_semaphore(%arg29 : memref<!tpu.dma_semaphore, #tpu.memory_space<semaphore_mem>>)
    %dma_wait3A_863 = arith.constant 0 : i32
    %dma_wait3A_864 = tpu.memref_slice %arg10[%add3A_858, %dma_wait3A_863] : memref<262144x128xf32, #tpu.memory_space<hbm>> -> memref<256x128xf32, #tpu.memory_space<hbm>>
    %dma_wait3A_865 = arith.constant 0 : i32
    %dma_wait3A_866 = tpu.memref_slice %arg10[%add3A_858, %dma_wait3A_865] : memref<262144x128xf32, #tpu.memory_space<hbm>> -> memref<256x128xf32, #tpu.memory_space<hbm>>
    tpu.wait_dma2 semaphore(%arg29 : memref<!tpu.dma_semaphore, #tpu.memory_space<semaphore_mem>>) src(%arg16 : memref<256x128xf32, #tpu.memory_space<vmem>>) dst(%dma_wait3A_866 : memref<256x128xf32, #tpu.memory_space<hbm>>)
    %dma_start3A_867 = arith.constant 7424 : i32
    %dma_start3A_868 = tpu.memref_slice %arg12[%dma_start3A_867] : memref<8192xi32, #tpu.memory_space<vmem>> -> memref<256xi32, #tpu.memory_space<vmem>>
    %dma_start3A_869 = arith.constant 0 : i32
    %dma_start3A_870 = arith.constant 0 : i32
    %dma_start3A_871 = tpu.memref_slice %arg11[%dma_start3A_869, %dma_start3A_870] : memref<1384x128xf32, #tpu.memory_space<vmem_shared>> -> memref<1384x128xf32, #tpu.memory_space<vmem_shared>>
    tpu.enqueue_indirect_dma source(%dma_start3A_871 : memref<1384x128xf32, #tpu.memory_space<vmem_shared>>) target(%arg16 : memref<256x128xf32, #tpu.memory_space<vmem>>) offsets(%dma_start3A_868 : memref<256xi32, #tpu.memory_space<vmem>>) semaphore(%arg23 : memref<!tpu.dma_semaphore, #tpu.memory_space<semaphore_mem>>)
    %dma_wait3A_872 = arith.constant 7168 : i32
    %dma_wait3A_873 = tpu.memref_slice %arg12[%dma_wait3A_872] : memref<8192xi32, #tpu.memory_space<vmem>> -> memref<256xi32, #tpu.memory_space<vmem>>
    %dma_wait3A_874 = arith.constant 0 : i32
    %dma_wait3A_875 = arith.constant 0 : i32
    %dma_wait3A_876 = tpu.memref_slice %arg11[%dma_wait3A_874, %dma_wait3A_875] : memref<1384x128xf32, #tpu.memory_space<vmem_shared>> -> memref<1384x128xf32, #tpu.memory_space<vmem_shared>>
    tpu.wait_indirect_dma semaphore(%arg22 : memref<!tpu.dma_semaphore, #tpu.memory_space<semaphore_mem>>) src(%dma_wait3A_876 : memref<1384x128xf32, #tpu.memory_space<vmem_shared>>) dst(%arg15 : memref<256x128xf32, #tpu.memory_space<vmem>>)
    %dma_start3A_877 = arith.constant 7168 : i32
    %dma_start3A_878 = tpu.memref_slice %arg13[%dma_start3A_877] : memref<8192xi32, #tpu.memory_space<vmem>> -> memref<256xi32, #tpu.memory_space<vmem>>
    %dma_start3A_879 = arith.constant 0 : i32
    %dma_start3A_880 = arith.constant 0 : i32
    %dma_start3A_881 = tpu.memref_slice %arg11[%dma_start3A_879, %dma_start3A_880] : memref<1384x128xf32, #tpu.memory_space<vmem_shared>> -> memref<1384x128xf32, #tpu.memory_space<vmem_shared>>
    tpu.enqueue_indirect_dma source(%dma_start3A_881 : memref<1384x128xf32, #tpu.memory_space<vmem_shared>>) target(%arg15 : memref<256x128xf32, #tpu.memory_space<vmem>>) offsets(%dma_start3A_878 : memref<256xi32, #tpu.memory_space<vmem>>) semaphore(%arg25 : memref<!tpu.dma_semaphore, #tpu.memory_space<semaphore_mem>>) {add = true}
    %dma_wait3A_882 = arith.constant 6912 : i32
    %dma_wait3A_883 = tpu.memref_slice %arg13[%dma_wait3A_882] : memref<8192xi32, #tpu.memory_space<vmem>> -> memref<256xi32, #tpu.memory_space<vmem>>
    %dma_wait3A_884 = arith.constant 0 : i32
    %dma_wait3A_885 = arith.constant 0 : i32
    %dma_wait3A_886 = tpu.memref_slice %arg11[%dma_wait3A_884, %dma_wait3A_885] : memref<1384x128xf32, #tpu.memory_space<vmem_shared>> -> memref<1384x128xf32, #tpu.memory_space<vmem_shared>>
    tpu.wait_indirect_dma semaphore(%arg24 : memref<!tpu.dma_semaphore, #tpu.memory_space<semaphore_mem>>) src(%dma_wait3A_886 : memref<1384x128xf32, #tpu.memory_space<vmem_shared>>) dst(%arg14 : memref<256x128xf32, #tpu.memory_space<vmem>>)
    %add3A_887 = arith.constant 6912 : i32
    %add3A_888 = arith.addi %mul3A_2, %add3A_887 : i32
    %dma_start3A_889 = arith.constant 0 : i32
    %dma_start3A_890 = tpu.memref_slice %arg10[%add3A_888, %dma_start3A_889] : memref<262144x128xf32, #tpu.memory_space<hbm>> -> memref<256x128xf32, #tpu.memory_space<hbm>>
    %dma_start3A_891 = arith.constant 0 : i32
    %dma_start3A_892 = tpu.memref_slice %arg10[%add3A_888, %dma_start3A_891] : memref<262144x128xf32, #tpu.memory_space<hbm>> -> memref<256x128xf32, #tpu.memory_space<hbm>>
    tpu.enqueue_dma source(%arg14 : memref<256x128xf32, #tpu.memory_space<vmem>>) target(%dma_start3A_892 : memref<256x128xf32, #tpu.memory_space<hbm>>) target_semaphore(%arg27 : memref<!tpu.dma_semaphore, #tpu.memory_space<semaphore_mem>>)
    %dma_wait3A_893 = arith.constant 0 : i32
    %dma_wait3A_894 = tpu.memref_slice %arg10[%add3A_888, %dma_wait3A_893] : memref<262144x128xf32, #tpu.memory_space<hbm>> -> memref<256x128xf32, #tpu.memory_space<hbm>>
    %dma_wait3A_895 = arith.constant 0 : i32
    %dma_wait3A_896 = tpu.memref_slice %arg10[%add3A_888, %dma_wait3A_895] : memref<262144x128xf32, #tpu.memory_space<hbm>> -> memref<256x128xf32, #tpu.memory_space<hbm>>
    tpu.wait_dma2 semaphore(%arg27 : memref<!tpu.dma_semaphore, #tpu.memory_space<semaphore_mem>>) src(%arg14 : memref<256x128xf32, #tpu.memory_space<vmem>>) dst(%dma_wait3A_896 : memref<256x128xf32, #tpu.memory_space<hbm>>)
    %dma_start3A_897 = arith.constant 7680 : i32
    %dma_start3A_898 = tpu.memref_slice %arg12[%dma_start3A_897] : memref<8192xi32, #tpu.memory_space<vmem>> -> memref<256xi32, #tpu.memory_space<vmem>>
    %dma_start3A_899 = arith.constant 0 : i32
    %dma_start3A_900 = arith.constant 0 : i32
    %dma_start3A_901 = tpu.memref_slice %arg11[%dma_start3A_899, %dma_start3A_900] : memref<1384x128xf32, #tpu.memory_space<vmem_shared>> -> memref<1384x128xf32, #tpu.memory_space<vmem_shared>>
    tpu.enqueue_indirect_dma source(%dma_start3A_901 : memref<1384x128xf32, #tpu.memory_space<vmem_shared>>) target(%arg14 : memref<256x128xf32, #tpu.memory_space<vmem>>) offsets(%dma_start3A_898 : memref<256xi32, #tpu.memory_space<vmem>>) semaphore(%arg21 : memref<!tpu.dma_semaphore, #tpu.memory_space<semaphore_mem>>)
    %dma_wait3A_902 = arith.constant 7424 : i32
    %dma_wait3A_903 = tpu.memref_slice %arg12[%dma_wait3A_902] : memref<8192xi32, #tpu.memory_space<vmem>> -> memref<256xi32, #tpu.memory_space<vmem>>
    %dma_wait3A_904 = arith.constant 0 : i32
    %dma_wait3A_905 = arith.constant 0 : i32
    %dma_wait3A_906 = tpu.memref_slice %arg11[%dma_wait3A_904, %dma_wait3A_905] : memref<1384x128xf32, #tpu.memory_space<vmem_shared>> -> memref<1384x128xf32, #tpu.memory_space<vmem_shared>>
    tpu.wait_indirect_dma semaphore(%arg23 : memref<!tpu.dma_semaphore, #tpu.memory_space<semaphore_mem>>) src(%dma_wait3A_906 : memref<1384x128xf32, #tpu.memory_space<vmem_shared>>) dst(%arg16 : memref<256x128xf32, #tpu.memory_space<vmem>>)
    %dma_start3A_907 = arith.constant 7424 : i32
    %dma_start3A_908 = tpu.memref_slice %arg13[%dma_start3A_907] : memref<8192xi32, #tpu.memory_space<vmem>> -> memref<256xi32, #tpu.memory_space<vmem>>
    %dma_start3A_909 = arith.constant 0 : i32
    %dma_start3A_910 = arith.constant 0 : i32
    %dma_start3A_911 = tpu.memref_slice %arg11[%dma_start3A_909, %dma_start3A_910] : memref<1384x128xf32, #tpu.memory_space<vmem_shared>> -> memref<1384x128xf32, #tpu.memory_space<vmem_shared>>
    tpu.enqueue_indirect_dma source(%dma_start3A_911 : memref<1384x128xf32, #tpu.memory_space<vmem_shared>>) target(%arg16 : memref<256x128xf32, #tpu.memory_space<vmem>>) offsets(%dma_start3A_908 : memref<256xi32, #tpu.memory_space<vmem>>) semaphore(%arg26 : memref<!tpu.dma_semaphore, #tpu.memory_space<semaphore_mem>>) {add = true}
    %dma_wait3A_912 = arith.constant 7168 : i32
    %dma_wait3A_913 = tpu.memref_slice %arg13[%dma_wait3A_912] : memref<8192xi32, #tpu.memory_space<vmem>> -> memref<256xi32, #tpu.memory_space<vmem>>
    %dma_wait3A_914 = arith.constant 0 : i32
    %dma_wait3A_915 = arith.constant 0 : i32
    %dma_wait3A_916 = tpu.memref_slice %arg11[%dma_wait3A_914, %dma_wait3A_915] : memref<1384x128xf32, #tpu.memory_space<vmem_shared>> -> memref<1384x128xf32, #tpu.memory_space<vmem_shared>>
    tpu.wait_indirect_dma semaphore(%arg25 : memref<!tpu.dma_semaphore, #tpu.memory_space<semaphore_mem>>) src(%dma_wait3A_916 : memref<1384x128xf32, #tpu.memory_space<vmem_shared>>) dst(%arg15 : memref<256x128xf32, #tpu.memory_space<vmem>>)
    %add3A_917 = arith.constant 7168 : i32
    %add3A_918 = arith.addi %mul3A_2, %add3A_917 : i32
    %dma_start3A_919 = arith.constant 0 : i32
    %dma_start3A_920 = tpu.memref_slice %arg10[%add3A_918, %dma_start3A_919] : memref<262144x128xf32, #tpu.memory_space<hbm>> -> memref<256x128xf32, #tpu.memory_space<hbm>>
    %dma_start3A_921 = arith.constant 0 : i32
    %dma_start3A_922 = tpu.memref_slice %arg10[%add3A_918, %dma_start3A_921] : memref<262144x128xf32, #tpu.memory_space<hbm>> -> memref<256x128xf32, #tpu.memory_space<hbm>>
    tpu.enqueue_dma source(%arg15 : memref<256x128xf32, #tpu.memory_space<vmem>>) target(%dma_start3A_922 : memref<256x128xf32, #tpu.memory_space<hbm>>) target_semaphore(%arg28 : memref<!tpu.dma_semaphore, #tpu.memory_space<semaphore_mem>>)
    %dma_wait3A_923 = arith.constant 0 : i32
    %dma_wait3A_924 = tpu.memref_slice %arg10[%add3A_918, %dma_wait3A_923] : memref<262144x128xf32, #tpu.memory_space<hbm>> -> memref<256x128xf32, #tpu.memory_space<hbm>>
    %dma_wait3A_925 = arith.constant 0 : i32
    %dma_wait3A_926 = tpu.memref_slice %arg10[%add3A_918, %dma_wait3A_925] : memref<262144x128xf32, #tpu.memory_space<hbm>> -> memref<256x128xf32, #tpu.memory_space<hbm>>
    tpu.wait_dma2 semaphore(%arg28 : memref<!tpu.dma_semaphore, #tpu.memory_space<semaphore_mem>>) src(%arg15 : memref<256x128xf32, #tpu.memory_space<vmem>>) dst(%dma_wait3A_926 : memref<256x128xf32, #tpu.memory_space<hbm>>)
    %dma_start3A_927 = arith.constant 7936 : i32
    %dma_start3A_928 = tpu.memref_slice %arg12[%dma_start3A_927] : memref<8192xi32, #tpu.memory_space<vmem>> -> memref<256xi32, #tpu.memory_space<vmem>>
    %dma_start3A_929 = arith.constant 0 : i32
    %dma_start3A_930 = arith.constant 0 : i32
    %dma_start3A_931 = tpu.memref_slice %arg11[%dma_start3A_929, %dma_start3A_930] : memref<1384x128xf32, #tpu.memory_space<vmem_shared>> -> memref<1384x128xf32, #tpu.memory_space<vmem_shared>>
    tpu.enqueue_indirect_dma source(%dma_start3A_931 : memref<1384x128xf32, #tpu.memory_space<vmem_shared>>) target(%arg15 : memref<256x128xf32, #tpu.memory_space<vmem>>) offsets(%dma_start3A_928 : memref<256xi32, #tpu.memory_space<vmem>>) semaphore(%arg22 : memref<!tpu.dma_semaphore, #tpu.memory_space<semaphore_mem>>)
    %dma_wait3A_932 = arith.constant 7680 : i32
    %dma_wait3A_933 = tpu.memref_slice %arg12[%dma_wait3A_932] : memref<8192xi32, #tpu.memory_space<vmem>> -> memref<256xi32, #tpu.memory_space<vmem>>
    %dma_wait3A_934 = arith.constant 0 : i32
    %dma_wait3A_935 = arith.constant 0 : i32
    %dma_wait3A_936 = tpu.memref_slice %arg11[%dma_wait3A_934, %dma_wait3A_935] : memref<1384x128xf32, #tpu.memory_space<vmem_shared>> -> memref<1384x128xf32, #tpu.memory_space<vmem_shared>>
    tpu.wait_indirect_dma semaphore(%arg21 : memref<!tpu.dma_semaphore, #tpu.memory_space<semaphore_mem>>) src(%dma_wait3A_936 : memref<1384x128xf32, #tpu.memory_space<vmem_shared>>) dst(%arg14 : memref<256x128xf32, #tpu.memory_space<vmem>>)
    %dma_start3A_937 = arith.constant 7680 : i32
    %dma_start3A_938 = tpu.memref_slice %arg13[%dma_start3A_937] : memref<8192xi32, #tpu.memory_space<vmem>> -> memref<256xi32, #tpu.memory_space<vmem>>
    %dma_start3A_939 = arith.constant 0 : i32
    %dma_start3A_940 = arith.constant 0 : i32
    %dma_start3A_941 = tpu.memref_slice %arg11[%dma_start3A_939, %dma_start3A_940] : memref<1384x128xf32, #tpu.memory_space<vmem_shared>> -> memref<1384x128xf32, #tpu.memory_space<vmem_shared>>
    tpu.enqueue_indirect_dma source(%dma_start3A_941 : memref<1384x128xf32, #tpu.memory_space<vmem_shared>>) target(%arg14 : memref<256x128xf32, #tpu.memory_space<vmem>>) offsets(%dma_start3A_938 : memref<256xi32, #tpu.memory_space<vmem>>) semaphore(%arg24 : memref<!tpu.dma_semaphore, #tpu.memory_space<semaphore_mem>>) {add = true}
    %dma_wait3A_942 = arith.constant 7424 : i32
    %dma_wait3A_943 = tpu.memref_slice %arg13[%dma_wait3A_942] : memref<8192xi32, #tpu.memory_space<vmem>> -> memref<256xi32, #tpu.memory_space<vmem>>
    %dma_wait3A_944 = arith.constant 0 : i32
    %dma_wait3A_945 = arith.constant 0 : i32
    %dma_wait3A_946 = tpu.memref_slice %arg11[%dma_wait3A_944, %dma_wait3A_945] : memref<1384x128xf32, #tpu.memory_space<vmem_shared>> -> memref<1384x128xf32, #tpu.memory_space<vmem_shared>>
    tpu.wait_indirect_dma semaphore(%arg26 : memref<!tpu.dma_semaphore, #tpu.memory_space<semaphore_mem>>) src(%dma_wait3A_946 : memref<1384x128xf32, #tpu.memory_space<vmem_shared>>) dst(%arg16 : memref<256x128xf32, #tpu.memory_space<vmem>>)
    %add3A_947 = arith.constant 7424 : i32
    %add3A_948 = arith.addi %mul3A_2, %add3A_947 : i32
    %dma_start3A_949 = arith.constant 0 : i32
    %dma_start3A_950 = tpu.memref_slice %arg10[%add3A_948, %dma_start3A_949] : memref<262144x128xf32, #tpu.memory_space<hbm>> -> memref<256x128xf32, #tpu.memory_space<hbm>>
    %dma_start3A_951 = arith.constant 0 : i32
    %dma_start3A_952 = tpu.memref_slice %arg10[%add3A_948, %dma_start3A_951] : memref<262144x128xf32, #tpu.memory_space<hbm>> -> memref<256x128xf32, #tpu.memory_space<hbm>>
    tpu.enqueue_dma source(%arg16 : memref<256x128xf32, #tpu.memory_space<vmem>>) target(%dma_start3A_952 : memref<256x128xf32, #tpu.memory_space<hbm>>) target_semaphore(%arg29 : memref<!tpu.dma_semaphore, #tpu.memory_space<semaphore_mem>>)
    %dma_wait3A_953 = arith.constant 7936 : i32
    %dma_wait3A_954 = tpu.memref_slice %arg12[%dma_wait3A_953] : memref<8192xi32, #tpu.memory_space<vmem>> -> memref<256xi32, #tpu.memory_space<vmem>>
    %dma_wait3A_955 = arith.constant 0 : i32
    %dma_wait3A_956 = arith.constant 0 : i32
    %dma_wait3A_957 = tpu.memref_slice %arg11[%dma_wait3A_955, %dma_wait3A_956] : memref<1384x128xf32, #tpu.memory_space<vmem_shared>> -> memref<1384x128xf32, #tpu.memory_space<vmem_shared>>
    tpu.wait_indirect_dma semaphore(%arg22 : memref<!tpu.dma_semaphore, #tpu.memory_space<semaphore_mem>>) src(%dma_wait3A_957 : memref<1384x128xf32, #tpu.memory_space<vmem_shared>>) dst(%arg15 : memref<256x128xf32, #tpu.memory_space<vmem>>)
    %dma_start3A_958 = arith.constant 7936 : i32
    %dma_start3A_959 = tpu.memref_slice %arg13[%dma_start3A_958] : memref<8192xi32, #tpu.memory_space<vmem>> -> memref<256xi32, #tpu.memory_space<vmem>>
    %dma_start3A_960 = arith.constant 0 : i32
    %dma_start3A_961 = arith.constant 0 : i32
    %dma_start3A_962 = tpu.memref_slice %arg11[%dma_start3A_960, %dma_start3A_961] : memref<1384x128xf32, #tpu.memory_space<vmem_shared>> -> memref<1384x128xf32, #tpu.memory_space<vmem_shared>>
    tpu.enqueue_indirect_dma source(%dma_start3A_962 : memref<1384x128xf32, #tpu.memory_space<vmem_shared>>) target(%arg15 : memref<256x128xf32, #tpu.memory_space<vmem>>) offsets(%dma_start3A_959 : memref<256xi32, #tpu.memory_space<vmem>>) semaphore(%arg25 : memref<!tpu.dma_semaphore, #tpu.memory_space<semaphore_mem>>) {add = true}
    %dma_wait3A_963 = arith.constant 7680 : i32
    %dma_wait3A_964 = tpu.memref_slice %arg13[%dma_wait3A_963] : memref<8192xi32, #tpu.memory_space<vmem>> -> memref<256xi32, #tpu.memory_space<vmem>>
    %dma_wait3A_965 = arith.constant 0 : i32
    %dma_wait3A_966 = arith.constant 0 : i32
    %dma_wait3A_967 = tpu.memref_slice %arg11[%dma_wait3A_965, %dma_wait3A_966] : memref<1384x128xf32, #tpu.memory_space<vmem_shared>> -> memref<1384x128xf32, #tpu.memory_space<vmem_shared>>
    tpu.wait_indirect_dma semaphore(%arg24 : memref<!tpu.dma_semaphore, #tpu.memory_space<semaphore_mem>>) src(%dma_wait3A_967 : memref<1384x128xf32, #tpu.memory_space<vmem_shared>>) dst(%arg14 : memref<256x128xf32, #tpu.memory_space<vmem>>)
    %add3A_968 = arith.constant 7680 : i32
    %add3A_969 = arith.addi %mul3A_2, %add3A_968 : i32
    %dma_start3A_970 = arith.constant 0 : i32
    %dma_start3A_971 = tpu.memref_slice %arg10[%add3A_969, %dma_start3A_970] : memref<262144x128xf32, #tpu.memory_space<hbm>> -> memref<256x128xf32, #tpu.memory_space<hbm>>
    %dma_start3A_972 = arith.constant 0 : i32
    %dma_start3A_973 = tpu.memref_slice %arg10[%add3A_969, %dma_start3A_972] : memref<262144x128xf32, #tpu.memory_space<hbm>> -> memref<256x128xf32, #tpu.memory_space<hbm>>
    tpu.enqueue_dma source(%arg14 : memref<256x128xf32, #tpu.memory_space<vmem>>) target(%dma_start3A_973 : memref<256x128xf32, #tpu.memory_space<hbm>>) target_semaphore(%arg27 : memref<!tpu.dma_semaphore, #tpu.memory_space<semaphore_mem>>)
    %dma_wait3A_974 = arith.constant 7936 : i32
    %dma_wait3A_975 = tpu.memref_slice %arg13[%dma_wait3A_974] : memref<8192xi32, #tpu.memory_space<vmem>> -> memref<256xi32, #tpu.memory_space<vmem>>
    %dma_wait3A_976 = arith.constant 0 : i32
    %dma_wait3A_977 = arith.constant 0 : i32
    %dma_wait3A_978 = tpu.memref_slice %arg11[%dma_wait3A_976, %dma_wait3A_977] : memref<1384x128xf32, #tpu.memory_space<vmem_shared>> -> memref<1384x128xf32, #tpu.memory_space<vmem_shared>>
    tpu.wait_indirect_dma semaphore(%arg25 : memref<!tpu.dma_semaphore, #tpu.memory_space<semaphore_mem>>) src(%dma_wait3A_978 : memref<1384x128xf32, #tpu.memory_space<vmem_shared>>) dst(%arg15 : memref<256x128xf32, #tpu.memory_space<vmem>>)
    %add3A_979 = arith.constant 7936 : i32
    %add3A_980 = arith.addi %mul3A_2, %add3A_979 : i32
    %dma_start3A_981 = arith.constant 0 : i32
    %dma_start3A_982 = tpu.memref_slice %arg10[%add3A_980, %dma_start3A_981] : memref<262144x128xf32, #tpu.memory_space<hbm>> -> memref<256x128xf32, #tpu.memory_space<hbm>>
    %dma_start3A_983 = arith.constant 0 : i32
    %dma_start3A_984 = tpu.memref_slice %arg10[%add3A_980, %dma_start3A_983] : memref<262144x128xf32, #tpu.memory_space<hbm>> -> memref<256x128xf32, #tpu.memory_space<hbm>>
    tpu.enqueue_dma source(%arg15 : memref<256x128xf32, #tpu.memory_space<vmem>>) target(%dma_start3A_984 : memref<256x128xf32, #tpu.memory_space<hbm>>) target_semaphore(%arg28 : memref<!tpu.dma_semaphore, #tpu.memory_space<semaphore_mem>>)
    %dma_wait3A_985 = arith.constant 0 : i32
    %dma_wait3A_986 = tpu.memref_slice %arg10[%add3A_969, %dma_wait3A_985] : memref<262144x128xf32, #tpu.memory_space<hbm>> -> memref<256x128xf32, #tpu.memory_space<hbm>>
    %dma_wait3A_987 = arith.constant 0 : i32
    %dma_wait3A_988 = tpu.memref_slice %arg10[%add3A_969, %dma_wait3A_987] : memref<262144x128xf32, #tpu.memory_space<hbm>> -> memref<256x128xf32, #tpu.memory_space<hbm>>
    tpu.wait_dma2 semaphore(%arg27 : memref<!tpu.dma_semaphore, #tpu.memory_space<semaphore_mem>>) src(%arg14 : memref<256x128xf32, #tpu.memory_space<vmem>>) dst(%dma_wait3A_988 : memref<256x128xf32, #tpu.memory_space<hbm>>)
    %dma_wait3A_989 = arith.constant 0 : i32
    %dma_wait3A_990 = tpu.memref_slice %arg10[%add3A_980, %dma_wait3A_989] : memref<262144x128xf32, #tpu.memory_space<hbm>> -> memref<256x128xf32, #tpu.memory_space<hbm>>
    %dma_wait3A_991 = arith.constant 0 : i32
    %dma_wait3A_992 = tpu.memref_slice %arg10[%add3A_980, %dma_wait3A_991] : memref<262144x128xf32, #tpu.memory_space<hbm>> -> memref<256x128xf32, #tpu.memory_space<hbm>>
    tpu.wait_dma2 semaphore(%arg28 : memref<!tpu.dma_semaphore, #tpu.memory_space<semaphore_mem>>) src(%arg15 : memref<256x128xf32, #tpu.memory_space<vmem>>) dst(%dma_wait3A_992 : memref<256x128xf32, #tpu.memory_space<hbm>>)
    %dma_wait3A_993 = arith.constant 0 : i32
    %dma_wait3A_994 = tpu.memref_slice %arg10[%add3A_948, %dma_wait3A_993] : memref<262144x128xf32, #tpu.memory_space<hbm>> -> memref<256x128xf32, #tpu.memory_space<hbm>>
    %dma_wait3A_995 = arith.constant 0 : i32
    %dma_wait3A_996 = tpu.memref_slice %arg10[%add3A_948, %dma_wait3A_995] : memref<262144x128xf32, #tpu.memory_space<hbm>> -> memref<256x128xf32, #tpu.memory_space<hbm>>
    tpu.wait_dma2 semaphore(%arg29 : memref<!tpu.dma_semaphore, #tpu.memory_space<semaphore_mem>>) src(%arg16 : memref<256x128xf32, #tpu.memory_space<vmem>>) dst(%dma_wait3A_996 : memref<256x128xf32, #tpu.memory_space<hbm>>)
    return
  }
}

</mosaic_0001>

<sc_bundles>
// kernel: kernel.3.cloned.1.call-start
scs
__scs_entry_jumppad:
0x0: {  	(pc) =	sbr.rel $0x88, $3  }
0x1: {  	(tag) =	ssettag $0x0;
	lr =	simm.s32 $0x1  }
0x2: {  	[smem:$0x3F9B] =	sst lr;
	_ =	strace $0xD0000000  }
0x3: {  	_ = 	snop  }
0x4: {  	_ = 	snop  }
0x5: {  	_ = 	snop  }
0x6: {  	_ = 	snop  }
0x7: {  	_ = 	snop  }
__scs_overlays_trampoline_lowered:
0x8: {  	[smem:$0x3FAA] =	sst s0  }
0x9: {  	[smem:$0x3FAB] =	sst s1  }
0xa: {  	[smem:$0x3FAC] =	sst s2  }
0xb: {  	[smem:$0x3FAD] =	sst s3  }
0xc: {  	[smem:$0x3FAE] =	sst s4  }
0xd: {  	[smem:$0x3FAF] =	sst s5  }
0xe: {  	[smem:$0x3FB0] =	sst s6  }
0xf: {  	[smem:$0x3FB1] =	sst s7  }
0x10: {  	[smem:$0x3FB2] =	sst s8  }
0x11: {  	[smem:$0x3FB3] =	sst s9;
	s0 =	simm.s32 @!p0 $0x0  }
0x12: {  	s1 =	sld [smem:$0x3F99];
	s0 =	simm.s32 @p0 $0x1  }
0x13: {  	[smem:$0x3FB4] =	sst s0;
	s0 =	simm.s32 @!p1 $0x0  }
0x14: {  	s2 =	sld [smem:$0x3F98];
	s0 =	simm.s32 @p1 $0x1  }
0x15: {  	[smem:$0x3FB5] =	sst s0;
	s0 =	simm.s32 @!p2 $0x0  }
0x16: {  	s3 =	sld [smem:$0x3FDB];
	s0 =	simm.s32 @p2 $0x1  }
0x17: {  	s4 =	simm.s32 $0x1BF5;
	[smem:$0x3FB7] =	sst s0  }
0x18: {  	s0 =	sld [smem:$0x3F9A];
	_ =	swait.ge [sflag:s4], $0x0  }
0x19: {  	s7 =	sld [smem:$0x3F9B]  }
0x1a: {  	s8 =	sadd.s32 $0xFFFFE003, lr  }
0x1b: {  	s9 =	sadd.s32 $0xFFFFFEF7, lr;
	s5 =	simm.s32 $0xFFFFFFFF;
	p2 =	slt.u32 s8, $0xFFFFF086  }
0x1c: {  	p1 =	slt.u32 s9, $0xF7A;
	s5 =	simm.s32 @!p2 $0x0  }
0x1d: {  	s5 =	simm.s32 @p1 $0x1;
	p0 =	seq.s32 s7, s2  }
0x1e: {  	s7 =	smul.u32 @!p0 $0xF7A, s2;
	p2 =	seq.s32 @!p0 s5, $0x0  }
0x1f: {  	s9 =	smul.u32 $0xF7A, s1;
	s8 =	simm.s32 @!p0 $0x1BF5;
	p2 =	por !p2, p0  }
0x20: {  	[sflag:s8] =	ssyncset.s32 @!p0 $0xFFFFF086;
	s6 =	sadd.s32 @!p0 s3, s7;
	s7 =	simm.s32 @!p0 $0x108  }
0x21: {  	s3 =	sadd.s32 s3, s9;
	s6 =	sadd.s32 @!p0 $0x88, s6;
	s7 =	simm.s32 @p2 $0x1082  }
0x22: {  	[simem:s7], [sflag:s8] =	dma.local @!p0 [hbm:s6], $0xF7A  }
0x23: {  	s9 =	sor.u32 $0xD0000000, s2;
	s6 =	simm.s32 $0x108;
	_ =	swait.ge @!p0 [sflag:s8], $0x0  }
0x24: {  	s3 =	sadd.s32 $0x88, s3;
	s6 =	simm.s32 @!p1 $0x1082;
	[sflag:s4] =	ssyncset.s32 $0xFFFFF086  }
0x25: {  	[simem:s6], [sflag:s4] =	dma.local [hbm:s3], $0xF7A  }
0x26: {  	[smem:$0x3F9B] =	sst s1;
	(tag) =	ssettag s2;
	_ =	strace s9  }
0x27: {  	s1 =	sld [smem:$0x3FAB]  }
0x28: {  	s2 =	sld [smem:$0x3FAC]  }
0x29: {  	s4 =	sld [smem:$0x3FAE]  }
0x2a: {  	p0 =	seq.s32 s5, $0x0;
	s5 =	sld [smem:$0x3FAF]  }
0x2b: {  	s6 =	sld [smem:$0x3FB0]  }
0x2c: {  	s7 =	sld [smem:$0x3FB1]  }
0x2d: {  	s3 =	simm.s32 $0x108;
	s8 =	sld [smem:$0x3FB2]  }
0x2e: {  	s3 =	simm.s32 @!p0 $0x1082;
	s9 =	sld [smem:$0x3FB3]  }
0x2f: {  	lr =	sadd.s32 s0, s3;
	s0 =	sld [smem:$0x3FAA]  }
0x30: {  	s3 =	sld [smem:$0x3FAD]  }
0x31: {  	[smem:$0x3FB6] =	sst s10  }
0x32: {  	s10 =	sld [smem:$0x3FB4];
	_ =	sdelay $0x3  }
0x33: {  	p0 =	seq.s32 s10, $0x1;
	s10 =	sld [smem:$0x3FB6];
	_ =	sdelay $0x3  }
0x34: {  	[smem:$0x3FB6] =	sst s10  }
0x35: {  	s10 =	sld [smem:$0x3FB5];
	_ =	sdelay $0x3  }
0x36: {  	p1 =	seq.s32 s10, $0x1;
	s10 =	sld [smem:$0x3FB6];
	_ =	sdelay $0x3  }
0x37: {  	[smem:$0x3FB6] =	sst s10  }
0x38: {  	s10 =	sld [smem:$0x3FB7]  }
0x39: {  	_ = 	snop;
	(pc) =	sbr.ind lr, $3  }
0x3a: {  	_ = 	snop  }
0x3b: {  	_ = 	snop  }
0x3c: {  	p2 =	seq.s32 s10, $0x1;
	s10 =	sld [smem:$0x3FB6]  }
0x3d: {  	_ =	shalt  }
0x3e: {  	_ =	shalt  }
0x3f: {  	_ =	shalt  }
0x40: {  	_ =	shalt  }
0x41: {  	_ =	shalt  }
0x42: {  	_ =	shalt  }
0x43: {  	_ =	shalt  }
0x44: {  	_ =	shalt  }
0x45: {  	_ =	shalt  }
0x46: {  	_ =	shalt  }
0x47: {  	_ =	shalt  }
0x48: {  	_ =	shalt  }
0x49: {  	_ =	shalt  }
0x4a: {  	_ =	shalt  }
0x4b: {  	_ =	shalt  }
0x4c: {  	_ =	shalt  }
0x4d: {  	_ =	shalt  }
0x4e: {  	_ =	shalt  }
0x4f: {  	_ =	shalt  }
0x50: {  	_ =	shalt  }
0x51: {  	_ =	shalt  }
0x52: {  	_ =	shalt  }
0x53: {  	_ =	shalt  }
0x54: {  	_ =	shalt  }
0x55: {  	_ =	shalt  }
0x56: {  	_ =	shalt  }
0x57: {  	_ =	shalt  }
0x58: {  	_ =	shalt  }
0x59: {  	_ =	shalt  }
0x5a: {  	_ =	shalt  }
0x5b: {  	_ =	shalt  }
0x5c: {  	_ =	shalt  }
0x5d: {  	_ =	shalt  }
0x5e: {  	_ =	shalt  }
0x5f: {  	_ =	shalt  }
0x60: {  	_ =	shalt  }
0x61: {  	_ =	shalt  }
0x62: {  	_ =	shalt  }
0x63: {  	_ =	shalt  }
0x64: {  	_ =	shalt  }
0x65: {  	_ =	shalt  }
0x66: {  	_ =	shalt  }
0x67: {  	_ =	shalt  }
0x68: {  	_ =	shalt  }
0x69: {  	_ =	shalt  }
0x6a: {  	_ =	shalt  }
0x6b: {  	_ =	shalt  }
0x6c: {  	_ =	shalt  }
0x6d: {  	_ =	shalt  }
0x6e: {  	_ =	shalt  }
0x6f: {  	_ =	shalt  }
0x70: {  	_ =	shalt  }
0x71: {  	_ =	shalt  }
0x72: {  	_ =	shalt  }
0x73: {  	_ =	shalt  }
0x74: {  	_ =	shalt  }
0x75: {  	_ =	shalt  }
0x76: {  	_ =	shalt  }
0x77: {  	_ =	shalt  }
0x78: {  	_ =	shalt  }
0x79: {  	_ =	shalt  }
0x7a: {  	_ =	shalt  }
0x7b: {  	_ =	shalt  }
0x7c: {  	_ =	shalt  }
0x7d: {  	_ =	shalt  }
0x7e: {  	_ =	shalt  }
0x7f: {  	_ =	shalt  }
0x80: {  	_ =	shalt  }
0x81: {  	_ =	shalt  }
0x82: {  	_ =	shalt  }
0x83: {  	_ =	shalt  }
0x84: {  	_ =	shalt  }
0x85: {  	_ =	shalt  }
0x86: {  	_ =	shalt  }
0x87: {  	_ =	shalt  }
.Lfunc_end0:
.L_simem_size_0:
called_computation_lowered:
.L_overlay_start_0:
0x88: {  	s2 =	sld [smem:$0x3FD9]  }
0x89: {  	s3 =	sld [smem:$0x3FFE];
	_ =	sdelay $0x1  }
0x8a: {  	s1 =	srdreg.scid  }
0x8b: {  	s0 =	sand.u32 $0x1, s1  }
0x8c: {  	s17 =	sshll.u32 s0, $0xA;
	s2 =	sadd.s32 s3, s2  }
0x8d: {  	s2 =	sadd.s32 s2, s17  }
0x8e: {  	[smem:$0x3FC2] =	sst s2  }
0x8f: {  	_ = 	snop  }
0x90: {  	s2 =	sld [smem:$0x3FC6]  }
0x91: {  	s18 =	sld [smem:$0x3FC5]  }
0x92: {  	s4 =	sld [smem:$0x3FC4]  }
0x93: {  	s5 =	sld [smem:$0x3FD0];
	(tm) =	ssettm $0x1  }
0x94: {  	s6 =	sld [smem:$0x3FFB];
	_ =	sdelay $0x3  }
0x95: {  	_ =	strace s6  }
0x96: {  	s6 =	sld [smem:$0x3FFC];
	_ =	sdelay $0x3  }
0x97: {  	_ =	strace s6  }
0x98: {  	s6 =	sld [smem:$0x3FFD];
	_ =	sdelay $0x3  }
0x99: {  	_ =	strace s6  }
0x9a: {  	_ =	strace $0x8FFFFFFF  }
0x9b: {  	s19 =	sld [smem:$0x3FDB];
	_ =	sdelay $0x1  }
0x9c: {  	s7 =	simm.s32 $_scs_section_size  }
0x9d: {  	s8 =	simm.s32 $_size__tile_overlayer_lowered;
	s9 =	simm.s32 $_tile_overlayer_lowered  }
0x9e: {  	s22 =	simm.s32 $0x1BFF;
	s21 =	sshll.u32 s9, $0x1;
	s6 =	sadd.s32 s7, s19  }
0x9f: {  	s10 =	simm.s32 $0x0;
	s20 =	sshll.u32 s8, $0x1;
	s8 =	sadd.s32 s21, s6  }
0xa0: {  	[timem:s10], [sflag:s22] =	dma.local [hbm:s8], s20  }
0xa1: {  	_ =	swait.ge [sflag:s22], s20  }
0xa2: {  	s7 =	ssub.s32 $0x0, s20;
	[sflag:s22] =	ssyncset.done $0x0  }
0xa3: {  	[sflag:s22] =	ssyncadd.s32 s7;
	_ =	sdelay $0x1  }
0xa4: {  	s23 =	simm.s32 $0x1B8B  }
0xa5: {  	_ =	swait.ge [sflag:s23], $0x1  }
0xa6: {  	[sflag:s23] =	ssyncset.done $0x0  }
0xa7: {  	s25 =	simm.s32 $0x1B8E;
	s24 =	sld [smem:$0x3FFE];
	[sflag:s23] =	ssyncadd.s32 $0xFFFFFFFF  }
0xa8: {  	s26 =	simm.s32 $execute0_lowered;
	[smem:$0x3FD2] =	sst s25  }
0xa9: {  	s8 =	sshll.u32 s26, $0x1;
	_ =	strace $0x80000046;
	[dreg:$0x1] =	wrdreg $0xFFFFFFFF  }
0xaa: {  	s28 =	simm.s32 $_size_execute0_lowered;
	s6 =	sadd.s32 s6, s8;
	[dreg:$0x0] =	wrdreg $0x0  }
0xab: {  	s8 =	sshll.u32 s28, $0x1;
	[dreg:$0x2] =	wrdreg s6  }
0xac: {  	[dreg:$0x3] =	wrdreg s8  }
0xad: {  	[dreg:$0x4] =	wrdreg $0xC0  }
0xae: {  	_ =	task [dreg:s10], $0x5FFFF  }
0xaf: {  	[dreg:$0x1] =	wrdreg $0xFFFFFFFF  }
0xb0: {  	[dreg:$0x0] =	wrdreg $0x60  }
0xb1: {  	[dreg:$0x2] =	wrdreg s24  }
0xb2: {  	[dreg:$0x3] =	wrdreg s2  }
0xb3: {  	[dreg:$0x4] =	wrdreg s18  }
0xb4: {  	[dreg:$0x5] =	wrdreg s4  }
0xb5: {  	[dreg:$0x6] =	wrdreg s5  }
0xb6: {  	[dreg:$0x7] =	wrdreg $0x0  }
0xb7: {  	[dreg:$0x8] =	wrdreg $0x9  }
0xb8: {  	_ =	task.clear_ibuf [dreg:s10], $0x9FFFF;
	_ =	strace $0x90000046  }
0xb9: {  	s29 =	simm.s32 $0x9;
	_ =	strace $0x80000048  }
0xba: {  	_ =	swait.ge [sflag:s29], $0x1  }
0xbb: {  	[sflag:s29] =	ssyncadd.s32 $0xFFFFFFFF  }
0xbc: {  	_ =	strace $0x90000048  }
0xbd: {  	_ =	sfence  }
0xbe: {  	s30 =	sld [smem:$0x0];
	_ =	sdelay $0x2  }
0xbf: {  	s31 =	sshll.u32 s1, $0xD;
	s1 =	sshrl.u32 s1, $0x2  }
0xc0: {  	s3 =	sand.u32 $0x4000, s31;
	s1 =	sadd.s32 s1, s30  }
0xc1: {  	s0 =	sor.u32 s3, s0;
	s1 =	sshll.u32 s1, $0x11  }
0xc2: {  	s0 =	sor.u32 s1, s0  }
0xc3: {  	s0 =	sadd.s32 $0x8F2B, s0  }
0xc4: {  	[sflag:s0] =	ssyncadd.remote.s32 $0x1  }
0xc5: {  	_ =	sfence.sel $0xFFFF  }
0xc6: {  	[dreg:$0x0] =	wrdreg $0xFFFFFFFF;
	(pc) =	sbr.abs _section_cstart, $3  }
0xc7: {  	[dreg:$0x1] =	wrdreg $0xFFFFFFFF  }
0xc8: {  	_ =	task.clear_ibuf [dreg:s10], $0x2FFFF;
	_ =	strace $0x9FFFFFFF  }
0xc9: {  	(tm) =	ssettm $0x7FFFFFFF  }
tec
execute0_lowered:
.L_overlay_start_1:
0x0: {  	(tag) =	ssettag $0x1  }
0x1: {  	s0 =	rddreg [dreg:$0x0]  }
0x2: {  	s1 =	rddreg [dreg:$0x1]  }
0x3: {  	s22 =	rddreg [dreg:$0x2]  }
0x4: {  	s23 =	rddreg [dreg:$0x3]  }
0x5: {  	s5 =	rddreg [dreg:$0x4]  }
0x6: {  	s2 =	rddreg [dreg:$0x5]  }
0x7: {  	s28 =	rddreg [dreg:$0x6]  }
0x8: {  	s24 =	srdreg.scid;
	[dreg:$0x7] =	wrdreg s1  }
0x9: {  	s3 =	stileid.u32;
	[dreg:$0x8] =	wrdreg s22  }
0xa: {  	[dreg:$0x9] =	wrdreg s23;
	s4 =	sand.u32 $0x1, s24;
	s6 =	sshll.u32 s3, $0xE  }
0xb: {  	s1 =	simm.s32 $0x0;
	s8 =	smul.u32 $0xA, s3;
	s7 =	sshll.u32 s4, $0xD  }
0xc: {  	s9 =	sadd.s32 $0x10C00, s0;
	[smem:$0x7FF] =	sst s1;
	s6 =	sor.u32 s7, s6  }
0xd: {  	_ =	strace $0x80000047;
	[dreg:$0xa] =	wrdreg s9;
	s7 =	sshrl.u32 s6, $0x3  }
0xe: {  	s7 =	sadd.s32 s7, s0;
	s0 =	sadd.s32 s8, s0;
	s8 =	sadd.s32 $0x28000, s2  }
0xf: {  	s25 =	sadd.s32 $0xC00, s7;
	[dreg:$0x10] =	wrdreg s8  }
0x10: {  	s7 =	sadd.s32 $0x8C00, s7;
	[dreg:$0xb] =	wrdreg s25  }
0x11: {  	s6 =	sshll.u32 s6, $0x4;
	s29 =	sadd.s32 $0xA00, s0;
	[dreg:$0xc] =	wrdreg s7  }
0x12: {  	s19 =	sadd.s32 s5, s6;
	s0 =	sadd.s32 $0x800, s0;
	[dreg:$0xd] =	wrdreg s29  }
0x13: {  	s9 =	sadd.s32 $0x1000, s19;
	[dreg:$0xe] =	wrdreg s0  }
0x14: {  	s10 =	sadd.s32 $0x2000, s19;
	[dreg:$0x11] =	wrdreg s9  }
0x15: {  	s11 =	sadd.s32 $0x3000, s19;
	[dreg:$0x12] =	wrdreg s10  }
0x16: {  	s12 =	sadd.s32 $0x4000, s19;
	[dreg:$0x13] =	wrdreg s11  }
0x17: {  	s13 =	sadd.s32 $0x5000, s19;
	[dreg:$0x14] =	wrdreg s12  }
0x18: {  	s14 =	sadd.s32 $0x6000, s19;
	[dreg:$0x15] =	wrdreg s13  }
0x19: {  	s15 =	sadd.s32 $0x7000, s19;
	[dreg:$0x16] =	wrdreg s14  }
0x1a: {  	s16 =	sadd.s32 $0x8000, s19;
	[dreg:$0x17] =	wrdreg s15  }
0x1b: {  	s17 =	sadd.s32 $0x9000, s19;
	[dreg:$0x18] =	wrdreg s16  }
0x1c: {  	s18 =	sadd.s32 $0xA000, s19;
	[dreg:$0x19] =	wrdreg s17  }
0x1d: {  	s20 =	sadd.s32 $0xB000, s19;
	[dreg:$0x1a] =	wrdreg s18  }
0x1e: {  	s21 =	sadd.s32 $0xC000, s19;
	[dreg:$0x1b] =	wrdreg s20  }
0x1f: {  	s22 =	sadd.s32 $0xD000, s19;
	[dreg:$0x1c] =	wrdreg s21  }
0x20: {  	s26 =	smul.u32 $0xA000, s3;
	s23 =	sadd.s32 $0xE000, s19;
	[dreg:$0x1d] =	wrdreg s22  }
0x21: {  	s24 =	sadd.s32 $0xF000, s19;
	[dreg:$0x1e] =	wrdreg s23  }
0x22: {  	s30 =	sshrl.u32 s26, $0x2;
	s26 =	sadd.s32 $0x11000, s19;
	[dreg:$0x1f] =	wrdreg s24  }
0x23: {  	s5 =	sadd.s32 $0x14000, s19;
	[smem:$0x7B3] =	sst s26  }
0x24: {  	s6 =	sadd.s32 $0x15000, s19;
	[smem:$0x7B6] =	sst s5  }
0x25: {  	s8 =	sadd.s32 $0x17000, s19;
	[smem:$0x7B7] =	sst s6  }
0x26: {  	[smem:$0x7B9] =	sst s8  }
0x27: {  	s7 =	sadd.s32 s30, s2;
	s0 =	rddreg [dreg:$0xa]  }
0x28: {  	s25 =	sadd.s32 $0x10000, s19;
	[dreg:$0xf] =	wrdreg s7  }
0x29: {  	s29 =	sadd.s32 $0x12000, s19;
	[smem:$0x7B2] =	sst s25  }
0x2a: {  	s30 =	sadd.s32 $0x13000, s19;
	[smem:$0x7B4] =	sst s29  }
0x2b: {  	s9 =	sadd.s32 $0x18000, s19;
	[smem:$0x7B5] =	sst s30  }
0x2c: {  	s10 =	sadd.s32 $0x19000, s19;
	[smem:$0x7BA] =	sst s9  }
0x2d: {  	s11 =	sadd.s32 $0x1A000, s19;
	[smem:$0x7BB] =	sst s10  }
0x2e: {  	s12 =	sadd.s32 $0x1B000, s19;
	[smem:$0x7BC] =	sst s11  }
0x2f: {  	s13 =	sadd.s32 $0x1C000, s19;
	[smem:$0x7BD] =	sst s12  }
0x30: {  	s14 =	sadd.s32 $0x1D000, s19;
	[smem:$0x7BE] =	sst s13  }
0x31: {  	s15 =	sadd.s32 $0x1E000, s19;
	[smem:$0x7BF] =	sst s14  }
0x32: {  	s16 =	sadd.s32 $0x1F000, s19;
	[smem:$0x7C0] =	sst s15  }
0x33: {  	s17 =	simm.s32 $0x1EC40;
	[smem:$0x7C1] =	sst s16  }
0x34: {  	s18 =	simm.s32 $0x2C40;
	[smem:$0x7C2] =	sst s17  }
0x35: {  	s20 =	simm.s32 $0x2D40;
	[smem:$0x7C3] =	sst s18  }
0x36: {  	s21 =	simm.s32 $0x4C40;
	[smem:$0x7C4] =	sst s20  }
0x37: {  	s22 =	simm.s32 $0x2E40;
	[smem:$0x7C5] =	sst s21  }
0x38: {  	s23 =	simm.s32 $0x4D40;
	[smem:$0x7C6] =	sst s22  }
0x39: {  	s24 =	simm.s32 $0x2F40;
	[smem:$0x7C7] =	sst s23  }
0x3a: {  	s26 =	simm.s32 $0x3040;
	[smem:$0x7C8] =	sst s24  }
0x3b: {  	s5 =	simm.s32 $0x5040;
	[smem:$0x7CA] =	sst s26  }
0x3c: {  	s6 =	simm.s32 $0x3240;
	[smem:$0x7CD] =	sst s5  }
0x3d: {  	s8 =	simm.s32 $0x3340;
	[smem:$0x7CE] =	sst s6  }
0x3e: {  	s7 =	sadd.s32 $0x16000, s19;
	[smem:$0x7D0] =	sst s8  }
0x3f: {  	s25 =	simm.s32 $0x4E40;
	[smem:$0x7B8] =	sst s7  }
0x40: {  	s29 =	simm.s32 $0x4F40;
	[smem:$0x7C9] =	sst s25  }
0x41: {  	s30 =	simm.s32 $0x3140;
	[smem:$0x7CB] =	sst s29  }
0x42: {  	s9 =	simm.s32 $0x5240;
	[smem:$0x7CC] =	sst s30  }
0x43: {  	s10 =	simm.s32 $0x3440;
	[smem:$0x7D1] =	sst s9  }
0x44: {  	s11 =	simm.s32 $0x5340;
	[smem:$0x7D2] =	sst s10  }
0x45: {  	s12 =	simm.s32 $0x3540;
	[smem:$0x7D3] =	sst s11  }
0x46: {  	s13 =	simm.s32 $0x5440;
	[smem:$0x7D4] =	sst s12  }
0x47: {  	s14 =	simm.s32 $0x3640;
	[smem:$0x7D5] =	sst s13  }
0x48: {  	s15 =	simm.s32 $0x5540;
	[smem:$0x7D6] =	sst s14  }
0x49: {  	s16 =	simm.s32 $0x3740;
	[smem:$0x7D7] =	sst s15  }
0x4a: {  	s17 =	simm.s32 $0x5640;
	[smem:$0x7D8] =	sst s16  }
0x4b: {  	s18 =	simm.s32 $0x3840;
	[smem:$0x7D9] =	sst s17  }
0x4c: {  	s20 =	simm.s32 $0x5740;
	[smem:$0x7DA] =	sst s18  }
0x4d: {  	s21 =	simm.s32 $0x3940;
	[smem:$0x7DB] =	sst s20  }
0x4e: {  	s22 =	simm.s32 $0x5840;
	[smem:$0x7DC] =	sst s21  }
0x4f: {  	s23 =	simm.s32 $0x3A40;
	[smem:$0x7DD] =	sst s22  }
0x50: {  	s24 =	simm.s32 $0x5940;
	[smem:$0x7DE] =	sst s23  }
0x51: {  	s26 =	simm.s32 $0x5A40;
	[smem:$0x7DF] =	sst s24  }
0x52: {  	s5 =	simm.s32 $0x3D40;
	[smem:$0x7E1] =	sst s26  }
0x53: {  	s6 =	simm.s32 $0x5C40;
	[smem:$0x7E4] =	sst s5  }
0x54: {  	s7 =	simm.s32 $0x5140;
	[smem:$0x7E5] =	sst s6  }
0x55: {  	p1 =	por $0x0, $0x0;
	s25 =	simm.s32 $0x3B40;
	[smem:$0x7CF] =	sst s7  }
0x56: {  	p0 =	sne.s32 s3, $0x0;
	s29 =	simm.s32 $0x3C40;
	[smem:$0x7E0] =	sst s25  }
0x57: {  	s3 =	simm.s32 $0x6B40;
	s30 =	simm.s32 $0x5B40;
	[smem:$0x7E2] =	sst s29  }
0x58: {  	s4 =	ssub.s32 $0x2, s4;
	s9 =	simm.s32 $0x5D40;
	[smem:$0x7E3] =	sst s30  }
0x59: {  	s8 =	sshrl.u32 s4, $0x1;
	s10 =	simm.s32 $0x3F40;
	[smem:$0x7E7] =	sst s9  }
0x5a: {  	s4 =	ssub.s32 s4, s8;
	s11 =	simm.s32 $0x5E40;
	[smem:$0x7E8] =	sst s10  }
0x5b: {  	s12 =	simm.s32 $0x4040;
	s22 =	simm.s32 $0xB;
	[smem:$0x7E9] =	sst s11  }
0x5c: {  	s13 =	simm.s32 $0x5F40;
	s21 =	simm.s32 $0x2B40;
	[smem:$0x7EA] =	sst s12  }
0x5d: {  	s14 =	simm.s32 $0x4140;
	s20 =	simm.s32 $0x4B40;
	[smem:$0x7EB] =	sst s13  }
0x5e: {  	s16 =	simm.s32 $0x6040;
	s24 =	simm.s32 $0x1EB40;
	[smem:$0x7EC] =	sst s14  }
0x5f: {  	s17 =	simm.s32 $0x4240;
	s23 =	simm.s32 $0x1EBC0;
	[smem:$0x7ED] =	sst s16  }
0x60: {  	s18 =	simm.s32 $0x6140;
	s26 =	simm.s32 $0x4340;
	[smem:$0x7EE] =	sst s17  }
0x61: {  	s8 =	simm.s32 $0x2;
	s5 =	simm.s32 $0x3;
	[smem:$0x7EF] =	sst s18  }
0x62: {  	s6 =	simm.s32 $0x4540;
	s7 =	simm.s32 $0x3E40;
	[smem:$0x7F0] =	sst s26  }
0x63: {  	s15 =	smax.u32 s4, $0x1;
	s25 =	simm.s32 $0x50;
	[smem:$0x7F4] =	sst s6  }
0x64: {  	s29 =	simm.s32 $0x6240;
	s26 =	simm.s32 $0x1;
	[smem:$0x7E6] =	sst s7  }
0x65: {  	s30 =	simm.s32 $0x4440;
	s4 =	simm.s32 $0x6340;
	[smem:$0x7F1] =	sst s29  }
0x66: {  	s9 =	simm.s32 $0x6440;
	s10 =	simm.s32 $0x4640;
	[smem:$0x7F2] =	sst s30  }
0x67: {  	s13 =	simm.s32 $0x16B40;
	s11 =	simm.s32 $0x6540;
	[smem:$0x7F3] =	sst s4  }
0x68: {  	s12 =	simm.s32 $0x4740;
	s6 =	simm.s32 $0x8;
	[smem:$0x7F5] =	sst s9  }
0x69: {  	s14 =	simm.s32 $0x6640;
	s16 =	simm.s32 $0x4;
	[smem:$0x7F6] =	sst s10  }
0x6a: {  	s17 =	simm.s32 $0x4840;
	s18 =	simm.s32 $0x6740;
	[smem:$0x7F7] =	sst s11  }
0x6b: {  	s7 =	simm.s32 $0x100;
	[smem:$0x7F8] =	sst s12;
	s31 =	sadd.s32 $0xFFFFFFFF, s15  }
0x6c: {  	s4 =	simm.s32 $0xEB40;
	[smem:$0x7F9] =	sst s14;
	p2 =	sne.s32 s31, $0x0  }
.Ltmp0:
0x6d: {  	s9 =	simm.s32 $0x5;
	[smem:$0x7FA] =	sst s17;
	(pc) =	sbr.rel @!p2 .LBB2_1-.Ltmp0, $4  }
0x6e: {  	s12 =	simm.s32 $0x6;
	s10 =	simm.s32 $0x9;
	[smem:$0x7FB] =	sst s18  }
0x6f: {  	s29 =	simm.s32 $0x4940;
	s14 =	simm.s32 $0x7;
	s30 =	simm.s32 $0x6840  }
0x70: {  	s11 =	simm.s32 $0xA;
	s18 =	simm.s32 $0x4A40;
	[smem:$0x7FC] =	sst s29  }
0x71: {  	s17 =	simm.s32 $0x6940;
	s15 =	simm.s32 $0x6A40;
	[smem:$0x7FD] =	sst s30  }
0x72: {  	s28 =	sld [smem:$0x7C2];
	_ =	sdelay $0x2  }
0x73: {  	[tilespmem:s28], [sflag:$0xB] =	stream.linear.gather [hbm4b:s0+s1], $0x10, $0x38;
	[tilespmem:$0x1ECC0] =	vst v63  }
0x74: {  	_ =	swait.ge [sflag:s22], $0x10  }
0x75: {  	[sflag:s22] =	ssyncset.done $0x0  }
0x76: {  	s0 =	rddreg [dreg:$0xb];
	[sflag:s22] =	ssyncadd.s32 $0xFFFFFFF0  }
0x77: {  	[tilespmem:s21], [sflag:$0x2] =	stream.linear.gather [hbm4b:s0+s1], $0x2000, $0x38;
	[tilespmem:$0x1ECC0] =	vst v63  }
0x78: {  	s28 =	rddreg [dreg:$0xc]  }
0x79: {  	[tilespmem:s20], [sflag:$0x3] =	stream.linear.gather [hbm4b:s28+s1], $0x2000, $0x38;
	[tilespmem:$0x1ECC0] =	vst v63  }
0x7a: {  	s0 =	rddreg [dreg:$0xd]  }
0x7b: {  	[tilespmem:s24], [sflag:$0xB] =	stream.linear.gather [hbm4b:s0+s1], $0x50, $0x38;
	[tilespmem:$0x1ECC0] =	vst v63  }
0x7c: {  	_ =	swait.ge [sflag:s22], $0x50  }
0x7d: {  	[sflag:s22] =	ssyncset.done $0x0  }
0x7e: {  	s0 =	rddreg [dreg:$0xe];
	[sflag:s22] =	ssyncadd.s32 $0xFFFFFFB0  }
0x7f: {  	[tilespmem:s23], [sflag:$0xB] =	stream.linear.gather [hbm4b:s0+s1], $0x50, $0x38;
	[tilespmem:$0x1ECC0] =	vst v63  }
0x80: {  	_ =	swait.ge [sflag:s22], $0x50  }
0x81: {  	[sflag:s22] =	ssyncset.done $0x0  }
0x82: {  	s0 =	rddreg [dreg:$0x7];
	[sflag:s22] =	ssyncadd.s32 $0xFFFFFFB0  }
0x83: {  	[tilespmem:s3], [sflag:$0x1] =	stream.indirect.gather [hbm4b:s0+s25], $0x80, s24, s25, $0xb8;
	[tilespmem:$0x1ECC0] =	vst v63  }
0x84: {  	_ =	swait.ge [sflag:s26], $0x2800  }
0x85: {  	[sflag:s26] =	ssyncset.done $0x0  }
0x86: {  	s0 =	rddreg [dreg:$0x8];
	[sflag:s26] =	ssyncadd.s32 $0xFFFFD800  }
0x87: {  	[tilespmem:s3], [sflag:$0x1] =	stream.indirect.gather.add.f32 [hbm:s0], $0x80, s23, s25, $0xb8;
	[tilespmem:$0x1ECC0] =	vst v63  }
0x88: {  	_ =	swait.ge [sflag:s26], $0x2800  }
0x89: {  	[sflag:s26] =	ssyncset.done $0x0  }
0x8a: {  	s0 =	rddreg [dreg:$0xf];
	[sflag:s26] =	ssyncadd.s32 $0xFFFFD800  }
0x8b: {  	[spmem:s0] =	stream.linear.scatter [tilespmem:s3], [sflag:$0xB], $0x2800, $0x38;
	[tilespmem:$0x1ECC0] =	vst v63  }
0x8c: {  	_ =	swait.ge [sflag:s22], $0x2800  }
0x8d: {  	s29 =	simm.s32 @!p0 $0x0;
	s30 =	simm.s32 @!p0 $0xEB40;
	[sflag:s22] =	ssyncset.done $0x0  }
0x8e: {  	s28 =	simm.s32 @!p0 $0xB;
	s0 =	rddreg [dreg:$0x9];
	[sflag:s22] =	ssyncadd.s32 $0xFFFFD800  }
0x8f: {  	[tilespmem:s30], [sflag:$0xB] =	stream.linear.gather @!p0 [hbm4b:s0+s29], $0x3200, $0x38;
	[tilespmem:$0x1ECC0] =	vst v63  }
0x90: {  	_ =	swait.ge @!p0 [sflag:s28], $0x3200  }
0x91: {  	[sflag:s28] =	ssyncset.done @!p0 $0x0  }
0x92: {  	s0 =	rddreg [dreg:$0x10];
	[sflag:s28] =	ssyncadd.s32 @!p0 $0xFFFFCE00  }
0x93: {  	[spmem:s0] =	stream.linear.scatter @!p0 [tilespmem:s30], [sflag:$0xB], $0x3200, $0x38;
	[tilespmem:$0x1ECC0] =	vst v63  }
0x94: {  	_ =	swait.ge @!p0 [sflag:s28], $0x3200  }
0x95: {  	[sflag:s28] =	ssyncset.done @!p0 $0x0  }
0x96: {  	[sflag:s28] =	ssyncadd.s32 @!p0 $0xFFFFCE00  }
0x97: {  	_ =	swait.ge [sflag:s8], $0x2000  }
0x98: {  	[sflag:s8] =	ssyncset.done $0x0  }
0x99: {  	[sflag:s8] =	ssyncadd.s32 $0xFFFFE000  }
0x9a: {  	_ =	swait.ge [sflag:s5], $0x2000  }
0x9b: {  	[sflag:s5] =	ssyncset.done $0x0  }
0x9c: {  	[sflag:s5] =	ssyncadd.s32 $0xFFFFE000  }
0x9d: {  	[bflag:$0x0] =	sbarrier.arrive $0xFFFF  }
0x9e: {  	s0 =	sld [smem:$0x7C3]  }
0x9f: {  	[tilespmem:s3], [sflag:$0x2] =	stream.indirect.gather [spmem:s2], $0x80, s21, s7, $0xb8;
	[tilespmem:$0x1ECC0] =	vst v63  }
0xa0: {  	_ = 	snop  }
0xa1: {  	[tilespmem:s4], [sflag:$0x3] =	stream.indirect.gather [spmem:s2], $0x80, s0, s7, $0xb8;
	[tilespmem:$0x1ECC0] =	vst v63  }
0xa2: {  	_ =	swait.ge [sflag:s8], $0x8000  }
0xa3: {  	[sflag:s8] =	ssyncset.done $0x0  }
0xa4: {  	s0 =	sld [smem:$0x7C4];
	[sflag:s8] =	ssyncadd.s32 $0xFFFF8000  }
0xa5: {  	[tilespmem:s3], [sflag:$0x5] =	stream.indirect.gather.add.f32 [spmem:s2], $0x80, s20, s7, $0xb8;
	[tilespmem:$0x1ECC0] =	vst v63  }
0xa6: {  	_ = 	snop  }
0xa7: {  	[tilespmem:s13], [sflag:$0x4] =	stream.indirect.gather [spmem:s2], $0x80, s0, s7, $0xb8;
	[tilespmem:$0x1ECC0] =	vst v63  }
0xa8: {  	_ =	swait.ge [sflag:s5], $0x8000  }
0xa9: {  	s0 =	sld [smem:$0x7C5]  }
0xaa: {  	[sflag:s5] =	ssyncset.done $0x0  }
0xab: {  	[sflag:s5] =	ssyncadd.s32 $0xFFFF8000  }
0xac: {  	[tilespmem:s4], [sflag:$0x6] =	stream.indirect.gather.add.f32 [spmem:s2], $0x80, s0, s7, $0xb8;
	[tilespmem:$0x1ECC0] =	vst v63  }
0xad: {  	_ =	swait.ge [sflag:s9], $0x8000  }
0xae: {  	[sflag:s9] =	ssyncset.done $0x0  }
0xaf: {  	[sflag:s9] =	ssyncadd.s32 $0xFFFF8000  }
0xb0: {  	[hbm4b:s19+s1] =	stream.linear.scatter [tilespmem:s3], [sflag:$0x8], $0x8000, $0x38;
	[tilespmem:$0x1ECC0] =	vst v63  }
0xb1: {  	_ =	swait.ge [sflag:s6], $0x8000  }
0xb2: {  	s0 =	sld [smem:$0x7C6]  }
0xb3: {  	[sflag:s6] =	ssyncset.done $0x0  }
0xb4: {  	[sflag:s6] =	ssyncadd.s32 $0xFFFF8000  }
0xb5: {  	[tilespmem:s3], [sflag:$0x2] =	stream.indirect.gather [spmem:s2], $0x80, s0, s7, $0xb8;
	[tilespmem:$0x1ECC0] =	vst v63  }
0xb6: {  	_ =	swait.ge [sflag:s16], $0x8000  }
0xb7: {  	s0 =	sld [smem:$0x7C7]  }
0xb8: {  	[sflag:s16] =	ssyncset.done $0x0  }
0xb9: {  	[sflag:s16] =	ssyncadd.s32 $0xFFFF8000  }
0xba: {  	[tilespmem:s13], [sflag:$0x7] =	stream.indirect.gather.add.f32 [spmem:s2], $0x80, s0, s7, $0xb8;
	[tilespmem:$0x1ECC0] =	vst v63  }
0xbb: {  	_ =	swait.ge [sflag:s12], $0x8000  }
0xbc: {  	[sflag:s12] =	ssyncset.done $0x0  }
0xbd: {  	s0 =	rddreg [dreg:$0x11];
	[sflag:s12] =	ssyncadd.s32 $0xFFFF8000  }
0xbe: {  	[hbm4b:s0+s1] =	stream.linear.scatter [tilespmem:s4], [sflag:$0x9], $0x8000, $0x38;
	[tilespmem:$0x1ECC0] =	vst v63  }
0xbf: {  	_ =	swait.ge [sflag:s10], $0x8000  }
0xc0: {  	s0 =	sld [smem:$0x7C8]  }
0xc1: {  	[sflag:s10] =	ssyncset.done $0x0  }
0xc2: {  	[sflag:s10] =	ssyncadd.s32 $0xFFFF8000  }
0xc3: {  	[tilespmem:s4], [sflag:$0x3] =	stream.indirect.gather [spmem:s2], $0x80, s0, s7, $0xb8;
	[tilespmem:$0x1ECC0] =	vst v63  }
0xc4: {  	_ =	swait.ge [sflag:s8], $0x8000  }
0xc5: {  	s0 =	sld [smem:$0x7C9]  }
0xc6: {  	[sflag:s8] =	ssyncset.done $0x0  }
0xc7: {  	[sflag:s8] =	ssyncadd.s32 $0xFFFF8000  }
0xc8: {  	[tilespmem:s3], [sflag:$0x5] =	stream.indirect.gather.add.f32 [spmem:s2], $0x80, s0, s7, $0xb8;
	[tilespmem:$0x1ECC0] =	vst v63  }
0xc9: {  	_ =	swait.ge [sflag:s14], $0x8000  }
0xca: {  	[sflag:s14] =	ssyncset.done $0x0  }
0xcb: {  	s0 =	rddreg [dreg:$0x12];
	[sflag:s14] =	ssyncadd.s32 $0xFFFF8000  }
0xcc: {  	[hbm4b:s0+s1] =	stream.linear.scatter [tilespmem:s13], [sflag:$0xA], $0x8000, $0x38;
	[tilespmem:$0x1ECC0] =	vst v63  }
0xcd: {  	_ =	swait.ge [sflag:s11], $0x8000  }
0xce: {  	s0 =	sld [smem:$0x7CA]  }
0xcf: {  	[sflag:s11] =	ssyncset.done $0x0  }
0xd0: {  	[sflag:s11] =	ssyncadd.s32 $0xFFFF8000  }
0xd1: {  	[tilespmem:s13], [sflag:$0x4] =	stream.indirect.gather [spmem:s2], $0x80, s0, s7, $0xb8;
	[tilespmem:$0x1ECC0] =	vst v63  }
0xd2: {  	_ =	swait.ge [sflag:s5], $0x8000  }
0xd3: {  	s0 =	sld [smem:$0x7CB]  }
0xd4: {  	[sflag:s5] =	ssyncset.done $0x0  }
0xd5: {  	[sflag:s5] =	ssyncadd.s32 $0xFFFF8000  }
0xd6: {  	[tilespmem:s4], [sflag:$0x6] =	stream.indirect.gather.add.f32 [spmem:s2], $0x80, s0, s7, $0xb8;
	[tilespmem:$0x1ECC0] =	vst v63  }
0xd7: {  	_ =	swait.ge [sflag:s9], $0x8000  }
0xd8: {  	[sflag:s9] =	ssyncset.done $0x0  }
0xd9: {  	s0 =	rddreg [dreg:$0x13];
	[sflag:s9] =	ssyncadd.s32 $0xFFFF8000  }
0xda: {  	[hbm4b:s0+s1] =	stream.linear.scatter [tilespmem:s3], [sflag:$0x8], $0x8000, $0x38;
	[tilespmem:$0x1ECC0] =	vst v63  }
0xdb: {  	_ =	swait.ge [sflag:s6], $0x8000  }
0xdc: {  	s0 =	sld [smem:$0x7CC]  }
0xdd: {  	[sflag:s6] =	ssyncset.done $0x0  }
0xde: {  	[sflag:s6] =	ssyncadd.s32 $0xFFFF8000  }
0xdf: {  	[tilespmem:s3], [sflag:$0x2] =	stream.indirect.gather [spmem:s2], $0x80, s0, s7, $0xb8;
	[tilespmem:$0x1ECC0] =	vst v63  }
0xe0: {  	_ =	swait.ge [sflag:s16], $0x8000  }
0xe1: {  	s0 =	sld [smem:$0x7CD]  }
0xe2: {  	[sflag:s16] =	ssyncset.done $0x0  }
0xe3: {  	[sflag:s16] =	ssyncadd.s32 $0xFFFF8000  }
0xe4: {  	[tilespmem:s13], [sflag:$0x7] =	stream.indirect.gather.add.f32 [spmem:s2], $0x80, s0, s7, $0xb8;
	[tilespmem:$0x1ECC0] =	vst v63  }
0xe5: {  	_ =	swait.ge [sflag:s12], $0x8000  }
0xe6: {  	[sflag:s12] =	ssyncset.done $0x0  }
0xe7: {  	s0 =	rddreg [dreg:$0x14];
	[sflag:s12] =	ssyncadd.s32 $0xFFFF8000  }
0xe8: {  	[hbm4b:s0+s1] =	stream.linear.scatter [tilespmem:s4], [sflag:$0x9], $0x8000, $0x38;
	[tilespmem:$0x1ECC0] =	vst v63  }
0xe9: {  	_ =	swait.ge [sflag:s10], $0x8000  }
0xea: {  	s0 =	sld [smem:$0x7CE]  }
0xeb: {  	[sflag:s10] =	ssyncset.done $0x0  }
0xec: {  	[sflag:s10] =	ssyncadd.s32 $0xFFFF8000  }
0xed: {  	[tilespmem:s4], [sflag:$0x3] =	stream.indirect.gather [spmem:s2], $0x80, s0, s7, $0xb8;
	[tilespmem:$0x1ECC0] =	vst v63  }
0xee: {  	_ =	swait.ge [sflag:s8], $0x8000  }
0xef: {  	s0 =	sld [smem:$0x7CF]  }
0xf0: {  	[sflag:s8] =	ssyncset.done $0x0  }
0xf1: {  	[sflag:s8] =	ssyncadd.s32 $0xFFFF8000  }
0xf2: {  	[tilespmem:s3], [sflag:$0x5] =	stream.indirect.gather.add.f32 [spmem:s2], $0x80, s0, s7, $0xb8;
	[tilespmem:$0x1ECC0] =	vst v63  }
0xf3: {  	_ =	swait.ge [sflag:s14], $0x8000  }
0xf4: {  	[sflag:s14] =	ssyncset.done $0x0  }
0xf5: {  	s0 =	rddreg [dreg:$0x15];
	[sflag:s14] =	ssyncadd.s32 $0xFFFF8000  }
0xf6: {  	[hbm4b:s0+s1] =	stream.linear.scatter [tilespmem:s13], [sflag:$0xA], $0x8000, $0x38;
	[tilespmem:$0x1ECC0] =	vst v63  }
0xf7: {  	_ =	swait.ge [sflag:s11], $0x8000  }
0xf8: {  	s0 =	sld [smem:$0x7D0]  }
0xf9: {  	[sflag:s11] =	ssyncset.done $0x0  }
0xfa: {  	[sflag:s11] =	ssyncadd.s32 $0xFFFF8000  }
0xfb: {  	[tilespmem:s13], [sflag:$0x4] =	stream.indirect.gather [spmem:s2], $0x80, s0, s7, $0xb8;
	[tilespmem:$0x1ECC0] =	vst v63  }
0xfc: {  	_ =	swait.ge [sflag:s5], $0x8000  }
0xfd: {  	s0 =	sld [smem:$0x7D1]  }
0xfe: {  	[sflag:s5] =	ssyncset.done $0x0  }
0xff: {  	[sflag:s5] =	ssyncadd.s32 $0xFFFF8000  }
0x100: {  	[tilespmem:s4], [sflag:$0x6] =	stream.indirect.gather.add.f32 [spmem:s2], $0x80, s0, s7, $0xb8;
	[tilespmem:$0x1ECC0] =	vst v63  }
0x101: {  	_ =	swait.ge [sflag:s9], $0x8000  }
0x102: {  	[sflag:s9] =	ssyncset.done $0x0  }
0x103: {  	s0 =	rddreg [dreg:$0x16];
	[sflag:s9] =	ssyncadd.s32 $0xFFFF8000  }
0x104: {  	[hbm4b:s0+s1] =	stream.linear.scatter [tilespmem:s3], [sflag:$0x8], $0x8000, $0x38;
	[tilespmem:$0x1ECC0] =	vst v63  }
0x105: {  	_ =	swait.ge [sflag:s6], $0x8000  }
0x106: {  	s0 =	sld [smem:$0x7D2]  }
0x107: {  	[sflag:s6] =	ssyncset.done $0x0  }
0x108: {  	[sflag:s6] =	ssyncadd.s32 $0xFFFF8000  }
0x109: {  	[tilespmem:s3], [sflag:$0x2] =	stream.indirect.gather [spmem:s2], $0x80, s0, s7, $0xb8;
	[tilespmem:$0x1ECC0] =	vst v63  }
0x10a: {  	_ =	swait.ge [sflag:s16], $0x8000  }
0x10b: {  	s0 =	sld [smem:$0x7D3]  }
0x10c: {  	[sflag:s16] =	ssyncset.done $0x0  }
0x10d: {  	[sflag:s16] =	ssyncadd.s32 $0xFFFF8000  }
0x10e: {  	[tilespmem:s13], [sflag:$0x7] =	stream.indirect.gather.add.f32 [spmem:s2], $0x80, s0, s7, $0xb8;
	[tilespmem:$0x1ECC0] =	vst v63  }
0x10f: {  	_ =	swait.ge [sflag:s12], $0x8000  }
0x110: {  	[sflag:s12] =	ssyncset.done $0x0  }
0x111: {  	s0 =	rddreg [dreg:$0x17];
	[sflag:s12] =	ssyncadd.s32 $0xFFFF8000  }
0x112: {  	[hbm4b:s0+s1] =	stream.linear.scatter [tilespmem:s4], [sflag:$0x9], $0x8000, $0x38;
	[tilespmem:$0x1ECC0] =	vst v63  }
0x113: {  	_ =	swait.ge [sflag:s10], $0x8000  }
0x114: {  	s0 =	sld [smem:$0x7D4]  }
0x115: {  	[sflag:s10] =	ssyncset.done $0x0  }
0x116: {  	[sflag:s10] =	ssyncadd.s32 $0xFFFF8000  }
0x117: {  	[tilespmem:s4], [sflag:$0x3] =	stream.indirect.gather [spmem:s2], $0x80, s0, s7, $0xb8;
	[tilespmem:$0x1ECC0] =	vst v63  }
0x118: {  	_ =	swait.ge [sflag:s8], $0x8000  }
0x119: {  	s0 =	sld [smem:$0x7D5]  }
0x11a: {  	[sflag:s8] =	ssyncset.done $0x0  }
0x11b: {  	[sflag:s8] =	ssyncadd.s32 $0xFFFF8000  }
0x11c: {  	[tilespmem:s3], [sflag:$0x5] =	stream.indirect.gather.add.f32 [spmem:s2], $0x80, s0, s7, $0xb8;
	[tilespmem:$0x1ECC0] =	vst v63  }
0x11d: {  	_ =	swait.ge [sflag:s14], $0x8000  }
0x11e: {  	[sflag:s14] =	ssyncset.done $0x0  }
0x11f: {  	s0 =	rddreg [dreg:$0x18];
	[sflag:s14] =	ssyncadd.s32 $0xFFFF8000  }
0x120: {  	[hbm4b:s0+s1] =	stream.linear.scatter [tilespmem:s13], [sflag:$0xA], $0x8000, $0x38;
	[tilespmem:$0x1ECC0] =	vst v63  }
0x121: {  	_ =	swait.ge [sflag:s11], $0x8000  }
0x122: {  	s0 =	sld [smem:$0x7D6]  }
0x123: {  	[sflag:s11] =	ssyncset.done $0x0  }
0x124: {  	[sflag:s11] =	ssyncadd.s32 $0xFFFF8000  }
0x125: {  	[tilespmem:s13], [sflag:$0x4] =	stream.indirect.gather [spmem:s2], $0x80, s0, s7, $0xb8;
	[tilespmem:$0x1ECC0] =	vst v63  }
0x126: {  	_ =	swait.ge [sflag:s5], $0x8000  }
0x127: {  	s0 =	sld [smem:$0x7D7]  }
0x128: {  	[sflag:s5] =	ssyncset.done $0x0  }
0x129: {  	[sflag:s5] =	ssyncadd.s32 $0xFFFF8000  }
0x12a: {  	[tilespmem:s4], [sflag:$0x6] =	stream.indirect.gather.add.f32 [spmem:s2], $0x80, s0, s7, $0xb8;
	[tilespmem:$0x1ECC0] =	vst v63  }
0x12b: {  	_ =	swait.ge [sflag:s9], $0x8000  }
0x12c: {  	[sflag:s9] =	ssyncset.done $0x0  }
0x12d: {  	s0 =	rddreg [dreg:$0x19];
	[sflag:s9] =	ssyncadd.s32 $0xFFFF8000  }
0x12e: {  	[hbm4b:s0+s1] =	stream.linear.scatter [tilespmem:s3], [sflag:$0x8], $0x8000, $0x38;
	[tilespmem:$0x1ECC0] =	vst v63  }
0x12f: {  	_ =	swait.ge [sflag:s6], $0x8000  }
0x130: {  	s0 =	sld [smem:$0x7D8]  }
0x131: {  	[sflag:s6] =	ssyncset.done $0x0  }
0x132: {  	[sflag:s6] =	ssyncadd.s32 $0xFFFF8000  }
0x133: {  	[tilespmem:s3], [sflag:$0x2] =	stream.indirect.gather [spmem:s2], $0x80, s0, s7, $0xb8;
	[tilespmem:$0x1ECC0] =	vst v63  }
0x134: {  	_ =	swait.ge [sflag:s16], $0x8000  }
0x135: {  	s0 =	sld [smem:$0x7D9]  }
0x136: {  	[sflag:s16] =	ssyncset.done $0x0  }
0x137: {  	[sflag:s16] =	ssyncadd.s32 $0xFFFF8000  }
0x138: {  	[tilespmem:s13], [sflag:$0x7] =	stream.indirect.gather.add.f32 [spmem:s2], $0x80, s0, s7, $0xb8;
	[tilespmem:$0x1ECC0] =	vst v63  }
0x139: {  	_ =	swait.ge [sflag:s12], $0x8000  }
0x13a: {  	[sflag:s12] =	ssyncset.done $0x0  }
0x13b: {  	s0 =	rddreg [dreg:$0x1a];
	[sflag:s12] =	ssyncadd.s32 $0xFFFF8000  }
0x13c: {  	[hbm4b:s0+s1] =	stream.linear.scatter [tilespmem:s4], [sflag:$0x9], $0x8000, $0x38;
	[tilespmem:$0x1ECC0] =	vst v63  }
0x13d: {  	_ =	swait.ge [sflag:s10], $0x8000  }
0x13e: {  	s0 =	sld [smem:$0x7DA]  }
0x13f: {  	[sflag:s10] =	ssyncset.done $0x0  }
0x140: {  	[sflag:s10] =	ssyncadd.s32 $0xFFFF8000  }
0x141: {  	[tilespmem:s4], [sflag:$0x3] =	stream.indirect.gather [spmem:s2], $0x80, s0, s7, $0xb8;
	[tilespmem:$0x1ECC0] =	vst v63  }
0x142: {  	_ =	swait.ge [sflag:s8], $0x8000  }
0x143: {  	s0 =	sld [smem:$0x7DB]  }
0x144: {  	[sflag:s8] =	ssyncset.done $0x0  }
0x145: {  	[sflag:s8] =	ssyncadd.s32 $0xFFFF8000  }
0x146: {  	[tilespmem:s3], [sflag:$0x5] =	stream.indirect.gather.add.f32 [spmem:s2], $0x80, s0, s7, $0xb8;
	[tilespmem:$0x1ECC0] =	vst v63  }
0x147: {  	_ =	swait.ge [sflag:s14], $0x8000  }
0x148: {  	[sflag:s14] =	ssyncset.done $0x0  }
0x149: {  	s0 =	rddreg [dreg:$0x1b];
	[sflag:s14] =	ssyncadd.s32 $0xFFFF8000  }
0x14a: {  	[hbm4b:s0+s1] =	stream.linear.scatter [tilespmem:s13], [sflag:$0xA], $0x8000, $0x38;
	[tilespmem:$0x1ECC0] =	vst v63  }
0x14b: {  	_ =	swait.ge [sflag:s11], $0x8000  }
0x14c: {  	s0 =	sld [smem:$0x7DC]  }
0x14d: {  	[sflag:s11] =	ssyncset.done $0x0  }
0x14e: {  	[sflag:s11] =	ssyncadd.s32 $0xFFFF8000  }
0x14f: {  	[tilespmem:s13], [sflag:$0x4] =	stream.indirect.gather [spmem:s2], $0x80, s0, s7, $0xb8;
	[tilespmem:$0x1ECC0] =	vst v63  }
0x150: {  	_ =	swait.ge [sflag:s5], $0x8000  }
0x151: {  	s0 =	sld [smem:$0x7DD]  }
0x152: {  	[sflag:s5] =	ssyncset.done $0x0  }
0x153: {  	[sflag:s5] =	ssyncadd.s32 $0xFFFF8000  }
0x154: {  	[tilespmem:s4], [sflag:$0x6] =	stream.indirect.gather.add.f32 [spmem:s2], $0x80, s0, s7, $0xb8;
	[tilespmem:$0x1ECC0] =	vst v63  }
0x155: {  	_ =	swait.ge [sflag:s9], $0x8000  }
0x156: {  	[sflag:s9] =	ssyncset.done $0x0  }
0x157: {  	s0 =	rddreg [dreg:$0x1c];
	[sflag:s9] =	ssyncadd.s32 $0xFFFF8000  }
0x158: {  	[hbm4b:s0+s1] =	stream.linear.scatter [tilespmem:s3], [sflag:$0x8], $0x8000, $0x38;
	[tilespmem:$0x1ECC0] =	vst v63  }
0x159: {  	_ =	swait.ge [sflag:s6], $0x8000  }
0x15a: {  	s0 =	sld [smem:$0x7DE]  }
0x15b: {  	[sflag:s6] =	ssyncset.done $0x0  }
0x15c: {  	[sflag:s6] =	ssyncadd.s32 $0xFFFF8000  }
0x15d: {  	[tilespmem:s3], [sflag:$0x2] =	stream.indirect.gather [spmem:s2], $0x80, s0, s7, $0xb8;
	[tilespmem:$0x1ECC0] =	vst v63  }
0x15e: {  	_ =	swait.ge [sflag:s16], $0x8000  }
0x15f: {  	s0 =	sld [smem:$0x7DF]  }
0x160: {  	[sflag:s16] =	ssyncset.done $0x0  }
0x161: {  	[sflag:s16] =	ssyncadd.s32 $0xFFFF8000  }
0x162: {  	[tilespmem:s13], [sflag:$0x7] =	stream.indirect.gather.add.f32 [spmem:s2], $0x80, s0, s7, $0xb8;
	[tilespmem:$0x1ECC0] =	vst v63  }
0x163: {  	_ =	swait.ge [sflag:s12], $0x8000  }
0x164: {  	[sflag:s12] =	ssyncset.done $0x0  }
0x165: {  	s0 =	rddreg [dreg:$0x1d];
	[sflag:s12] =	ssyncadd.s32 $0xFFFF8000  }
0x166: {  	[hbm4b:s0+s1] =	stream.linear.scatter [tilespmem:s4], [sflag:$0x9], $0x8000, $0x38;
	[tilespmem:$0x1ECC0] =	vst v63  }
0x167: {  	_ =	swait.ge [sflag:s10], $0x8000  }
0x168: {  	s0 =	sld [smem:$0x7E0]  }
0x169: {  	[sflag:s10] =	ssyncset.done $0x0  }
0x16a: {  	[sflag:s10] =	ssyncadd.s32 $0xFFFF8000  }
0x16b: {  	[tilespmem:s4], [sflag:$0x3] =	stream.indirect.gather [spmem:s2], $0x80, s0, s7, $0xb8;
	[tilespmem:$0x1ECC0] =	vst v63  }
0x16c: {  	_ =	swait.ge [sflag:s8], $0x8000  }
0x16d: {  	s0 =	sld [smem:$0x7E1]  }
0x16e: {  	[sflag:s8] =	ssyncset.done $0x0  }
0x16f: {  	[sflag:s8] =	ssyncadd.s32 $0xFFFF8000  }
0x170: {  	[tilespmem:s3], [sflag:$0x5] =	stream.indirect.gather.add.f32 [spmem:s2], $0x80, s0, s7, $0xb8;
	[tilespmem:$0x1ECC0] =	vst v63  }
0x171: {  	_ =	swait.ge [sflag:s14], $0x8000  }
0x172: {  	[sflag:s14] =	ssyncset.done $0x0  }
0x173: {  	s0 =	rddreg [dreg:$0x1e];
	[sflag:s14] =	ssyncadd.s32 $0xFFFF8000  }
0x174: {  	[hbm4b:s0+s1] =	stream.linear.scatter [tilespmem:s13], [sflag:$0xA], $0x8000, $0x38;
	[tilespmem:$0x1ECC0] =	vst v63  }
0x175: {  	_ =	swait.ge [sflag:s11], $0x8000  }
0x176: {  	s0 =	sld [smem:$0x7E2]  }
0x177: {  	[sflag:s11] =	ssyncset.done $0x0  }
0x178: {  	[sflag:s11] =	ssyncadd.s32 $0xFFFF8000  }
0x179: {  	[tilespmem:s13], [sflag:$0x4] =	stream.indirect.gather [spmem:s2], $0x80, s0, s7, $0xb8;
	[tilespmem:$0x1ECC0] =	vst v63  }
0x17a: {  	_ =	swait.ge [sflag:s5], $0x8000  }
0x17b: {  	s0 =	sld [smem:$0x7E3]  }
0x17c: {  	[sflag:s5] =	ssyncset.done $0x0  }
0x17d: {  	[sflag:s5] =	ssyncadd.s32 $0xFFFF8000  }
0x17e: {  	[tilespmem:s4], [sflag:$0x6] =	stream.indirect.gather.add.f32 [spmem:s2], $0x80, s0, s7, $0xb8;
	[tilespmem:$0x1ECC0] =	vst v63  }
0x17f: {  	_ =	swait.ge [sflag:s9], $0x8000  }
0x180: {  	[sflag:s9] =	ssyncset.done $0x0  }
0x181: {  	s0 =	rddreg [dreg:$0x1f];
	[sflag:s9] =	ssyncadd.s32 $0xFFFF8000  }
0x182: {  	[hbm4b:s0+s1] =	stream.linear.scatter [tilespmem:s3], [sflag:$0x8], $0x8000, $0x38;
	[tilespmem:$0x1ECC0] =	vst v63  }
0x183: {  	_ =	swait.ge [sflag:s6], $0x8000  }
0x184: {  	s0 =	sld [smem:$0x7E4]  }
0x185: {  	[sflag:s6] =	ssyncset.done $0x0  }
0x186: {  	[sflag:s6] =	ssyncadd.s32 $0xFFFF8000  }
0x187: {  	[tilespmem:s3], [sflag:$0x2] =	stream.indirect.gather [spmem:s2], $0x80, s0, s7, $0xb8;
	[tilespmem:$0x1ECC0] =	vst v63  }
0x188: {  	_ =	swait.ge [sflag:s16], $0x8000  }
0x189: {  	s0 =	sld [smem:$0x7E5]  }
0x18a: {  	[sflag:s16] =	ssyncset.done $0x0  }
0x18b: {  	[sflag:s16] =	ssyncadd.s32 $0xFFFF8000  }
0x18c: {  	[tilespmem:s13], [sflag:$0x7] =	stream.indirect.gather.add.f32 [spmem:s2], $0x80, s0, s7, $0xb8;
	[tilespmem:$0x1ECC0] =	vst v63  }
0x18d: {  	_ =	swait.ge [sflag:s12], $0x8000  }
0x18e: {  	s0 =	sld [smem:$0x7B2]  }
0x18f: {  	[sflag:s12] =	ssyncset.done $0x0  }
0x190: {  	[sflag:s12] =	ssyncadd.s32 $0xFFFF8000  }
0x191: {  	[hbm4b:s0+s1] =	stream.linear.scatter [tilespmem:s4], [sflag:$0x9], $0x8000, $0x38;
	[tilespmem:$0x1ECC0] =	vst v63  }
0x192: {  	_ =	swait.ge [sflag:s10], $0x8000  }
0x193: {  	s0 =	sld [smem:$0x7E6]  }
0x194: {  	[sflag:s10] =	ssyncset.done $0x0  }
0x195: {  	[sflag:s10] =	ssyncadd.s32 $0xFFFF8000  }
0x196: {  	[tilespmem:s4], [sflag:$0x3] =	stream.indirect.gather [spmem:s2], $0x80, s0, s7, $0xb8;
	[tilespmem:$0x1ECC0] =	vst v63  }
0x197: {  	_ =	swait.ge [sflag:s8], $0x8000  }
0x198: {  	s0 =	sld [smem:$0x7E7]  }
0x199: {  	[sflag:s8] =	ssyncset.done $0x0  }
0x19a: {  	[sflag:s8] =	ssyncadd.s32 $0xFFFF8000  }
0x19b: {  	[tilespmem:s3], [sflag:$0x5] =	stream.indirect.gather.add.f32 [spmem:s2], $0x80, s0, s7, $0xb8;
	[tilespmem:$0x1ECC0] =	vst v63  }
0x19c: {  	_ =	swait.ge [sflag:s14], $0x8000  }
0x19d: {  	s0 =	sld [smem:$0x7B3]  }
0x19e: {  	[sflag:s14] =	ssyncset.done $0x0  }
0x19f: {  	[sflag:s14] =	ssyncadd.s32 $0xFFFF8000  }
0x1a0: {  	[hbm4b:s0+s1] =	stream.linear.scatter [tilespmem:s13], [sflag:$0xA], $0x8000, $0x38;
	[tilespmem:$0x1ECC0] =	vst v63  }
0x1a1: {  	_ =	swait.ge [sflag:s11], $0x8000  }
0x1a2: {  	s0 =	sld [smem:$0x7E8]  }
0x1a3: {  	[sflag:s11] =	ssyncset.done $0x0  }
0x1a4: {  	[sflag:s11] =	ssyncadd.s32 $0xFFFF8000  }
0x1a5: {  	[tilespmem:s13], [sflag:$0x4] =	stream.indirect.gather [spmem:s2], $0x80, s0, s7, $0xb8;
	[tilespmem:$0x1ECC0] =	vst v63  }
0x1a6: {  	_ =	swait.ge [sflag:s5], $0x8000  }
0x1a7: {  	s0 =	sld [smem:$0x7E9]  }
0x1a8: {  	[sflag:s5] =	ssyncset.done $0x0  }
0x1a9: {  	[sflag:s5] =	ssyncadd.s32 $0xFFFF8000  }
0x1aa: {  	[tilespmem:s4], [sflag:$0x6] =	stream.indirect.gather.add.f32 [spmem:s2], $0x80, s0, s7, $0xb8;
	[tilespmem:$0x1ECC0] =	vst v63  }
0x1ab: {  	_ =	swait.ge [sflag:s9], $0x8000  }
0x1ac: {  	s0 =	sld [smem:$0x7B4]  }
0x1ad: {  	[sflag:s9] =	ssyncset.done $0x0  }
0x1ae: {  	[sflag:s9] =	ssyncadd.s32 $0xFFFF8000  }
0x1af: {  	[hbm4b:s0+s1] =	stream.linear.scatter [tilespmem:s3], [sflag:$0x8], $0x8000, $0x38;
	[tilespmem:$0x1ECC0] =	vst v63  }
0x1b0: {  	_ =	swait.ge [sflag:s6], $0x8000  }
0x1b1: {  	s0 =	sld [smem:$0x7EA]  }
0x1b2: {  	[sflag:s6] =	ssyncset.done $0x0  }
0x1b3: {  	[sflag:s6] =	ssyncadd.s32 $0xFFFF8000  }
0x1b4: {  	[tilespmem:s3], [sflag:$0x2] =	stream.indirect.gather [spmem:s2], $0x80, s0, s7, $0xb8;
	[tilespmem:$0x1ECC0] =	vst v63  }
0x1b5: {  	_ =	swait.ge [sflag:s16], $0x8000  }
0x1b6: {  	s0 =	sld [smem:$0x7EB]  }
0x1b7: {  	[sflag:s16] =	ssyncset.done $0x0  }
0x1b8: {  	[sflag:s16] =	ssyncadd.s32 $0xFFFF8000  }
0x1b9: {  	[tilespmem:s13], [sflag:$0x7] =	stream.indirect.gather.add.f32 [spmem:s2], $0x80, s0, s7, $0xb8;
	[tilespmem:$0x1ECC0] =	vst v63  }
0x1ba: {  	_ =	swait.ge [sflag:s12], $0x8000  }
0x1bb: {  	s0 =	sld [smem:$0x7B5]  }
0x1bc: {  	[sflag:s12] =	ssyncset.done $0x0  }
0x1bd: {  	[sflag:s12] =	ssyncadd.s32 $0xFFFF8000  }
0x1be: {  	[hbm4b:s0+s1] =	stream.linear.scatter [tilespmem:s4], [sflag:$0x9], $0x8000, $0x38;
	[tilespmem:$0x1ECC0] =	vst v63  }
0x1bf: {  	_ =	swait.ge [sflag:s10], $0x8000  }
0x1c0: {  	s0 =	sld [smem:$0x7EC]  }
0x1c1: {  	[sflag:s10] =	ssyncset.done $0x0  }
0x1c2: {  	[sflag:s10] =	ssyncadd.s32 $0xFFFF8000  }
0x1c3: {  	[tilespmem:s4], [sflag:$0x3] =	stream.indirect.gather [spmem:s2], $0x80, s0, s7, $0xb8;
	[tilespmem:$0x1ECC0] =	vst v63  }
0x1c4: {  	_ =	swait.ge [sflag:s8], $0x8000  }
0x1c5: {  	s0 =	sld [smem:$0x7ED]  }
0x1c6: {  	[sflag:s8] =	ssyncset.done $0x0  }
0x1c7: {  	[sflag:s8] =	ssyncadd.s32 $0xFFFF8000  }
0x1c8: {  	[tilespmem:s3], [sflag:$0x5] =	stream.indirect.gather.add.f32 [spmem:s2], $0x80, s0, s7, $0xb8;
	[tilespmem:$0x1ECC0] =	vst v63  }
0x1c9: {  	_ =	swait.ge [sflag:s14], $0x8000  }
0x1ca: {  	s0 =	sld [smem:$0x7B6]  }
0x1cb: {  	[sflag:s14] =	ssyncset.done $0x0  }
0x1cc: {  	[sflag:s14] =	ssyncadd.s32 $0xFFFF8000  }
0x1cd: {  	[hbm4b:s0+s1] =	stream.linear.scatter [tilespmem:s13], [sflag:$0xA], $0x8000, $0x38;
	[tilespmem:$0x1ECC0] =	vst v63  }
0x1ce: {  	_ =	swait.ge [sflag:s11], $0x8000  }
0x1cf: {  	s0 =	sld [smem:$0x7EE]  }
0x1d0: {  	[sflag:s11] =	ssyncset.done $0x0  }
0x1d1: {  	[sflag:s11] =	ssyncadd.s32 $0xFFFF8000  }
0x1d2: {  	[tilespmem:s13], [sflag:$0x4] =	stream.indirect.gather [spmem:s2], $0x80, s0, s7, $0xb8;
	[tilespmem:$0x1ECC0] =	vst v63  }
0x1d3: {  	_ =	swait.ge [sflag:s5], $0x8000  }
0x1d4: {  	s0 =	sld [smem:$0x7EF]  }
0x1d5: {  	[sflag:s5] =	ssyncset.done $0x0  }
0x1d6: {  	[sflag:s5] =	ssyncadd.s32 $0xFFFF8000  }
0x1d7: {  	[tilespmem:s4], [sflag:$0x6] =	stream.indirect.gather.add.f32 [spmem:s2], $0x80, s0, s7, $0xb8;
	[tilespmem:$0x1ECC0] =	vst v63  }
0x1d8: {  	_ =	swait.ge [sflag:s9], $0x8000  }
0x1d9: {  	s0 =	sld [smem:$0x7B7]  }
0x1da: {  	[sflag:s9] =	ssyncset.done $0x0  }
0x1db: {  	[sflag:s9] =	ssyncadd.s32 $0xFFFF8000  }
0x1dc: {  	[hbm4b:s0+s1] =	stream.linear.scatter [tilespmem:s3], [sflag:$0x8], $0x8000, $0x38;
	[tilespmem:$0x1ECC0] =	vst v63  }
0x1dd: {  	_ =	swait.ge [sflag:s6], $0x8000  }
0x1de: {  	s0 =	sld [smem:$0x7F0]  }
0x1df: {  	[sflag:s6] =	ssyncset.done $0x0  }
0x1e0: {  	[sflag:s6] =	ssyncadd.s32 $0xFFFF8000  }
0x1e1: {  	[tilespmem:s3], [sflag:$0x2] =	stream.indirect.gather [spmem:s2], $0x80, s0, s7, $0xb8;
	[tilespmem:$0x1ECC0] =	vst v63  }
0x1e2: {  	_ =	swait.ge [sflag:s16], $0x8000  }
0x1e3: {  	s0 =	sld [smem:$0x7F1]  }
0x1e4: {  	[sflag:s16] =	ssyncset.done $0x0  }
0x1e5: {  	[sflag:s16] =	ssyncadd.s32 $0xFFFF8000  }
0x1e6: {  	[tilespmem:s13], [sflag:$0x7] =	stream.indirect.gather.add.f32 [spmem:s2], $0x80, s0, s7, $0xb8;
	[tilespmem:$0x1ECC0] =	vst v63  }
0x1e7: {  	_ =	swait.ge [sflag:s12], $0x8000  }
0x1e8: {  	s0 =	sld [smem:$0x7B8]  }
0x1e9: {  	[sflag:s12] =	ssyncset.done $0x0  }
0x1ea: {  	[sflag:s12] =	ssyncadd.s32 $0xFFFF8000  }
0x1eb: {  	[hbm4b:s0+s1] =	stream.linear.scatter [tilespmem:s4], [sflag:$0x9], $0x8000, $0x38;
	[tilespmem:$0x1ECC0] =	vst v63  }
0x1ec: {  	_ =	swait.ge [sflag:s10], $0x8000  }
0x1ed: {  	s0 =	sld [smem:$0x7F2]  }
0x1ee: {  	[sflag:s10] =	ssyncset.done $0x0  }
0x1ef: {  	[sflag:s10] =	ssyncadd.s32 $0xFFFF8000  }
0x1f0: {  	[tilespmem:s4], [sflag:$0x3] =	stream.indirect.gather [spmem:s2], $0x80, s0, s7, $0xb8;
	[tilespmem:$0x1ECC0] =	vst v63  }
0x1f1: {  	_ =	swait.ge [sflag:s8], $0x8000  }
0x1f2: {  	s0 =	sld [smem:$0x7F3]  }
0x1f3: {  	[sflag:s8] =	ssyncset.done $0x0  }
0x1f4: {  	[sflag:s8] =	ssyncadd.s32 $0xFFFF8000  }
0x1f5: {  	[tilespmem:s3], [sflag:$0x5] =	stream.indirect.gather.add.f32 [spmem:s2], $0x80, s0, s7, $0xb8;
	[tilespmem:$0x1ECC0] =	vst v63  }
0x1f6: {  	_ =	swait.ge [sflag:s14], $0x8000  }
0x1f7: {  	s0 =	sld [smem:$0x7B9]  }
0x1f8: {  	[sflag:s14] =	ssyncset.done $0x0  }
0x1f9: {  	[sflag:s14] =	ssyncadd.s32 $0xFFFF8000  }
0x1fa: {  	[hbm4b:s0+s1] =	stream.linear.scatter [tilespmem:s13], [sflag:$0xA], $0x8000, $0x38;
	[tilespmem:$0x1ECC0] =	vst v63  }
0x1fb: {  	_ =	swait.ge [sflag:s11], $0x8000  }
0x1fc: {  	s0 =	sld [smem:$0x7F4]  }
0x1fd: {  	[sflag:s11] =	ssyncset.done $0x0  }
0x1fe: {  	[sflag:s11] =	ssyncadd.s32 $0xFFFF8000  }
0x1ff: {  	[tilespmem:s13], [sflag:$0x4] =	stream.indirect.gather [spmem:s2], $0x80, s0, s7, $0xb8;
	[tilespmem:$0x1ECC0] =	vst v63  }
0x200: {  	_ =	swait.ge [sflag:s5], $0x8000  }
0x201: {  	s0 =	sld [smem:$0x7F5]  }
0x202: {  	[sflag:s5] =	ssyncset.done $0x0  }
0x203: {  	[sflag:s5] =	ssyncadd.s32 $0xFFFF8000  }
0x204: {  	[tilespmem:s4], [sflag:$0x6] =	stream.indirect.gather.add.f32 [spmem:s2], $0x80, s0, s7, $0xb8;
	[tilespmem:$0x1ECC0] =	vst v63  }
0x205: {  	_ =	swait.ge [sflag:s9], $0x8000  }
0x206: {  	s0 =	sld [smem:$0x7BA]  }
0x207: {  	[sflag:s9] =	ssyncset.done $0x0  }
0x208: {  	[sflag:s9] =	ssyncadd.s32 $0xFFFF8000  }
0x209: {  	[hbm4b:s0+s1] =	stream.linear.scatter [tilespmem:s3], [sflag:$0x8], $0x8000, $0x38;
	[tilespmem:$0x1ECC0] =	vst v63  }
0x20a: {  	_ =	swait.ge [sflag:s6], $0x8000  }
0x20b: {  	s0 =	sld [smem:$0x7F6]  }
0x20c: {  	[sflag:s6] =	ssyncset.done $0x0  }
0x20d: {  	[sflag:s6] =	ssyncadd.s32 $0xFFFF8000  }
0x20e: {  	[tilespmem:s3], [sflag:$0x2] =	stream.indirect.gather [spmem:s2], $0x80, s0, s7, $0xb8;
	[tilespmem:$0x1ECC0] =	vst v63  }
0x20f: {  	_ =	swait.ge [sflag:s16], $0x8000  }
0x210: {  	s0 =	sld [smem:$0x7F7]  }
0x211: {  	[sflag:s16] =	ssyncset.done $0x0  }
0x212: {  	[sflag:s16] =	ssyncadd.s32 $0xFFFF8000  }
0x213: {  	[tilespmem:s13], [sflag:$0x7] =	stream.indirect.gather.add.f32 [spmem:s2], $0x80, s0, s7, $0xb8;
	[tilespmem:$0x1ECC0] =	vst v63  }
0x214: {  	_ =	swait.ge [sflag:s12], $0x8000  }
0x215: {  	s0 =	sld [smem:$0x7BB]  }
0x216: {  	[sflag:s12] =	ssyncset.done $0x0  }
0x217: {  	[sflag:s12] =	ssyncadd.s32 $0xFFFF8000  }
0x218: {  	[hbm4b:s0+s1] =	stream.linear.scatter [tilespmem:s4], [sflag:$0x9], $0x8000, $0x38;
	[tilespmem:$0x1ECC0] =	vst v63  }
0x219: {  	_ =	swait.ge [sflag:s10], $0x8000  }
0x21a: {  	s0 =	sld [smem:$0x7F8]  }
0x21b: {  	[sflag:s10] =	ssyncset.done $0x0  }
0x21c: {  	[sflag:s10] =	ssyncadd.s32 $0xFFFF8000  }
0x21d: {  	[tilespmem:s4], [sflag:$0x3] =	stream.indirect.gather [spmem:s2], $0x80, s0, s7, $0xb8;
	[tilespmem:$0x1ECC0] =	vst v63  }
0x21e: {  	_ =	swait.ge [sflag:s8], $0x8000  }
0x21f: {  	s0 =	sld [smem:$0x7F9]  }
0x220: {  	[sflag:s8] =	ssyncset.done $0x0  }
0x221: {  	[sflag:s8] =	ssyncadd.s32 $0xFFFF8000  }
0x222: {  	[tilespmem:s3], [sflag:$0x5] =	stream.indirect.gather.add.f32 [spmem:s2], $0x80, s0, s7, $0xb8;
	[tilespmem:$0x1ECC0] =	vst v63  }
0x223: {  	_ =	swait.ge [sflag:s14], $0x8000  }
0x224: {  	s0 =	sld [smem:$0x7BC]  }
0x225: {  	[sflag:s14] =	ssyncset.done $0x0  }
0x226: {  	[sflag:s14] =	ssyncadd.s32 $0xFFFF8000  }
0x227: {  	[hbm4b:s0+s1] =	stream.linear.scatter [tilespmem:s13], [sflag:$0xA], $0x8000, $0x38;
	[tilespmem:$0x1ECC0] =	vst v63  }
0x228: {  	_ =	swait.ge [sflag:s11], $0x8000  }
0x229: {  	s0 =	sld [smem:$0x7FA]  }
0x22a: {  	[sflag:s11] =	ssyncset.done $0x0  }
0x22b: {  	[sflag:s11] =	ssyncadd.s32 $0xFFFF8000  }
0x22c: {  	[tilespmem:s13], [sflag:$0x4] =	stream.indirect.gather [spmem:s2], $0x80, s0, s7, $0xb8;
	[tilespmem:$0x1ECC0] =	vst v63  }
0x22d: {  	_ =	swait.ge [sflag:s5], $0x8000  }
0x22e: {  	s0 =	sld [smem:$0x7FB]  }
0x22f: {  	[sflag:s5] =	ssyncset.done $0x0  }
0x230: {  	[sflag:s5] =	ssyncadd.s32 $0xFFFF8000  }
0x231: {  	[tilespmem:s4], [sflag:$0x6] =	stream.indirect.gather.add.f32 [spmem:s2], $0x80, s0, s7, $0xb8;
	[tilespmem:$0x1ECC0] =	vst v63  }
0x232: {  	_ =	swait.ge [sflag:s9], $0x8000  }
0x233: {  	s0 =	sld [smem:$0x7BD]  }
0x234: {  	[sflag:s9] =	ssyncset.done $0x0  }
0x235: {  	[sflag:s9] =	ssyncadd.s32 $0xFFFF8000  }
0x236: {  	[hbm4b:s0+s1] =	stream.linear.scatter [tilespmem:s3], [sflag:$0x8], $0x8000, $0x38;
	[tilespmem:$0x1ECC0] =	vst v63  }
0x237: {  	_ =	swait.ge [sflag:s6], $0x8000  }
0x238: {  	s0 =	sld [smem:$0x7FC]  }
0x239: {  	[sflag:s6] =	ssyncset.done $0x0  }
0x23a: {  	[sflag:s6] =	ssyncadd.s32 $0xFFFF8000  }
0x23b: {  	[tilespmem:s3], [sflag:$0x2] =	stream.indirect.gather [spmem:s2], $0x80, s0, s7, $0xb8;
	[tilespmem:$0x1ECC0] =	vst v63  }
0x23c: {  	_ =	swait.ge [sflag:s16], $0x8000  }
0x23d: {  	s0 =	sld [smem:$0x7FD]  }
0x23e: {  	[sflag:s16] =	ssyncset.done $0x0  }
0x23f: {  	[sflag:s16] =	ssyncadd.s32 $0xFFFF8000  }
0x240: {  	[tilespmem:s13], [sflag:$0x7] =	stream.indirect.gather.add.f32 [spmem:s2], $0x80, s0, s7, $0xb8;
	[tilespmem:$0x1ECC0] =	vst v63  }
0x241: {  	_ =	swait.ge [sflag:s12], $0x8000  }
0x242: {  	s0 =	sld [smem:$0x7BE]  }
0x243: {  	[sflag:s12] =	ssyncset.done $0x0  }
0x244: {  	[sflag:s12] =	ssyncadd.s32 $0xFFFF8000  }
0x245: {  	[hbm4b:s0+s1] =	stream.linear.scatter [tilespmem:s4], [sflag:$0x9], $0x8000, $0x38;
	[tilespmem:$0x1ECC0] =	vst v63  }
0x246: {  	_ =	swait.ge [sflag:s10], $0x8000  }
0x247: {  	[sflag:s10] =	ssyncset.done $0x0  }
0x248: {  	[sflag:s10] =	ssyncadd.s32 $0xFFFF8000  }
0x249: {  	[tilespmem:s4], [sflag:$0x3] =	stream.indirect.gather [spmem:s2], $0x80, s18, s7, $0xb8;
	[tilespmem:$0x1ECC0] =	vst v63  }
0x24a: {  	_ =	swait.ge [sflag:s8], $0x8000  }
0x24b: {  	[sflag:s8] =	ssyncset.done $0x0  }
0x24c: {  	[sflag:s8] =	ssyncadd.s32 $0xFFFF8000  }
0x24d: {  	[tilespmem:s3], [sflag:$0x5] =	stream.indirect.gather.add.f32 [spmem:s2], $0x80, s17, s7, $0xb8;
	[tilespmem:$0x1ECC0] =	vst v63  }
0x24e: {  	_ =	swait.ge [sflag:s14], $0x8000  }
0x24f: {  	s0 =	sld [smem:$0x7BF]  }
0x250: {  	[sflag:s14] =	ssyncset.done $0x0  }
0x251: {  	[sflag:s14] =	ssyncadd.s32 $0xFFFF8000  }
0x252: {  	[hbm4b:s0+s1] =	stream.linear.scatter [tilespmem:s13], [sflag:$0xA], $0x8000, $0x38;
	[tilespmem:$0x1ECC0] =	vst v63  }
0x253: {  	_ =	swait.ge [sflag:s5], $0x8000  }
0x254: {  	[sflag:s5] =	ssyncset.done $0x0  }
0x255: {  	[sflag:s5] =	ssyncadd.s32 $0xFFFF8000  }
0x256: {  	[tilespmem:s4], [sflag:$0x6] =	stream.indirect.gather.add.f32 [spmem:s2], $0x80, s15, s7, $0xb8;
	[tilespmem:$0x1ECC0] =	vst v63  }
0x257: {  	_ =	swait.ge [sflag:s9], $0x8000  }
0x258: {  	s15 =	sld [smem:$0x7C0]  }
0x259: {  	[sflag:s9] =	ssyncset.done $0x0  }
0x25a: {  	[sflag:s9] =	ssyncadd.s32 $0xFFFF8000  }
0x25b: {  	[hbm4b:s15+s1] =	stream.linear.scatter [tilespmem:s3], [sflag:$0x8], $0x8000, $0x38;
	[tilespmem:$0x1ECC0] =	vst v63  }
0x25c: {  	_ =	swait.ge [sflag:s12], $0x8000  }
0x25d: {  	s15 =	sld [smem:$0x7C1]  }
0x25e: {  	[sflag:s12] =	ssyncset.done $0x0  }
0x25f: {  	[sflag:s12] =	ssyncadd.s32 $0xFFFF8000  }
0x260: {  	[hbm4b:s15+s1] =	stream.linear.scatter [tilespmem:s4], [sflag:$0x9], $0x8000, $0x38;
	[tilespmem:$0x1ECC0] =	vst v63  }
0x261: {  	_ =	swait.ge [sflag:s6], $0x8000  }
0x262: {  	s31 =	sadd.s32 $0xFFFFFFFF, s31;
	[sflag:s6] =	ssyncset.done $0x0  }
0x263: {  	p2 =	sne.s32 s31, $0x0;
	[sflag:s6] =	ssyncadd.s32 $0xFFFF8000  }
.Ltmp1:
0x264: {  	_ =	swait.ge [sflag:s10], $0x8000;
	(pc) =	sbr.rel @!p2 .LBB2_3-.Ltmp1, $4  }
0x265: {  	[sflag:s10] =	ssyncset.done $0x0  }
0x266: {  	[sflag:s10] =	ssyncadd.s32 $0xFFFF8000  }
0x267: {  	_ =	swait.ge [sflag:s11], $0x8000  }
0x268: {  	p1 =	por $0x1, $0x1;
	s0 =	rddreg [dreg:$0xa];
	[sflag:s11] =	ssyncset.done $0x0  }
.LBB2_4:
0x269: {  	s15 =	sld [smem:$0x7C2];
	_ =	sdelay $0x1  }
0x26a: {  	[sflag:s11] =	ssyncadd.s32 $0xFFFF8000  }
0x26b: {  	[tilespmem:s15], [sflag:$0xB] =	stream.linear.gather [hbm4b:s0+s1], $0x10, $0x38;
	[tilespmem:$0x1ECC0] =	vst v63  }
0x26c: {  	_ =	swait.ge [sflag:s22], $0x10  }
0x26d: {  	[sflag:s22] =	ssyncset.done $0x0  }
0x26e: {  	s0 =	rddreg [dreg:$0xb];
	[sflag:s22] =	ssyncadd.s32 $0xFFFFFFF0  }
0x26f: {  	[tilespmem:s21], [sflag:$0x2] =	stream.linear.gather [hbm4b:s0+s1], $0x2000, $0x38;
	[tilespmem:$0x1ECC0] =	vst v63  }
0x270: {  	s15 =	rddreg [dreg:$0xc]  }
0x271: {  	[tilespmem:s20], [sflag:$0x3] =	stream.linear.gather [hbm4b:s15+s1], $0x2000, $0x38;
	[tilespmem:$0x1ECC0] =	vst v63  }
0x272: {  	s0 =	rddreg [dreg:$0xd]  }
0x273: {  	[tilespmem:s24], [sflag:$0xB] =	stream.linear.gather [hbm4b:s0+s1], $0x50, $0x38;
	[tilespmem:$0x1ECC0] =	vst v63  }
0x274: {  	_ =	swait.ge [sflag:s22], $0x50  }
0x275: {  	[sflag:s22] =	ssyncset.done $0x0  }
0x276: {  	s0 =	rddreg [dreg:$0xe];
	[sflag:s22] =	ssyncadd.s32 $0xFFFFFFB0  }
0x277: {  	[tilespmem:s23], [sflag:$0xB] =	stream.linear.gather [hbm4b:s0+s1], $0x50, $0x38;
	[tilespmem:$0x1ECC0] =	vst v63  }
0x278: {  	_ =	swait.ge [sflag:s22], $0x50  }
0x279: {  	[sflag:s22] =	ssyncset.done $0x0  }
0x27a: {  	s0 =	rddreg [dreg:$0x7];
	[sflag:s22] =	ssyncadd.s32 $0xFFFFFFB0  }
0x27b: {  	[tilespmem:s3], [sflag:$0x1] =	stream.indirect.gather [hbm4b:s0+s25], $0x80, s24, s25, $0xb8;
	[tilespmem:$0x1ECC0] =	vst v63  }
0x27c: {  	_ =	swait.ge [sflag:s26], $0x2800  }
0x27d: {  	[sflag:s26] =	ssyncset.done $0x0  }
0x27e: {  	s0 =	rddreg [dreg:$0x8];
	[sflag:s26] =	ssyncadd.s32 $0xFFFFD800  }
0x27f: {  	[tilespmem:s3], [sflag:$0x1] =	stream.indirect.gather.add.f32 [hbm:s0], $0x80, s23, s25, $0xb8;
	[tilespmem:$0x1ECC0] =	vst v63  }
0x280: {  	_ =	swait.ge [sflag:s26], $0x2800  }
0x281: {  	[sflag:s26] =	ssyncset.done $0x0  }
0x282: {  	s0 =	rddreg [dreg:$0xf];
	[sflag:s26] =	ssyncadd.s32 $0xFFFFD800  }
0x283: {  	[spmem:s0] =	stream.linear.scatter [tilespmem:s3], [sflag:$0xB], $0x2800, $0x38;
	[tilespmem:$0x1ECC0] =	vst v63  }
0x284: {  	_ =	swait.ge [sflag:s22], $0x2800  }
0x285: {  	[sflag:s22] =	ssyncset.done $0x0  }
0x286: {  	s0 =	rddreg [dreg:$0x9];
	[sflag:s22] =	ssyncadd.s32 $0xFFFFD800  }
0x287: {  	[tilespmem:s30], [sflag:$0xB] =	stream.linear.gather @!p0 [hbm4b:s0+s29], $0x3200, $0x38;
	[tilespmem:$0x1ECC0] =	vst v63  }
0x288: {  	_ =	swait.ge @!p0 [sflag:s28], $0x3200  }
0x289: {  	[sflag:s28] =	ssyncset.done @!p0 $0x0  }
0x28a: {  	s0 =	rddreg [dreg:$0x10];
	[sflag:s28] =	ssyncadd.s32 @!p0 $0xFFFFCE00  }
0x28b: {  	[spmem:s0] =	stream.linear.scatter @!p0 [tilespmem:s30], [sflag:$0xB], $0x3200, $0x38;
	[tilespmem:$0x1ECC0] =	vst v63  }
0x28c: {  	_ =	swait.ge @!p0 [sflag:s28], $0x3200  }
0x28d: {  	[sflag:s28] =	ssyncset.done @!p0 $0x0  }
0x28e: {  	[sflag:s28] =	ssyncadd.s32 @!p0 $0xFFFFCE00  }
0x28f: {  	_ =	swait.ge [sflag:s8], $0x2000  }
0x290: {  	[sflag:s8] =	ssyncset.done $0x0  }
0x291: {  	[sflag:s8] =	ssyncadd.s32 $0xFFFFE000  }
0x292: {  	_ =	swait.ge [sflag:s5], $0x2000  }
0x293: {  	[sflag:s5] =	ssyncset.done $0x0  }
0x294: {  	[sflag:s5] =	ssyncadd.s32 $0xFFFFE000  }
0x295: {  	[bflag:$0x0] =	sbarrier.arrive $0xFFFF  }
0x296: {  	s0 =	sld [smem:$0x7C3]  }
0x297: {  	[tilespmem:s3], [sflag:$0x2] =	stream.indirect.gather [spmem:s2], $0x80, s21, s7, $0xb8;
	[tilespmem:$0x1ECC0] =	vst v63  }
0x298: {  	_ = 	snop  }
0x299: {  	[tilespmem:s4], [sflag:$0x3] =	stream.indirect.gather [spmem:s2], $0x80, s0, s7, $0xb8;
	[tilespmem:$0x1ECC0] =	vst v63  }
0x29a: {  	_ =	swait.ge [sflag:s8], $0x8000  }
0x29b: {  	[sflag:s8] =	ssyncset.done $0x0  }
0x29c: {  	s0 =	sld [smem:$0x7C4];
	[sflag:s8] =	ssyncadd.s32 $0xFFFF8000  }
0x29d: {  	[tilespmem:s3], [sflag:$0x5] =	stream.indirect.gather.add.f32 [spmem:s2], $0x80, s20, s7, $0xb8;
	[tilespmem:$0x1ECC0] =	vst v63  }
0x29e: {  	_ = 	snop  }
0x29f: {  	[tilespmem:s13], [sflag:$0x4] =	stream.indirect.gather [spmem:s2], $0x80, s0, s7, $0xb8;
	[tilespmem:$0x1ECC0] =	vst v63  }
0x2a0: {  	_ =	swait.ge [sflag:s5], $0x8000  }
0x2a1: {  	s0 =	sld [smem:$0x7C5]  }
0x2a2: {  	[sflag:s5] =	ssyncset.done $0x0  }
0x2a3: {  	[sflag:s5] =	ssyncadd.s32 $0xFFFF8000  }
0x2a4: {  	[tilespmem:s4], [sflag:$0x6] =	stream.indirect.gather.add.f32 [spmem:s2], $0x80, s0, s7, $0xb8;
	[tilespmem:$0x1ECC0] =	vst v63  }
0x2a5: {  	_ =	swait.ge [sflag:s9], $0x8000  }
0x2a6: {  	[sflag:s9] =	ssyncset.done $0x0  }
0x2a7: {  	[sflag:s9] =	ssyncadd.s32 $0xFFFF8000  }
0x2a8: {  	[hbm4b:s19+s1] =	stream.linear.scatter [tilespmem:s3], [sflag:$0x8], $0x8000, $0x38;
	[tilespmem:$0x1ECC0] =	vst v63  }
0x2a9: {  	_ =	swait.ge [sflag:s6], $0x8000  }
0x2aa: {  	s0 =	sld [smem:$0x7C6]  }
0x2ab: {  	[sflag:s6] =	ssyncset.done $0x0  }
0x2ac: {  	[sflag:s6] =	ssyncadd.s32 $0xFFFF8000  }
0x2ad: {  	[tilespmem:s3], [sflag:$0x2] =	stream.indirect.gather [spmem:s2], $0x80, s0, s7, $0xb8;
	[tilespmem:$0x1ECC0] =	vst v63  }
0x2ae: {  	_ =	swait.ge [sflag:s16], $0x8000  }
0x2af: {  	s0 =	sld [smem:$0x7C7]  }
0x2b0: {  	[sflag:s16] =	ssyncset.done $0x0  }
0x2b1: {  	[sflag:s16] =	ssyncadd.s32 $0xFFFF8000  }
0x2b2: {  	[tilespmem:s13], [sflag:$0x7] =	stream.indirect.gather.add.f32 [spmem:s2], $0x80, s0, s7, $0xb8;
	[tilespmem:$0x1ECC0] =	vst v63  }
0x2b3: {  	_ =	swait.ge [sflag:s12], $0x8000  }
0x2b4: {  	[sflag:s12] =	ssyncset.done $0x0  }
0x2b5: {  	s0 =	rddreg [dreg:$0x11];
	[sflag:s12] =	ssyncadd.s32 $0xFFFF8000  }
0x2b6: {  	[hbm4b:s0+s1] =	stream.linear.scatter [tilespmem:s4], [sflag:$0x9], $0x8000, $0x38;
	[tilespmem:$0x1ECC0] =	vst v63  }
0x2b7: {  	_ =	swait.ge [sflag:s10], $0x8000  }
0x2b8: {  	s0 =	sld [smem:$0x7C8]  }
0x2b9: {  	[sflag:s10] =	ssyncset.done $0x0  }
0x2ba: {  	[sflag:s10] =	ssyncadd.s32 $0xFFFF8000  }
0x2bb: {  	[tilespmem:s4], [sflag:$0x3] =	stream.indirect.gather [spmem:s2], $0x80, s0, s7, $0xb8;
	[tilespmem:$0x1ECC0] =	vst v63  }
0x2bc: {  	_ =	swait.ge [sflag:s8], $0x8000  }
0x2bd: {  	s0 =	sld [smem:$0x7C9]  }
0x2be: {  	[sflag:s8] =	ssyncset.done $0x0  }
0x2bf: {  	[sflag:s8] =	ssyncadd.s32 $0xFFFF8000  }
0x2c0: {  	[tilespmem:s3], [sflag:$0x5] =	stream.indirect.gather.add.f32 [spmem:s2], $0x80, s0, s7, $0xb8;
	[tilespmem:$0x1ECC0] =	vst v63  }
0x2c1: {  	_ =	swait.ge [sflag:s14], $0x8000  }
0x2c2: {  	[sflag:s14] =	ssyncset.done $0x0  }
0x2c3: {  	s0 =	rddreg [dreg:$0x12];
	[sflag:s14] =	ssyncadd.s32 $0xFFFF8000  }
0x2c4: {  	[hbm4b:s0+s1] =	stream.linear.scatter [tilespmem:s13], [sflag:$0xA], $0x8000, $0x38;
	[tilespmem:$0x1ECC0] =	vst v63  }
0x2c5: {  	_ =	swait.ge [sflag:s11], $0x8000  }
0x2c6: {  	s0 =	sld [smem:$0x7CA]  }
0x2c7: {  	[sflag:s11] =	ssyncset.done $0x0  }
0x2c8: {  	[sflag:s11] =	ssyncadd.s32 $0xFFFF8000  }
0x2c9: {  	[tilespmem:s13], [sflag:$0x4] =	stream.indirect.gather [spmem:s2], $0x80, s0, s7, $0xb8;
	[tilespmem:$0x1ECC0] =	vst v63  }
0x2ca: {  	_ =	swait.ge [sflag:s5], $0x8000  }
0x2cb: {  	s0 =	sld [smem:$0x7CB]  }
0x2cc: {  	[sflag:s5] =	ssyncset.done $0x0  }
0x2cd: {  	[sflag:s5] =	ssyncadd.s32 $0xFFFF8000  }
0x2ce: {  	[tilespmem:s4], [sflag:$0x6] =	stream.indirect.gather.add.f32 [spmem:s2], $0x80, s0, s7, $0xb8;
	[tilespmem:$0x1ECC0] =	vst v63  }
0x2cf: {  	_ =	swait.ge [sflag:s9], $0x8000  }
0x2d0: {  	[sflag:s9] =	ssyncset.done $0x0  }
0x2d1: {  	s0 =	rddreg [dreg:$0x13];
	[sflag:s9] =	ssyncadd.s32 $0xFFFF8000  }
0x2d2: {  	[hbm4b:s0+s1] =	stream.linear.scatter [tilespmem:s3], [sflag:$0x8], $0x8000, $0x38;
	[tilespmem:$0x1ECC0] =	vst v63  }
0x2d3: {  	_ =	swait.ge [sflag:s6], $0x8000  }
0x2d4: {  	s0 =	sld [smem:$0x7CC]  }
0x2d5: {  	[sflag:s6] =	ssyncset.done $0x0  }
0x2d6: {  	[sflag:s6] =	ssyncadd.s32 $0xFFFF8000  }
0x2d7: {  	[tilespmem:s3], [sflag:$0x2] =	stream.indirect.gather [spmem:s2], $0x80, s0, s7, $0xb8;
	[tilespmem:$0x1ECC0] =	vst v63  }
0x2d8: {  	_ =	swait.ge [sflag:s16], $0x8000  }
0x2d9: {  	s0 =	sld [smem:$0x7CD]  }
0x2da: {  	[sflag:s16] =	ssyncset.done $0x0  }
0x2db: {  	[sflag:s16] =	ssyncadd.s32 $0xFFFF8000  }
0x2dc: {  	[tilespmem:s13], [sflag:$0x7] =	stream.indirect.gather.add.f32 [spmem:s2], $0x80, s0, s7, $0xb8;
	[tilespmem:$0x1ECC0] =	vst v63  }
0x2dd: {  	_ =	swait.ge [sflag:s12], $0x8000  }
0x2de: {  	[sflag:s12] =	ssyncset.done $0x0  }
0x2df: {  	s0 =	rddreg [dreg:$0x14];
	[sflag:s12] =	ssyncadd.s32 $0xFFFF8000  }
0x2e0: {  	[hbm4b:s0+s1] =	stream.linear.scatter [tilespmem:s4], [sflag:$0x9], $0x8000, $0x38;
	[tilespmem:$0x1ECC0] =	vst v63  }
0x2e1: {  	_ =	swait.ge [sflag:s10], $0x8000  }
0x2e2: {  	s0 =	sld [smem:$0x7CE]  }
0x2e3: {  	[sflag:s10] =	ssyncset.done $0x0  }
0x2e4: {  	[sflag:s10] =	ssyncadd.s32 $0xFFFF8000  }
0x2e5: {  	[tilespmem:s4], [sflag:$0x3] =	stream.indirect.gather [spmem:s2], $0x80, s0, s7, $0xb8;
	[tilespmem:$0x1ECC0] =	vst v63  }
0x2e6: {  	_ =	swait.ge [sflag:s8], $0x8000  }
0x2e7: {  	s0 =	sld [smem:$0x7CF]  }
0x2e8: {  	[sflag:s8] =	ssyncset.done $0x0  }
0x2e9: {  	[sflag:s8] =	ssyncadd.s32 $0xFFFF8000  }
0x2ea: {  	[tilespmem:s3], [sflag:$0x5] =	stream.indirect.gather.add.f32 [spmem:s2], $0x80, s0, s7, $0xb8;
	[tilespmem:$0x1ECC0] =	vst v63  }
0x2eb: {  	_ =	swait.ge [sflag:s14], $0x8000  }
0x2ec: {  	[sflag:s14] =	ssyncset.done $0x0  }
0x2ed: {  	s0 =	rddreg [dreg:$0x15];
	[sflag:s14] =	ssyncadd.s32 $0xFFFF8000  }
0x2ee: {  	[hbm4b:s0+s1] =	stream.linear.scatter [tilespmem:s13], [sflag:$0xA], $0x8000, $0x38;
	[tilespmem:$0x1ECC0] =	vst v63  }
0x2ef: {  	_ =	swait.ge [sflag:s11], $0x8000  }
0x2f0: {  	s0 =	sld [smem:$0x7D0]  }
0x2f1: {  	[sflag:s11] =	ssyncset.done $0x0  }
0x2f2: {  	[sflag:s11] =	ssyncadd.s32 $0xFFFF8000  }
0x2f3: {  	[tilespmem:s13], [sflag:$0x4] =	stream.indirect.gather [spmem:s2], $0x80, s0, s7, $0xb8;
	[tilespmem:$0x1ECC0] =	vst v63  }
0x2f4: {  	_ =	swait.ge [sflag:s5], $0x8000  }
0x2f5: {  	s0 =	sld [smem:$0x7D1]  }
0x2f6: {  	[sflag:s5] =	ssyncset.done $0x0  }
0x2f7: {  	[sflag:s5] =	ssyncadd.s32 $0xFFFF8000  }
0x2f8: {  	[tilespmem:s4], [sflag:$0x6] =	stream.indirect.gather.add.f32 [spmem:s2], $0x80, s0, s7, $0xb8;
	[tilespmem:$0x1ECC0] =	vst v63  }
0x2f9: {  	_ =	swait.ge [sflag:s9], $0x8000  }
0x2fa: {  	[sflag:s9] =	ssyncset.done $0x0  }
0x2fb: {  	s0 =	rddreg [dreg:$0x16];
	[sflag:s9] =	ssyncadd.s32 $0xFFFF8000  }
0x2fc: {  	[hbm4b:s0+s1] =	stream.linear.scatter [tilespmem:s3], [sflag:$0x8], $0x8000, $0x38;
	[tilespmem:$0x1ECC0] =	vst v63  }
0x2fd: {  	_ =	swait.ge [sflag:s6], $0x8000  }
0x2fe: {  	s0 =	sld [smem:$0x7D2]  }
0x2ff: {  	[sflag:s6] =	ssyncset.done $0x0  }
0x300: {  	[sflag:s6] =	ssyncadd.s32 $0xFFFF8000  }
0x301: {  	[tilespmem:s3], [sflag:$0x2] =	stream.indirect.gather [spmem:s2], $0x80, s0, s7, $0xb8;
	[tilespmem:$0x1ECC0] =	vst v63  }
0x302: {  	_ =	swait.ge [sflag:s16], $0x8000  }
0x303: {  	s0 =	sld [smem:$0x7D3]  }
0x304: {  	[sflag:s16] =	ssyncset.done $0x0  }
0x305: {  	[sflag:s16] =	ssyncadd.s32 $0xFFFF8000  }
0x306: {  	[tilespmem:s13], [sflag:$0x7] =	stream.indirect.gather.add.f32 [spmem:s2], $0x80, s0, s7, $0xb8;
	[tilespmem:$0x1ECC0] =	vst v63  }
0x307: {  	_ =	swait.ge [sflag:s12], $0x8000  }
0x308: {  	[sflag:s12] =	ssyncset.done $0x0  }
0x309: {  	s0 =	rddreg [dreg:$0x17];
	[sflag:s12] =	ssyncadd.s32 $0xFFFF8000  }
0x30a: {  	[hbm4b:s0+s1] =	stream.linear.scatter [tilespmem:s4], [sflag:$0x9], $0x8000, $0x38;
	[tilespmem:$0x1ECC0] =	vst v63  }
0x30b: {  	_ =	swait.ge [sflag:s10], $0x8000  }
0x30c: {  	s0 =	sld [smem:$0x7D4]  }
0x30d: {  	[sflag:s10] =	ssyncset.done $0x0  }
0x30e: {  	[sflag:s10] =	ssyncadd.s32 $0xFFFF8000  }
0x30f: {  	[tilespmem:s4], [sflag:$0x3] =	stream.indirect.gather [spmem:s2], $0x80, s0, s7, $0xb8;
	[tilespmem:$0x1ECC0] =	vst v63  }
0x310: {  	_ =	swait.ge [sflag:s8], $0x8000  }
0x311: {  	s0 =	sld [smem:$0x7D5]  }
0x312: {  	[sflag:s8] =	ssyncset.done $0x0  }
0x313: {  	[sflag:s8] =	ssyncadd.s32 $0xFFFF8000  }
0x314: {  	[tilespmem:s3], [sflag:$0x5] =	stream.indirect.gather.add.f32 [spmem:s2], $0x80, s0, s7, $0xb8;
	[tilespmem:$0x1ECC0] =	vst v63  }
0x315: {  	_ =	swait.ge [sflag:s14], $0x8000  }
0x316: {  	[sflag:s14] =	ssyncset.done $0x0  }
0x317: {  	s0 =	rddreg [dreg:$0x18];
	[sflag:s14] =	ssyncadd.s32 $0xFFFF8000  }
0x318: {  	[hbm4b:s0+s1] =	stream.linear.scatter [tilespmem:s13], [sflag:$0xA], $0x8000, $0x38;
	[tilespmem:$0x1ECC0] =	vst v63  }
0x319: {  	_ =	swait.ge [sflag:s11], $0x8000  }
0x31a: {  	s0 =	sld [smem:$0x7D6]  }
0x31b: {  	[sflag:s11] =	ssyncset.done $0x0  }
0x31c: {  	[sflag:s11] =	ssyncadd.s32 $0xFFFF8000  }
0x31d: {  	[tilespmem:s13], [sflag:$0x4] =	stream.indirect.gather [spmem:s2], $0x80, s0, s7, $0xb8;
	[tilespmem:$0x1ECC0] =	vst v63  }
0x31e: {  	_ =	swait.ge [sflag:s5], $0x8000  }
0x31f: {  	s0 =	sld [smem:$0x7D7]  }
0x320: {  	[sflag:s5] =	ssyncset.done $0x0  }
0x321: {  	[sflag:s5] =	ssyncadd.s32 $0xFFFF8000  }
0x322: {  	[tilespmem:s4], [sflag:$0x6] =	stream.indirect.gather.add.f32 [spmem:s2], $0x80, s0, s7, $0xb8;
	[tilespmem:$0x1ECC0] =	vst v63  }
0x323: {  	_ =	swait.ge [sflag:s9], $0x8000  }
0x324: {  	[sflag:s9] =	ssyncset.done $0x0  }
0x325: {  	s0 =	rddreg [dreg:$0x19];
	[sflag:s9] =	ssyncadd.s32 $0xFFFF8000  }
0x326: {  	[hbm4b:s0+s1] =	stream.linear.scatter [tilespmem:s3], [sflag:$0x8], $0x8000, $0x38;
	[tilespmem:$0x1ECC0] =	vst v63  }
0x327: {  	_ =	swait.ge [sflag:s6], $0x8000  }
0x328: {  	s0 =	sld [smem:$0x7D8]  }
0x329: {  	[sflag:s6] =	ssyncset.done $0x0  }
0x32a: {  	[sflag:s6] =	ssyncadd.s32 $0xFFFF8000  }
0x32b: {  	[tilespmem:s3], [sflag:$0x2] =	stream.indirect.gather [spmem:s2], $0x80, s0, s7, $0xb8;
	[tilespmem:$0x1ECC0] =	vst v63  }
0x32c: {  	_ =	swait.ge [sflag:s16], $0x8000  }
0x32d: {  	s0 =	sld [smem:$0x7D9]  }
0x32e: {  	[sflag:s16] =	ssyncset.done $0x0  }
0x32f: {  	[sflag:s16] =	ssyncadd.s32 $0xFFFF8000  }
0x330: {  	[tilespmem:s13], [sflag:$0x7] =	stream.indirect.gather.add.f32 [spmem:s2], $0x80, s0, s7, $0xb8;
	[tilespmem:$0x1ECC0] =	vst v63  }
0x331: {  	_ =	swait.ge [sflag:s12], $0x8000  }
0x332: {  	[sflag:s12] =	ssyncset.done $0x0  }
0x333: {  	s0 =	rddreg [dreg:$0x1a];
	[sflag:s12] =	ssyncadd.s32 $0xFFFF8000  }
0x334: {  	[hbm4b:s0+s1] =	stream.linear.scatter [tilespmem:s4], [sflag:$0x9], $0x8000, $0x38;
	[tilespmem:$0x1ECC0] =	vst v63  }
0x335: {  	_ =	swait.ge [sflag:s10], $0x8000  }
0x336: {  	s0 =	sld [smem:$0x7DA]  }
0x337: {  	[sflag:s10] =	ssyncset.done $0x0  }
0x338: {  	[sflag:s10] =	ssyncadd.s32 $0xFFFF8000  }
0x339: {  	[tilespmem:s4], [sflag:$0x3] =	stream.indirect.gather [spmem:s2], $0x80, s0, s7, $0xb8;
	[tilespmem:$0x1ECC0] =	vst v63  }
0x33a: {  	_ =	swait.ge [sflag:s8], $0x8000  }
0x33b: {  	s0 =	sld [smem:$0x7DB]  }
0x33c: {  	[sflag:s8] =	ssyncset.done $0x0  }
0x33d: {  	[sflag:s8] =	ssyncadd.s32 $0xFFFF8000  }
0x33e: {  	[tilespmem:s3], [sflag:$0x5] =	stream.indirect.gather.add.f32 [spmem:s2], $0x80, s0, s7, $0xb8;
	[tilespmem:$0x1ECC0] =	vst v63  }
0x33f: {  	_ =	swait.ge [sflag:s14], $0x8000  }
0x340: {  	[sflag:s14] =	ssyncset.done $0x0  }
0x341: {  	s0 =	rddreg [dreg:$0x1b];
	[sflag:s14] =	ssyncadd.s32 $0xFFFF8000  }
0x342: {  	[hbm4b:s0+s1] =	stream.linear.scatter [tilespmem:s13], [sflag:$0xA], $0x8000, $0x38;
	[tilespmem:$0x1ECC0] =	vst v63  }
0x343: {  	_ =	swait.ge [sflag:s11], $0x8000  }
0x344: {  	s0 =	sld [smem:$0x7DC]  }
0x345: {  	[sflag:s11] =	ssyncset.done $0x0  }
0x346: {  	[sflag:s11] =	ssyncadd.s32 $0xFFFF8000  }
0x347: {  	[tilespmem:s13], [sflag:$0x4] =	stream.indirect.gather [spmem:s2], $0x80, s0, s7, $0xb8;
	[tilespmem:$0x1ECC0] =	vst v63  }
0x348: {  	_ =	swait.ge [sflag:s5], $0x8000  }
0x349: {  	s0 =	sld [smem:$0x7DD]  }
0x34a: {  	[sflag:s5] =	ssyncset.done $0x0  }
0x34b: {  	[sflag:s5] =	ssyncadd.s32 $0xFFFF8000  }
0x34c: {  	[tilespmem:s4], [sflag:$0x6] =	stream.indirect.gather.add.f32 [spmem:s2], $0x80, s0, s7, $0xb8;
	[tilespmem:$0x1ECC0] =	vst v63  }
0x34d: {  	_ =	swait.ge [sflag:s9], $0x8000  }
0x34e: {  	[sflag:s9] =	ssyncset.done $0x0  }
0x34f: {  	s0 =	rddreg [dreg:$0x1c];
	[sflag:s9] =	ssyncadd.s32 $0xFFFF8000  }
0x350: {  	[hbm4b:s0+s1] =	stream.linear.scatter [tilespmem:s3], [sflag:$0x8], $0x8000, $0x38;
	[tilespmem:$0x1ECC0] =	vst v63  }
0x351: {  	_ =	swait.ge [sflag:s6], $0x8000  }
0x352: {  	s0 =	sld [smem:$0x7DE]  }
0x353: {  	[sflag:s6] =	ssyncset.done $0x0  }
0x354: {  	[sflag:s6] =	ssyncadd.s32 $0xFFFF8000  }
0x355: {  	[tilespmem:s3], [sflag:$0x2] =	stream.indirect.gather [spmem:s2], $0x80, s0, s7, $0xb8;
	[tilespmem:$0x1ECC0] =	vst v63  }
0x356: {  	_ =	swait.ge [sflag:s16], $0x8000  }
0x357: {  	s0 =	sld [smem:$0x7DF]  }
0x358: {  	[sflag:s16] =	ssyncset.done $0x0  }
0x359: {  	[sflag:s16] =	ssyncadd.s32 $0xFFFF8000  }
0x35a: {  	[tilespmem:s13], [sflag:$0x7] =	stream.indirect.gather.add.f32 [spmem:s2], $0x80, s0, s7, $0xb8;
	[tilespmem:$0x1ECC0] =	vst v63  }
0x35b: {  	_ =	swait.ge [sflag:s12], $0x8000  }
0x35c: {  	[sflag:s12] =	ssyncset.done $0x0  }
0x35d: {  	s0 =	rddreg [dreg:$0x1d];
	[sflag:s12] =	ssyncadd.s32 $0xFFFF8000  }
0x35e: {  	[hbm4b:s0+s1] =	stream.linear.scatter [tilespmem:s4], [sflag:$0x9], $0x8000, $0x38;
	[tilespmem:$0x1ECC0] =	vst v63  }
0x35f: {  	_ =	swait.ge [sflag:s10], $0x8000  }
0x360: {  	s0 =	sld [smem:$0x7E0]  }
0x361: {  	[sflag:s10] =	ssyncset.done $0x0  }
0x362: {  	[sflag:s10] =	ssyncadd.s32 $0xFFFF8000  }
0x363: {  	[tilespmem:s4], [sflag:$0x3] =	stream.indirect.gather [spmem:s2], $0x80, s0, s7, $0xb8;
	[tilespmem:$0x1ECC0] =	vst v63  }
0x364: {  	_ =	swait.ge [sflag:s8], $0x8000  }
0x365: {  	s0 =	sld [smem:$0x7E1]  }
0x366: {  	[sflag:s8] =	ssyncset.done $0x0  }
0x367: {  	[sflag:s8] =	ssyncadd.s32 $0xFFFF8000  }
0x368: {  	[tilespmem:s3], [sflag:$0x5] =	stream.indirect.gather.add.f32 [spmem:s2], $0x80, s0, s7, $0xb8;
	[tilespmem:$0x1ECC0] =	vst v63  }
0x369: {  	_ =	swait.ge [sflag:s14], $0x8000  }
0x36a: {  	[sflag:s14] =	ssyncset.done $0x0  }
0x36b: {  	s0 =	rddreg [dreg:$0x1e];
	[sflag:s14] =	ssyncadd.s32 $0xFFFF8000  }
0x36c: {  	[hbm4b:s0+s1] =	stream.linear.scatter [tilespmem:s13], [sflag:$0xA], $0x8000, $0x38;
	[tilespmem:$0x1ECC0] =	vst v63  }
0x36d: {  	_ =	swait.ge [sflag:s11], $0x8000  }
0x36e: {  	s0 =	sld [smem:$0x7E2]  }
0x36f: {  	[sflag:s11] =	ssyncset.done $0x0  }
0x370: {  	[sflag:s11] =	ssyncadd.s32 $0xFFFF8000  }
0x371: {  	[tilespmem:s13], [sflag:$0x4] =	stream.indirect.gather [spmem:s2], $0x80, s0, s7, $0xb8;
	[tilespmem:$0x1ECC0] =	vst v63  }
0x372: {  	_ =	swait.ge [sflag:s5], $0x8000  }
0x373: {  	s0 =	sld [smem:$0x7E3]  }
0x374: {  	[sflag:s5] =	ssyncset.done $0x0  }
0x375: {  	[sflag:s5] =	ssyncadd.s32 $0xFFFF8000  }
0x376: {  	[tilespmem:s4], [sflag:$0x6] =	stream.indirect.gather.add.f32 [spmem:s2], $0x80, s0, s7, $0xb8;
	[tilespmem:$0x1ECC0] =	vst v63  }
0x377: {  	_ =	swait.ge [sflag:s9], $0x8000  }
0x378: {  	[sflag:s9] =	ssyncset.done $0x0  }
0x379: {  	s0 =	rddreg [dreg:$0x1f];
	[sflag:s9] =	ssyncadd.s32 $0xFFFF8000  }
0x37a: {  	[hbm4b:s0+s1] =	stream.linear.scatter [tilespmem:s3], [sflag:$0x8], $0x8000, $0x38;
	[tilespmem:$0x1ECC0] =	vst v63  }
0x37b: {  	_ =	swait.ge [sflag:s6], $0x8000  }
0x37c: {  	s0 =	sld [smem:$0x7E4]  }
0x37d: {  	[sflag:s6] =	ssyncset.done $0x0  }
0x37e: {  	[sflag:s6] =	ssyncadd.s32 $0xFFFF8000  }
0x37f: {  	[tilespmem:s3], [sflag:$0x2] =	stream.indirect.gather [spmem:s2], $0x80, s0, s7, $0xb8;
	[tilespmem:$0x1ECC0] =	vst v63  }
0x380: {  	_ =	swait.ge [sflag:s16], $0x8000  }
0x381: {  	s0 =	sld [smem:$0x7E5]  }
0x382: {  	[sflag:s16] =	ssyncset.done $0x0  }
0x383: {  	[sflag:s16] =	ssyncadd.s32 $0xFFFF8000  }
0x384: {  	[tilespmem:s13], [sflag:$0x7] =	stream.indirect.gather.add.f32 [spmem:s2], $0x80, s0, s7, $0xb8;
	[tilespmem:$0x1ECC0] =	vst v63  }
0x385: {  	_ =	swait.ge [sflag:s12], $0x8000  }
0x386: {  	s0 =	sld [smem:$0x7B2]  }
0x387: {  	[sflag:s12] =	ssyncset.done $0x0  }
0x388: {  	[sflag:s12] =	ssyncadd.s32 $0xFFFF8000  }
0x389: {  	[hbm4b:s0+s1] =	stream.linear.scatter [tilespmem:s4], [sflag:$0x9], $0x8000, $0x38;
	[tilespmem:$0x1ECC0] =	vst v63  }
0x38a: {  	_ =	swait.ge [sflag:s10], $0x8000  }
0x38b: {  	s0 =	sld [smem:$0x7E6]  }
0x38c: {  	[sflag:s10] =	ssyncset.done $0x0  }
0x38d: {  	[sflag:s10] =	ssyncadd.s32 $0xFFFF8000  }
0x38e: {  	[tilespmem:s4], [sflag:$0x3] =	stream.indirect.gather [spmem:s2], $0x80, s0, s7, $0xb8;
	[tilespmem:$0x1ECC0] =	vst v63  }
0x38f: {  	_ =	swait.ge [sflag:s8], $0x8000  }
0x390: {  	s0 =	sld [smem:$0x7E7]  }
0x391: {  	[sflag:s8] =	ssyncset.done $0x0  }
0x392: {  	[sflag:s8] =	ssyncadd.s32 $0xFFFF8000  }
0x393: {  	[tilespmem:s3], [sflag:$0x5] =	stream.indirect.gather.add.f32 [spmem:s2], $0x80, s0, s7, $0xb8;
	[tilespmem:$0x1ECC0] =	vst v63  }
0x394: {  	_ =	swait.ge [sflag:s14], $0x8000  }
0x395: {  	s0 =	sld [smem:$0x7B3]  }
0x396: {  	[sflag:s14] =	ssyncset.done $0x0  }
0x397: {  	[sflag:s14] =	ssyncadd.s32 $0xFFFF8000  }
0x398: {  	[hbm4b:s0+s1] =	stream.linear.scatter [tilespmem:s13], [sflag:$0xA], $0x8000, $0x38;
	[tilespmem:$0x1ECC0] =	vst v63  }
0x399: {  	_ =	swait.ge [sflag:s11], $0x8000  }
0x39a: {  	s0 =	sld [smem:$0x7E8]  }
0x39b: {  	[sflag:s11] =	ssyncset.done $0x0  }
0x39c: {  	[sflag:s11] =	ssyncadd.s32 $0xFFFF8000  }
0x39d: {  	[tilespmem:s13], [sflag:$0x4] =	stream.indirect.gather [spmem:s2], $0x80, s0, s7, $0xb8;
	[tilespmem:$0x1ECC0] =	vst v63  }
0x39e: {  	_ =	swait.ge [sflag:s5], $0x8000  }
0x39f: {  	s0 =	sld [smem:$0x7E9]  }
0x3a0: {  	[sflag:s5] =	ssyncset.done $0x0  }
0x3a1: {  	[sflag:s5] =	ssyncadd.s32 $0xFFFF8000  }
0x3a2: {  	[tilespmem:s4], [sflag:$0x6] =	stream.indirect.gather.add.f32 [spmem:s2], $0x80, s0, s7, $0xb8;
	[tilespmem:$0x1ECC0] =	vst v63  }
0x3a3: {  	_ =	swait.ge [sflag:s9], $0x8000  }
0x3a4: {  	s0 =	sld [smem:$0x7B4]  }
0x3a5: {  	[sflag:s9] =	ssyncset.done $0x0  }
0x3a6: {  	[sflag:s9] =	ssyncadd.s32 $0xFFFF8000  }
0x3a7: {  	[hbm4b:s0+s1] =	stream.linear.scatter [tilespmem:s3], [sflag:$0x8], $0x8000, $0x38;
	[tilespmem:$0x1ECC0] =	vst v63  }
0x3a8: {  	_ =	swait.ge [sflag:s6], $0x8000  }
0x3a9: {  	s0 =	sld [smem:$0x7EA]  }
0x3aa: {  	[sflag:s6] =	ssyncset.done $0x0  }
0x3ab: {  	[sflag:s6] =	ssyncadd.s32 $0xFFFF8000  }
0x3ac: {  	[tilespmem:s3], [sflag:$0x2] =	stream.indirect.gather [spmem:s2], $0x80, s0, s7, $0xb8;
	[tilespmem:$0x1ECC0] =	vst v63  }
0x3ad: {  	_ =	swait.ge [sflag:s16], $0x8000  }
0x3ae: {  	s0 =	sld [smem:$0x7EB]  }
0x3af: {  	[sflag:s16] =	ssyncset.done $0x0  }
0x3b0: {  	[sflag:s16] =	ssyncadd.s32 $0xFFFF8000  }
0x3b1: {  	[tilespmem:s13], [sflag:$0x7] =	stream.indirect.gather.add.f32 [spmem:s2], $0x80, s0, s7, $0xb8;
	[tilespmem:$0x1ECC0] =	vst v63  }
0x3b2: {  	_ =	swait.ge [sflag:s12], $0x8000  }
0x3b3: {  	s0 =	sld [smem:$0x7B5]  }
0x3b4: {  	[sflag:s12] =	ssyncset.done $0x0  }
0x3b5: {  	[sflag:s12] =	ssyncadd.s32 $0xFFFF8000  }
0x3b6: {  	[hbm4b:s0+s1] =	stream.linear.scatter [tilespmem:s4], [sflag:$0x9], $0x8000, $0x38;
	[tilespmem:$0x1ECC0] =	vst v63  }
0x3b7: {  	_ =	swait.ge [sflag:s10], $0x8000  }
0x3b8: {  	s0 =	sld [smem:$0x7EC]  }
0x3b9: {  	[sflag:s10] =	ssyncset.done $0x0  }
0x3ba: {  	[sflag:s10] =	ssyncadd.s32 $0xFFFF8000  }
0x3bb: {  	[tilespmem:s4], [sflag:$0x3] =	stream.indirect.gather [spmem:s2], $0x80, s0, s7, $0xb8;
	[tilespmem:$0x1ECC0] =	vst v63  }
0x3bc: {  	_ =	swait.ge [sflag:s8], $0x8000  }
0x3bd: {  	s0 =	sld [smem:$0x7ED]  }
0x3be: {  	[sflag:s8] =	ssyncset.done $0x0  }
0x3bf: {  	[sflag:s8] =	ssyncadd.s32 $0xFFFF8000  }
0x3c0: {  	[tilespmem:s3], [sflag:$0x5] =	stream.indirect.gather.add.f32 [spmem:s2], $0x80, s0, s7, $0xb8;
	[tilespmem:$0x1ECC0] =	vst v63  }
0x3c1: {  	_ =	swait.ge [sflag:s14], $0x8000  }
0x3c2: {  	s0 =	sld [smem:$0x7B6]  }
0x3c3: {  	[sflag:s14] =	ssyncset.done $0x0  }
0x3c4: {  	[sflag:s14] =	ssyncadd.s32 $0xFFFF8000  }
0x3c5: {  	[hbm4b:s0+s1] =	stream.linear.scatter [tilespmem:s13], [sflag:$0xA], $0x8000, $0x38;
	[tilespmem:$0x1ECC0] =	vst v63  }
0x3c6: {  	_ =	swait.ge [sflag:s11], $0x8000  }
0x3c7: {  	s0 =	sld [smem:$0x7EE]  }
0x3c8: {  	[sflag:s11] =	ssyncset.done $0x0  }
0x3c9: {  	[sflag:s11] =	ssyncadd.s32 $0xFFFF8000  }
0x3ca: {  	[tilespmem:s13], [sflag:$0x4] =	stream.indirect.gather [spmem:s2], $0x80, s0, s7, $0xb8;
	[tilespmem:$0x1ECC0] =	vst v63  }
0x3cb: {  	_ =	swait.ge [sflag:s5], $0x8000  }
0x3cc: {  	s0 =	sld [smem:$0x7EF]  }
0x3cd: {  	[sflag:s5] =	ssyncset.done $0x0  }
0x3ce: {  	[sflag:s5] =	ssyncadd.s32 $0xFFFF8000  }
0x3cf: {  	[tilespmem:s4], [sflag:$0x6] =	stream.indirect.gather.add.f32 [spmem:s2], $0x80, s0, s7, $0xb8;
	[tilespmem:$0x1ECC0] =	vst v63  }
0x3d0: {  	_ =	swait.ge [sflag:s9], $0x8000  }
0x3d1: {  	s0 =	sld [smem:$0x7B7]  }
0x3d2: {  	[sflag:s9] =	ssyncset.done $0x0  }
0x3d3: {  	[sflag:s9] =	ssyncadd.s32 $0xFFFF8000  }
0x3d4: {  	[hbm4b:s0+s1] =	stream.linear.scatter [tilespmem:s3], [sflag:$0x8], $0x8000, $0x38;
	[tilespmem:$0x1ECC0] =	vst v63  }
0x3d5: {  	_ =	swait.ge [sflag:s6], $0x8000  }
0x3d6: {  	s0 =	sld [smem:$0x7F0]  }
0x3d7: {  	[sflag:s6] =	ssyncset.done $0x0  }
0x3d8: {  	[sflag:s6] =	ssyncadd.s32 $0xFFFF8000  }
0x3d9: {  	[tilespmem:s3], [sflag:$0x2] =	stream.indirect.gather [spmem:s2], $0x80, s0, s7, $0xb8;
	[tilespmem:$0x1ECC0] =	vst v63  }
0x3da: {  	_ =	swait.ge [sflag:s16], $0x8000  }
0x3db: {  	s0 =	sld [smem:$0x7F1]  }
0x3dc: {  	[sflag:s16] =	ssyncset.done $0x0  }
0x3dd: {  	[sflag:s16] =	ssyncadd.s32 $0xFFFF8000  }
0x3de: {  	[tilespmem:s13], [sflag:$0x7] =	stream.indirect.gather.add.f32 [spmem:s2], $0x80, s0, s7, $0xb8;
	[tilespmem:$0x1ECC0] =	vst v63  }
0x3df: {  	_ =	swait.ge [sflag:s12], $0x8000  }
0x3e0: {  	s0 =	sld [smem:$0x7B8]  }
0x3e1: {  	[sflag:s12] =	ssyncset.done $0x0  }
0x3e2: {  	[sflag:s12] =	ssyncadd.s32 $0xFFFF8000  }
0x3e3: {  	[hbm4b:s0+s1] =	stream.linear.scatter [tilespmem:s4], [sflag:$0x9], $0x8000, $0x38;
	[tilespmem:$0x1ECC0] =	vst v63  }
0x3e4: {  	_ =	swait.ge [sflag:s10], $0x8000  }
0x3e5: {  	s0 =	sld [smem:$0x7F2]  }
0x3e6: {  	[sflag:s10] =	ssyncset.done $0x0  }
0x3e7: {  	[sflag:s10] =	ssyncadd.s32 $0xFFFF8000  }
0x3e8: {  	[tilespmem:s4], [sflag:$0x3] =	stream.indirect.gather [spmem:s2], $0x80, s0, s7, $0xb8;
	[tilespmem:$0x1ECC0] =	vst v63  }
0x3e9: {  	_ =	swait.ge [sflag:s8], $0x8000  }
0x3ea: {  	s0 =	sld [smem:$0x7F3]  }
0x3eb: {  	[sflag:s8] =	ssyncset.done $0x0  }
0x3ec: {  	[sflag:s8] =	ssyncadd.s32 $0xFFFF8000  }
0x3ed: {  	[tilespmem:s3], [sflag:$0x5] =	stream.indirect.gather.add.f32 [spmem:s2], $0x80, s0, s7, $0xb8;
	[tilespmem:$0x1ECC0] =	vst v63  }
0x3ee: {  	_ =	swait.ge [sflag:s14], $0x8000  }
0x3ef: {  	s0 =	sld [smem:$0x7B9]  }
0x3f0: {  	[sflag:s14] =	ssyncset.done $0x0  }
0x3f1: {  	[sflag:s14] =	ssyncadd.s32 $0xFFFF8000  }
0x3f2: {  	[hbm4b:s0+s1] =	stream.linear.scatter [tilespmem:s13], [sflag:$0xA], $0x8000, $0x38;
	[tilespmem:$0x1ECC0] =	vst v63  }
0x3f3: {  	_ =	swait.ge [sflag:s11], $0x8000  }
0x3f4: {  	s0 =	sld [smem:$0x7F4]  }
0x3f5: {  	[sflag:s11] =	ssyncset.done $0x0  }
0x3f6: {  	[sflag:s11] =	ssyncadd.s32 $0xFFFF8000  }
0x3f7: {  	[tilespmem:s13], [sflag:$0x4] =	stream.indirect.gather [spmem:s2], $0x80, s0, s7, $0xb8;
	[tilespmem:$0x1ECC0] =	vst v63  }
0x3f8: {  	_ =	swait.ge [sflag:s5], $0x8000  }
0x3f9: {  	s0 =	sld [smem:$0x7F5]  }
0x3fa: {  	[sflag:s5] =	ssyncset.done $0x0  }
0x3fb: {  	[sflag:s5] =	ssyncadd.s32 $0xFFFF8000  }
0x3fc: {  	[tilespmem:s4], [sflag:$0x6] =	stream.indirect.gather.add.f32 [spmem:s2], $0x80, s0, s7, $0xb8;
	[tilespmem:$0x1ECC0] =	vst v63  }
0x3fd: {  	_ =	swait.ge [sflag:s9], $0x8000  }
0x3fe: {  	s0 =	sld [smem:$0x7BA]  }
0x3ff: {  	[sflag:s9] =	ssyncset.done $0x0  }
0x400: {  	[sflag:s9] =	ssyncadd.s32 $0xFFFF8000  }
0x401: {  	[hbm4b:s0+s1] =	stream.linear.scatter [tilespmem:s3], [sflag:$0x8], $0x8000, $0x38;
	[tilespmem:$0x1ECC0] =	vst v63  }
0x402: {  	_ =	swait.ge [sflag:s6], $0x8000  }
0x403: {  	s0 =	sld [smem:$0x7F6]  }
0x404: {  	[sflag:s6] =	ssyncset.done $0x0  }
0x405: {  	[sflag:s6] =	ssyncadd.s32 $0xFFFF8000  }
0x406: {  	[tilespmem:s3], [sflag:$0x2] =	stream.indirect.gather [spmem:s2], $0x80, s0, s7, $0xb8;
	[tilespmem:$0x1ECC0] =	vst v63  }
0x407: {  	_ =	swait.ge [sflag:s16], $0x8000  }
0x408: {  	s0 =	sld [smem:$0x7F7]  }
0x409: {  	[sflag:s16] =	ssyncset.done $0x0  }
0x40a: {  	[sflag:s16] =	ssyncadd.s32 $0xFFFF8000  }
0x40b: {  	[tilespmem:s13], [sflag:$0x7] =	stream.indirect.gather.add.f32 [spmem:s2], $0x80, s0, s7, $0xb8;
	[tilespmem:$0x1ECC0] =	vst v63  }
0x40c: {  	_ =	swait.ge [sflag:s12], $0x8000  }
0x40d: {  	s0 =	sld [smem:$0x7BB]  }
0x40e: {  	[sflag:s12] =	ssyncset.done $0x0  }
0x40f: {  	[sflag:s12] =	ssyncadd.s32 $0xFFFF8000  }
0x410: {  	[hbm4b:s0+s1] =	stream.linear.scatter [tilespmem:s4], [sflag:$0x9], $0x8000, $0x38;
	[tilespmem:$0x1ECC0] =	vst v63  }
0x411: {  	_ =	swait.ge [sflag:s10], $0x8000  }
0x412: {  	s0 =	sld [smem:$0x7F8]  }
0x413: {  	[sflag:s10] =	ssyncset.done $0x0  }
0x414: {  	[sflag:s10] =	ssyncadd.s32 $0xFFFF8000  }
0x415: {  	[tilespmem:s4], [sflag:$0x3] =	stream.indirect.gather [spmem:s2], $0x80, s0, s7, $0xb8;
	[tilespmem:$0x1ECC0] =	vst v63  }
0x416: {  	_ =	swait.ge [sflag:s8], $0x8000  }
0x417: {  	s0 =	sld [smem:$0x7F9]  }
0x418: {  	[sflag:s8] =	ssyncset.done $0x0  }
0x419: {  	[sflag:s8] =	ssyncadd.s32 $0xFFFF8000  }
0x41a: {  	[tilespmem:s3], [sflag:$0x5] =	stream.indirect.gather.add.f32 [spmem:s2], $0x80, s0, s7, $0xb8;
	[tilespmem:$0x1ECC0] =	vst v63  }
0x41b: {  	_ =	swait.ge [sflag:s14], $0x8000  }
0x41c: {  	s0 =	sld [smem:$0x7BC]  }
0x41d: {  	[sflag:s14] =	ssyncset.done $0x0  }
0x41e: {  	[sflag:s14] =	ssyncadd.s32 $0xFFFF8000  }
0x41f: {  	[hbm4b:s0+s1] =	stream.linear.scatter [tilespmem:s13], [sflag:$0xA], $0x8000, $0x38;
	[tilespmem:$0x1ECC0] =	vst v63  }
0x420: {  	_ =	swait.ge [sflag:s11], $0x8000  }
0x421: {  	s0 =	sld [smem:$0x7FA]  }
0x422: {  	[sflag:s11] =	ssyncset.done $0x0  }
0x423: {  	[sflag:s11] =	ssyncadd.s32 $0xFFFF8000  }
0x424: {  	[tilespmem:s13], [sflag:$0x4] =	stream.indirect.gather [spmem:s2], $0x80, s0, s7, $0xb8;
	[tilespmem:$0x1ECC0] =	vst v63  }
0x425: {  	_ =	swait.ge [sflag:s5], $0x8000  }
0x426: {  	s0 =	sld [smem:$0x7FB]  }
0x427: {  	[sflag:s5] =	ssyncset.done $0x0  }
0x428: {  	[sflag:s5] =	ssyncadd.s32 $0xFFFF8000  }
0x429: {  	[tilespmem:s4], [sflag:$0x6] =	stream.indirect.gather.add.f32 [spmem:s2], $0x80, s0, s7, $0xb8;
	[tilespmem:$0x1ECC0] =	vst v63  }
0x42a: {  	_ =	swait.ge [sflag:s9], $0x8000  }
0x42b: {  	s0 =	sld [smem:$0x7BD]  }
0x42c: {  	[sflag:s9] =	ssyncset.done $0x0  }
0x42d: {  	[sflag:s9] =	ssyncadd.s32 $0xFFFF8000  }
0x42e: {  	[hbm4b:s0+s1] =	stream.linear.scatter [tilespmem:s3], [sflag:$0x8], $0x8000, $0x38;
	[tilespmem:$0x1ECC0] =	vst v63  }
0x42f: {  	_ =	swait.ge [sflag:s6], $0x8000  }
0x430: {  	s0 =	sld [smem:$0x7FC]  }
0x431: {  	[sflag:s6] =	ssyncset.done $0x0  }
0x432: {  	[sflag:s6] =	ssyncadd.s32 $0xFFFF8000  }
0x433: {  	[tilespmem:s3], [sflag:$0x2] =	stream.indirect.gather [spmem:s2], $0x80, s0, s7, $0xb8;
	[tilespmem:$0x1ECC0] =	vst v63  }
0x434: {  	_ =	swait.ge [sflag:s16], $0x8000  }
0x435: {  	s0 =	sld [smem:$0x7FD]  }
0x436: {  	[sflag:s16] =	ssyncset.done $0x0  }
0x437: {  	[sflag:s16] =	ssyncadd.s32 $0xFFFF8000  }
0x438: {  	[tilespmem:s13], [sflag:$0x7] =	stream.indirect.gather.add.f32 [spmem:s2], $0x80, s0, s7, $0xb8;
	[tilespmem:$0x1ECC0] =	vst v63  }
0x439: {  	_ =	swait.ge [sflag:s12], $0x8000  }
0x43a: {  	s0 =	sld [smem:$0x7BE]  }
0x43b: {  	[sflag:s12] =	ssyncset.done $0x0  }
0x43c: {  	[sflag:s12] =	ssyncadd.s32 $0xFFFF8000  }
0x43d: {  	[hbm4b:s0+s1] =	stream.linear.scatter [tilespmem:s4], [sflag:$0x9], $0x8000, $0x38;
	[tilespmem:$0x1ECC0] =	vst v63  }
0x43e: {  	_ =	swait.ge [sflag:s10], $0x8000  }
0x43f: {  	[sflag:s10] =	ssyncset.done $0x0  }
0x440: {  	[sflag:s10] =	ssyncadd.s32 $0xFFFF8000  }
0x441: {  	[tilespmem:s4], [sflag:$0x3] =	stream.indirect.gather [spmem:s2], $0x80, s18, s7, $0xb8;
	[tilespmem:$0x1ECC0] =	vst v63  }
0x442: {  	_ =	swait.ge [sflag:s8], $0x8000  }
0x443: {  	[sflag:s8] =	ssyncset.done $0x0  }
0x444: {  	[sflag:s8] =	ssyncadd.s32 $0xFFFF8000  }
0x445: {  	[tilespmem:s3], [sflag:$0x5] =	stream.indirect.gather.add.f32 [spmem:s2], $0x80, s17, s7, $0xb8;
	[tilespmem:$0x1ECC0] =	vst v63  }
0x446: {  	_ =	swait.ge [sflag:s14], $0x8000  }
0x447: {  	s0 =	sld [smem:$0x7BF]  }
0x448: {  	[sflag:s14] =	ssyncset.done $0x0  }
0x449: {  	[sflag:s14] =	ssyncadd.s32 $0xFFFF8000  }
0x44a: {  	[hbm4b:s0+s1] =	stream.linear.scatter [tilespmem:s13], [sflag:$0xA], $0x8000, $0x38;
	[tilespmem:$0x1ECC0] =	vst v63  }
0x44b: {  	_ =	swait.ge [sflag:s5], $0x8000  }
0x44c: {  	[sflag:s5] =	ssyncset.done $0x0  }
0x44d: {  	s15 =	simm.s32 $0x6A40;
	[sflag:s5] =	ssyncadd.s32 $0xFFFF8000  }
0x44e: {  	[tilespmem:s4], [sflag:$0x6] =	stream.indirect.gather.add.f32 [spmem:s2], $0x80, s15, s7, $0xb8;
	[tilespmem:$0x1ECC0] =	vst v63  }
0x44f: {  	_ =	swait.ge [sflag:s9], $0x8000  }
0x450: {  	s15 =	sld [smem:$0x7C0]  }
0x451: {  	[sflag:s9] =	ssyncset.done $0x0  }
0x452: {  	[sflag:s9] =	ssyncadd.s32 $0xFFFF8000  }
0x453: {  	[hbm4b:s15+s1] =	stream.linear.scatter [tilespmem:s3], [sflag:$0x8], $0x8000, $0x38;
	[tilespmem:$0x1ECC0] =	vst v63  }
0x454: {  	_ =	swait.ge [sflag:s12], $0x8000  }
0x455: {  	s15 =	sld [smem:$0x7C1]  }
0x456: {  	[sflag:s12] =	ssyncset.done $0x0  }
0x457: {  	[sflag:s12] =	ssyncadd.s32 $0xFFFF8000  }
0x458: {  	[hbm4b:s15+s1] =	stream.linear.scatter [tilespmem:s4], [sflag:$0x9], $0x8000, $0x38;
	[tilespmem:$0x1ECC0] =	vst v63  }
0x459: {  	_ =	swait.ge [sflag:s6], $0x8000  }
0x45a: {  	s31 =	sadd.s32 $0xFFFFFFFF, s31;
	[sflag:s6] =	ssyncset.done $0x0  }
0x45b: {  	p2 =	sne.s32 s31, $0x0;
	[sflag:s6] =	ssyncadd.s32 $0xFFFF8000  }
.Ltmp2:
0x45c: {  	_ =	swait.ge [sflag:s10], $0x8000;
	(pc) =	sbr.rel @p2 .LBB2_4-.Ltmp2, $4  }
0x45d: {  	[sflag:s10] =	ssyncset.done $0x0  }
0x45e: {  	[sflag:s10] =	ssyncadd.s32 $0xFFFF8000  }
0x45f: {  	_ =	swait.ge [sflag:s11], $0x8000  }
0x460: {  	s0 =	rddreg [dreg:$0xa];
	[sflag:s11] =	ssyncset.done $0x0  }
0x461: {  	s29 =	simm.s32 $0x6A40;
	s28 =	rddreg [dreg:$0x6]  }
.LBB2_6:
0x462: {  	s15 =	sld [smem:$0x7C2];
	_ =	sdelay $0x1  }
0x463: {  	[sflag:s11] =	ssyncadd.s32 @p1 $0xFFFF8000  }
0x464: {  	[tilespmem:s15], [sflag:$0xB] =	stream.linear.gather [hbm4b:s0+s1], $0x10, $0x38;
	[tilespmem:$0x1ECC0] =	vst v63  }
0x465: {  	_ =	swait.ge [sflag:s22], $0x10  }
0x466: {  	[sflag:s22] =	ssyncset.done $0x0  }
0x467: {  	s30 =	rddreg [dreg:$0xb];
	[sflag:s22] =	ssyncadd.s32 $0xFFFFFFF0  }
0x468: {  	[tilespmem:s21], [sflag:$0x2] =	stream.linear.gather [hbm4b:s30+s1], $0x2000, $0x38;
	[tilespmem:$0x1ECC0] =	vst v63  }
0x469: {  	s31 =	rddreg [dreg:$0xc]  }
0x46a: {  	[tilespmem:s20], [sflag:$0x3] =	stream.linear.gather [hbm4b:s31+s1], $0x2000, $0x38;
	[tilespmem:$0x1ECC0] =	vst v63  }
0x46b: {  	s30 =	rddreg [dreg:$0xd]  }
0x46c: {  	[tilespmem:s24], [sflag:$0xB] =	stream.linear.gather [hbm4b:s30+s1], $0x50, $0x38;
	[tilespmem:$0x1ECC0] =	vst v63  }
0x46d: {  	_ =	swait.ge [sflag:s22], $0x50  }
0x46e: {  	[sflag:s22] =	ssyncset.done $0x0  }
0x46f: {  	s31 =	rddreg [dreg:$0xe];
	[sflag:s22] =	ssyncadd.s32 $0xFFFFFFB0  }
0x470: {  	[tilespmem:s23], [sflag:$0xB] =	stream.linear.gather [hbm4b:s31+s1], $0x50, $0x38;
	[tilespmem:$0x1ECC0] =	vst v63  }
0x471: {  	_ =	swait.ge [sflag:s22], $0x50  }
0x472: {  	[sflag:s22] =	ssyncset.done $0x0  }
0x473: {  	s15 =	rddreg [dreg:$0x7];
	[sflag:s22] =	ssyncadd.s32 $0xFFFFFFB0  }
0x474: {  	[tilespmem:s3], [sflag:$0x1] =	stream.indirect.gather [hbm4b:s15+s25], $0x80, s24, s25, $0xb8;
	[tilespmem:$0x1ECC0] =	vst v63  }
0x475: {  	_ =	swait.ge [sflag:s26], $0x2800  }
0x476: {  	[sflag:s26] =	ssyncset.done $0x0  }
0x477: {  	s24 =	rddreg [dreg:$0x8];
	[sflag:s26] =	ssyncadd.s32 $0xFFFFD800  }
0x478: {  	[tilespmem:s3], [sflag:$0x1] =	stream.indirect.gather.add.f32 [hbm:s24], $0x80, s23, s25, $0xb8;
	[tilespmem:$0x1ECC0] =	vst v63  }
0x479: {  	_ =	swait.ge [sflag:s26], $0x2800  }
0x47a: {  	[sflag:s26] =	ssyncset.done $0x0  }
0x47b: {  	s25 =	rddreg [dreg:$0xf];
	[sflag:s26] =	ssyncadd.s32 $0xFFFFD800  }
0x47c: {  	[spmem:s25] =	stream.linear.scatter [tilespmem:s3], [sflag:$0xB], $0x2800, $0x38;
	[tilespmem:$0x1ECC0] =	vst v63  }
0x47d: {  	_ =	swait.ge [sflag:s22], $0x2800  }
0x47e: {  	s15 =	simm.s32 @!p0 $0x0;
	[sflag:s22] =	ssyncset.done $0x0  }
0x47f: {  	s0 =	rddreg [dreg:$0x9];
	[sflag:s22] =	ssyncadd.s32 $0xFFFFD800;
	s22 =	simm.s32 @!p0 $0xEB40  }
0x480: {  	[tilespmem:s22], [sflag:$0xB] =	stream.linear.gather @!p0 [hbm4b:s0+s15], $0x3200, $0x38;
	[tilespmem:$0x1ECC0] =	vst v63  }
0x481: {  	s0 =	simm.s32 @!p0 $0xB  }
0x482: {  	_ =	swait.ge @!p0 [sflag:s0], $0x3200  }
0x483: {  	[sflag:s0] =	ssyncset.done @!p0 $0x0  }
0x484: {  	s15 =	rddreg [dreg:$0x10];
	[sflag:s0] =	ssyncadd.s32 @!p0 $0xFFFFCE00  }
0x485: {  	[spmem:s15] =	stream.linear.scatter @!p0 [tilespmem:s22], [sflag:$0xB], $0x3200, $0x38;
	[tilespmem:$0x1ECC0] =	vst v63  }
0x486: {  	_ =	swait.ge @!p0 [sflag:s0], $0x3200  }
0x487: {  	[sflag:s0] =	ssyncset.done @!p0 $0x0  }
0x488: {  	[sflag:s0] =	ssyncadd.s32 @!p0 $0xFFFFCE00  }
0x489: {  	_ =	swait.ge [sflag:s8], $0x2000  }
0x48a: {  	[sflag:s8] =	ssyncset.done $0x0  }
0x48b: {  	[sflag:s8] =	ssyncadd.s32 $0xFFFFE000  }
0x48c: {  	_ =	swait.ge [sflag:s5], $0x2000  }
0x48d: {  	[sflag:s5] =	ssyncset.done $0x0  }
0x48e: {  	[sflag:s5] =	ssyncadd.s32 $0xFFFFE000  }
0x48f: {  	[bflag:$0x0] =	sbarrier.arrive $0xFFFF  }
0x490: {  	s30 =	sld [smem:$0x7C3]  }
0x491: {  	[tilespmem:s3], [sflag:$0x2] =	stream.indirect.gather [spmem:s2], $0x80, s21, s7, $0xb8;
	[tilespmem:$0x1ECC0] =	vst v63  }
0x492: {  	_ = 	snop  }
0x493: {  	[tilespmem:s4], [sflag:$0x3] =	stream.indirect.gather [spmem:s2], $0x80, s30, s7, $0xb8;
	[tilespmem:$0x1ECC0] =	vst v63  }
0x494: {  	_ =	swait.ge [sflag:s8], $0x8000  }
0x495: {  	[sflag:s8] =	ssyncset.done $0x0  }
0x496: {  	s31 =	sld [smem:$0x7C4];
	[sflag:s8] =	ssyncadd.s32 $0xFFFF8000  }
0x497: {  	[tilespmem:s3], [sflag:$0x5] =	stream.indirect.gather.add.f32 [spmem:s2], $0x80, s20, s7, $0xb8;
	[tilespmem:$0x1ECC0] =	vst v63  }
0x498: {  	_ = 	snop  }
0x499: {  	[tilespmem:s13], [sflag:$0x4] =	stream.indirect.gather [spmem:s2], $0x80, s31, s7, $0xb8;
	[tilespmem:$0x1ECC0] =	vst v63  }
0x49a: {  	_ =	swait.ge [sflag:s5], $0x8000  }
0x49b: {  	s15 =	sld [smem:$0x7C5]  }
0x49c: {  	[sflag:s5] =	ssyncset.done $0x0  }
0x49d: {  	[sflag:s5] =	ssyncadd.s32 $0xFFFF8000  }
0x49e: {  	[tilespmem:s4], [sflag:$0x6] =	stream.indirect.gather.add.f32 [spmem:s2], $0x80, s15, s7, $0xb8;
	[tilespmem:$0x1ECC0] =	vst v63  }
0x49f: {  	_ =	swait.ge [sflag:s9], $0x8000  }
0x4a0: {  	[sflag:s9] =	ssyncset.done $0x0  }
0x4a1: {  	[sflag:s9] =	ssyncadd.s32 $0xFFFF8000  }
0x4a2: {  	[hbm4b:s19+s1] =	stream.linear.scatter [tilespmem:s3], [sflag:$0x8], $0x8000, $0x38;
	[tilespmem:$0x1ECC0] =	vst v63  }
0x4a3: {  	_ =	swait.ge [sflag:s6], $0x8000  }
0x4a4: {  	s19 =	sld [smem:$0x7C6]  }
0x4a5: {  	[sflag:s6] =	ssyncset.done $0x0  }
0x4a6: {  	[sflag:s6] =	ssyncadd.s32 $0xFFFF8000  }
0x4a7: {  	[tilespmem:s3], [sflag:$0x2] =	stream.indirect.gather [spmem:s2], $0x80, s19, s7, $0xb8;
	[tilespmem:$0x1ECC0] =	vst v63  }
0x4a8: {  	_ =	swait.ge [sflag:s16], $0x8000  }
0x4a9: {  	s20 =	sld [smem:$0x7C7]  }
0x4aa: {  	[sflag:s16] =	ssyncset.done $0x0  }
0x4ab: {  	[sflag:s16] =	ssyncadd.s32 $0xFFFF8000  }
0x4ac: {  	[tilespmem:s13], [sflag:$0x7] =	stream.indirect.gather.add.f32 [spmem:s2], $0x80, s20, s7, $0xb8;
	[tilespmem:$0x1ECC0] =	vst v63  }
0x4ad: {  	_ =	swait.ge [sflag:s12], $0x8000  }
0x4ae: {  	[sflag:s12] =	ssyncset.done $0x0  }
0x4af: {  	s21 =	rddreg [dreg:$0x11];
	[sflag:s12] =	ssyncadd.s32 $0xFFFF8000  }
0x4b0: {  	[hbm4b:s21+s1] =	stream.linear.scatter [tilespmem:s4], [sflag:$0x9], $0x8000, $0x38;
	[tilespmem:$0x1ECC0] =	vst v63  }
0x4b1: {  	_ =	swait.ge [sflag:s10], $0x8000  }
0x4b2: {  	s22 =	sld [smem:$0x7C8]  }
0x4b3: {  	[sflag:s10] =	ssyncset.done $0x0  }
0x4b4: {  	[sflag:s10] =	ssyncadd.s32 $0xFFFF8000  }
0x4b5: {  	[tilespmem:s4], [sflag:$0x3] =	stream.indirect.gather [spmem:s2], $0x80, s22, s7, $0xb8;
	[tilespmem:$0x1ECC0] =	vst v63  }
0x4b6: {  	_ =	swait.ge [sflag:s8], $0x8000  }
0x4b7: {  	s23 =	sld [smem:$0x7C9]  }
0x4b8: {  	[sflag:s8] =	ssyncset.done $0x0  }
0x4b9: {  	[sflag:s8] =	ssyncadd.s32 $0xFFFF8000  }
0x4ba: {  	[tilespmem:s3], [sflag:$0x5] =	stream.indirect.gather.add.f32 [spmem:s2], $0x80, s23, s7, $0xb8;
	[tilespmem:$0x1ECC0] =	vst v63  }
0x4bb: {  	_ =	swait.ge [sflag:s14], $0x8000  }
0x4bc: {  	[sflag:s14] =	ssyncset.done $0x0  }
0x4bd: {  	s24 =	rddreg [dreg:$0x12];
	[sflag:s14] =	ssyncadd.s32 $0xFFFF8000  }
0x4be: {  	[hbm4b:s24+s1] =	stream.linear.scatter [tilespmem:s13], [sflag:$0xA], $0x8000, $0x38;
	[tilespmem:$0x1ECC0] =	vst v63  }
0x4bf: {  	_ =	swait.ge [sflag:s11], $0x8000  }
0x4c0: {  	s25 =	sld [smem:$0x7CA]  }
0x4c1: {  	[sflag:s11] =	ssyncset.done $0x0  }
0x4c2: {  	[sflag:s11] =	ssyncadd.s32 $0xFFFF8000  }
0x4c3: {  	[tilespmem:s13], [sflag:$0x4] =	stream.indirect.gather [spmem:s2], $0x80, s25, s7, $0xb8;
	[tilespmem:$0x1ECC0] =	vst v63  }
0x4c4: {  	_ =	swait.ge [sflag:s5], $0x8000  }
0x4c5: {  	s26 =	sld [smem:$0x7CB]  }
0x4c6: {  	[sflag:s5] =	ssyncset.done $0x0  }
0x4c7: {  	[sflag:s5] =	ssyncadd.s32 $0xFFFF8000  }
0x4c8: {  	[tilespmem:s4], [sflag:$0x6] =	stream.indirect.gather.add.f32 [spmem:s2], $0x80, s26, s7, $0xb8;
	[tilespmem:$0x1ECC0] =	vst v63  }
0x4c9: {  	_ =	swait.ge [sflag:s9], $0x8000  }
0x4ca: {  	[sflag:s9] =	ssyncset.done $0x0  }
0x4cb: {  	s30 =	rddreg [dreg:$0x13];
	[sflag:s9] =	ssyncadd.s32 $0xFFFF8000  }
0x4cc: {  	[hbm4b:s30+s1] =	stream.linear.scatter [tilespmem:s3], [sflag:$0x8], $0x8000, $0x38;
	[tilespmem:$0x1ECC0] =	vst v63  }
0x4cd: {  	_ =	swait.ge [sflag:s6], $0x8000  }
0x4ce: {  	s31 =	sld [smem:$0x7CC]  }
0x4cf: {  	[sflag:s6] =	ssyncset.done $0x0  }
0x4d0: {  	[sflag:s6] =	ssyncadd.s32 $0xFFFF8000  }
0x4d1: {  	[tilespmem:s3], [sflag:$0x2] =	stream.indirect.gather [spmem:s2], $0x80, s31, s7, $0xb8;
	[tilespmem:$0x1ECC0] =	vst v63  }
0x4d2: {  	_ =	swait.ge [sflag:s16], $0x8000  }
0x4d3: {  	s15 =	sld [smem:$0x7CD]  }
0x4d4: {  	[sflag:s16] =	ssyncset.done $0x0  }
0x4d5: {  	[sflag:s16] =	ssyncadd.s32 $0xFFFF8000  }
0x4d6: {  	[tilespmem:s13], [sflag:$0x7] =	stream.indirect.gather.add.f32 [spmem:s2], $0x80, s15, s7, $0xb8;
	[tilespmem:$0x1ECC0] =	vst v63  }
0x4d7: {  	_ =	swait.ge [sflag:s12], $0x8000  }
0x4d8: {  	[sflag:s12] =	ssyncset.done $0x0  }
0x4d9: {  	s19 =	rddreg [dreg:$0x14];
	[sflag:s12] =	ssyncadd.s32 $0xFFFF8000  }
0x4da: {  	[hbm4b:s19+s1] =	stream.linear.scatter [tilespmem:s4], [sflag:$0x9], $0x8000, $0x38;
	[tilespmem:$0x1ECC0] =	vst v63  }
0x4db: {  	_ =	swait.ge [sflag:s10], $0x8000  }
0x4dc: {  	s20 =	sld [smem:$0x7CE]  }
0x4dd: {  	[sflag:s10] =	ssyncset.done $0x0  }
0x4de: {  	[sflag:s10] =	ssyncadd.s32 $0xFFFF8000  }
0x4df: {  	[tilespmem:s4], [sflag:$0x3] =	stream.indirect.gather [spmem:s2], $0x80, s20, s7, $0xb8;
	[tilespmem:$0x1ECC0] =	vst v63  }
0x4e0: {  	_ =	swait.ge [sflag:s8], $0x8000  }
0x4e1: {  	s21 =	sld [smem:$0x7CF]  }
0x4e2: {  	[sflag:s8] =	ssyncset.done $0x0  }
0x4e3: {  	[sflag:s8] =	ssyncadd.s32 $0xFFFF8000  }
0x4e4: {  	[tilespmem:s3], [sflag:$0x5] =	stream.indirect.gather.add.f32 [spmem:s2], $0x80, s21, s7, $0xb8;
	[tilespmem:$0x1ECC0] =	vst v63  }
0x4e5: {  	_ =	swait.ge [sflag:s14], $0x8000  }
0x4e6: {  	[sflag:s14] =	ssyncset.done $0x0  }
0x4e7: {  	s22 =	rddreg [dreg:$0x15];
	[sflag:s14] =	ssyncadd.s32 $0xFFFF8000  }
0x4e8: {  	[hbm4b:s22+s1] =	stream.linear.scatter [tilespmem:s13], [sflag:$0xA], $0x8000, $0x38;
	[tilespmem:$0x1ECC0] =	vst v63  }
0x4e9: {  	_ =	swait.ge [sflag:s11], $0x8000  }
0x4ea: {  	s23 =	sld [smem:$0x7D0]  }
0x4eb: {  	[sflag:s11] =	ssyncset.done $0x0  }
0x4ec: {  	[sflag:s11] =	ssyncadd.s32 $0xFFFF8000  }
0x4ed: {  	[tilespmem:s13], [sflag:$0x4] =	stream.indirect.gather [spmem:s2], $0x80, s23, s7, $0xb8;
	[tilespmem:$0x1ECC0] =	vst v63  }
0x4ee: {  	_ =	swait.ge [sflag:s5], $0x8000  }
0x4ef: {  	s24 =	sld [smem:$0x7D1]  }
0x4f0: {  	[sflag:s5] =	ssyncset.done $0x0  }
0x4f1: {  	[sflag:s5] =	ssyncadd.s32 $0xFFFF8000  }
0x4f2: {  	[tilespmem:s4], [sflag:$0x6] =	stream.indirect.gather.add.f32 [spmem:s2], $0x80, s24, s7, $0xb8;
	[tilespmem:$0x1ECC0] =	vst v63  }
0x4f3: {  	_ =	swait.ge [sflag:s9], $0x8000  }
0x4f4: {  	[sflag:s9] =	ssyncset.done $0x0  }
0x4f5: {  	s25 =	rddreg [dreg:$0x16];
	[sflag:s9] =	ssyncadd.s32 $0xFFFF8000  }
0x4f6: {  	[hbm4b:s25+s1] =	stream.linear.scatter [tilespmem:s3], [sflag:$0x8], $0x8000, $0x38;
	[tilespmem:$0x1ECC0] =	vst v63  }
0x4f7: {  	_ =	swait.ge [sflag:s6], $0x8000  }
0x4f8: {  	s26 =	sld [smem:$0x7D2]  }
0x4f9: {  	[sflag:s6] =	ssyncset.done $0x0  }
0x4fa: {  	[sflag:s6] =	ssyncadd.s32 $0xFFFF8000  }
0x4fb: {  	[tilespmem:s3], [sflag:$0x2] =	stream.indirect.gather [spmem:s2], $0x80, s26, s7, $0xb8;
	[tilespmem:$0x1ECC0] =	vst v63  }
0x4fc: {  	_ =	swait.ge [sflag:s16], $0x8000  }
0x4fd: {  	s30 =	sld [smem:$0x7D3]  }
0x4fe: {  	[sflag:s16] =	ssyncset.done $0x0  }
0x4ff: {  	[sflag:s16] =	ssyncadd.s32 $0xFFFF8000  }
0x500: {  	[tilespmem:s13], [sflag:$0x7] =	stream.indirect.gather.add.f32 [spmem:s2], $0x80, s30, s7, $0xb8;
	[tilespmem:$0x1ECC0] =	vst v63  }
0x501: {  	_ =	swait.ge [sflag:s12], $0x8000  }
0x502: {  	[sflag:s12] =	ssyncset.done $0x0  }
0x503: {  	s31 =	rddreg [dreg:$0x17];
	[sflag:s12] =	ssyncadd.s32 $0xFFFF8000  }
0x504: {  	[hbm4b:s31+s1] =	stream.linear.scatter [tilespmem:s4], [sflag:$0x9], $0x8000, $0x38;
	[tilespmem:$0x1ECC0] =	vst v63  }
0x505: {  	_ =	swait.ge [sflag:s10], $0x8000  }
0x506: {  	s15 =	sld [smem:$0x7D4]  }
0x507: {  	[sflag:s10] =	ssyncset.done $0x0  }
0x508: {  	[sflag:s10] =	ssyncadd.s32 $0xFFFF8000  }
0x509: {  	[tilespmem:s4], [sflag:$0x3] =	stream.indirect.gather [spmem:s2], $0x80, s15, s7, $0xb8;
	[tilespmem:$0x1ECC0] =	vst v63  }
0x50a: {  	_ =	swait.ge [sflag:s8], $0x8000  }
0x50b: {  	s19 =	sld [smem:$0x7D5]  }
0x50c: {  	[sflag:s8] =	ssyncset.done $0x0  }
0x50d: {  	[sflag:s8] =	ssyncadd.s32 $0xFFFF8000  }
0x50e: {  	[tilespmem:s3], [sflag:$0x5] =	stream.indirect.gather.add.f32 [spmem:s2], $0x80, s19, s7, $0xb8;
	[tilespmem:$0x1ECC0] =	vst v63  }
0x50f: {  	_ =	swait.ge [sflag:s14], $0x8000  }
0x510: {  	[sflag:s14] =	ssyncset.done $0x0  }
0x511: {  	s20 =	rddreg [dreg:$0x18];
	[sflag:s14] =	ssyncadd.s32 $0xFFFF8000  }
0x512: {  	[hbm4b:s20+s1] =	stream.linear.scatter [tilespmem:s13], [sflag:$0xA], $0x8000, $0x38;
	[tilespmem:$0x1ECC0] =	vst v63  }
0x513: {  	_ =	swait.ge [sflag:s11], $0x8000  }
0x514: {  	s21 =	sld [smem:$0x7D6]  }
0x515: {  	[sflag:s11] =	ssyncset.done $0x0  }
0x516: {  	[sflag:s11] =	ssyncadd.s32 $0xFFFF8000  }
0x517: {  	[tilespmem:s13], [sflag:$0x4] =	stream.indirect.gather [spmem:s2], $0x80, s21, s7, $0xb8;
	[tilespmem:$0x1ECC0] =	vst v63  }
0x518: {  	_ =	swait.ge [sflag:s5], $0x8000  }
0x519: {  	s22 =	sld [smem:$0x7D7]  }
0x51a: {  	[sflag:s5] =	ssyncset.done $0x0  }
0x51b: {  	[sflag:s5] =	ssyncadd.s32 $0xFFFF8000  }
0x51c: {  	[tilespmem:s4], [sflag:$0x6] =	stream.indirect.gather.add.f32 [spmem:s2], $0x80, s22, s7, $0xb8;
	[tilespmem:$0x1ECC0] =	vst v63  }
0x51d: {  	_ =	swait.ge [sflag:s9], $0x8000  }
0x51e: {  	[sflag:s9] =	ssyncset.done $0x0  }
0x51f: {  	s23 =	rddreg [dreg:$0x19];
	[sflag:s9] =	ssyncadd.s32 $0xFFFF8000  }
0x520: {  	[hbm4b:s23+s1] =	stream.linear.scatter [tilespmem:s3], [sflag:$0x8], $0x8000, $0x38;
	[tilespmem:$0x1ECC0] =	vst v63  }
0x521: {  	_ =	swait.ge [sflag:s6], $0x8000  }
0x522: {  	s24 =	sld [smem:$0x7D8]  }
0x523: {  	[sflag:s6] =	ssyncset.done $0x0  }
0x524: {  	[sflag:s6] =	ssyncadd.s32 $0xFFFF8000  }
0x525: {  	[tilespmem:s3], [sflag:$0x2] =	stream.indirect.gather [spmem:s2], $0x80, s24, s7, $0xb8;
	[tilespmem:$0x1ECC0] =	vst v63  }
0x526: {  	_ =	swait.ge [sflag:s16], $0x8000  }
0x527: {  	s25 =	sld [smem:$0x7D9]  }
0x528: {  	[sflag:s16] =	ssyncset.done $0x0  }
0x529: {  	[sflag:s16] =	ssyncadd.s32 $0xFFFF8000  }
0x52a: {  	[tilespmem:s13], [sflag:$0x7] =	stream.indirect.gather.add.f32 [spmem:s2], $0x80, s25, s7, $0xb8;
	[tilespmem:$0x1ECC0] =	vst v63  }
0x52b: {  	_ =	swait.ge [sflag:s12], $0x8000  }
0x52c: {  	[sflag:s12] =	ssyncset.done $0x0  }
0x52d: {  	s26 =	rddreg [dreg:$0x1a];
	[sflag:s12] =	ssyncadd.s32 $0xFFFF8000  }
0x52e: {  	[hbm4b:s26+s1] =	stream.linear.scatter [tilespmem:s4], [sflag:$0x9], $0x8000, $0x38;
	[tilespmem:$0x1ECC0] =	vst v63  }
0x52f: {  	_ =	swait.ge [sflag:s10], $0x8000  }
0x530: {  	s30 =	sld [smem:$0x7DA]  }
0x531: {  	[sflag:s10] =	ssyncset.done $0x0  }
0x532: {  	[sflag:s10] =	ssyncadd.s32 $0xFFFF8000  }
0x533: {  	[tilespmem:s4], [sflag:$0x3] =	stream.indirect.gather [spmem:s2], $0x80, s30, s7, $0xb8;
	[tilespmem:$0x1ECC0] =	vst v63  }
0x534: {  	_ =	swait.ge [sflag:s8], $0x8000  }
0x535: {  	s31 =	sld [smem:$0x7DB]  }
0x536: {  	[sflag:s8] =	ssyncset.done $0x0  }
0x537: {  	[sflag:s8] =	ssyncadd.s32 $0xFFFF8000  }
0x538: {  	[tilespmem:s3], [sflag:$0x5] =	stream.indirect.gather.add.f32 [spmem:s2], $0x80, s31, s7, $0xb8;
	[tilespmem:$0x1ECC0] =	vst v63  }
0x539: {  	_ =	swait.ge [sflag:s14], $0x8000  }
0x53a: {  	[sflag:s14] =	ssyncset.done $0x0  }
0x53b: {  	s15 =	rddreg [dreg:$0x1b];
	[sflag:s14] =	ssyncadd.s32 $0xFFFF8000  }
0x53c: {  	[hbm4b:s15+s1] =	stream.linear.scatter [tilespmem:s13], [sflag:$0xA], $0x8000, $0x38;
	[tilespmem:$0x1ECC0] =	vst v63  }
0x53d: {  	_ =	swait.ge [sflag:s11], $0x8000  }
0x53e: {  	s19 =	sld [smem:$0x7DC]  }
0x53f: {  	[sflag:s11] =	ssyncset.done $0x0  }
0x540: {  	[sflag:s11] =	ssyncadd.s32 $0xFFFF8000  }
0x541: {  	[tilespmem:s13], [sflag:$0x4] =	stream.indirect.gather [spmem:s2], $0x80, s19, s7, $0xb8;
	[tilespmem:$0x1ECC0] =	vst v63  }
0x542: {  	_ =	swait.ge [sflag:s5], $0x8000  }
0x543: {  	s20 =	sld [smem:$0x7DD]  }
0x544: {  	[sflag:s5] =	ssyncset.done $0x0  }
0x545: {  	[sflag:s5] =	ssyncadd.s32 $0xFFFF8000  }
0x546: {  	[tilespmem:s4], [sflag:$0x6] =	stream.indirect.gather.add.f32 [spmem:s2], $0x80, s20, s7, $0xb8;
	[tilespmem:$0x1ECC0] =	vst v63  }
0x547: {  	_ =	swait.ge [sflag:s9], $0x8000  }
0x548: {  	[sflag:s9] =	ssyncset.done $0x0  }
0x549: {  	s21 =	rddreg [dreg:$0x1c];
	[sflag:s9] =	ssyncadd.s32 $0xFFFF8000  }
0x54a: {  	[hbm4b:s21+s1] =	stream.linear.scatter [tilespmem:s3], [sflag:$0x8], $0x8000, $0x38;
	[tilespmem:$0x1ECC0] =	vst v63  }
0x54b: {  	_ =	swait.ge [sflag:s6], $0x8000  }
0x54c: {  	s22 =	sld [smem:$0x7DE]  }
0x54d: {  	[sflag:s6] =	ssyncset.done $0x0  }
0x54e: {  	[sflag:s6] =	ssyncadd.s32 $0xFFFF8000  }
0x54f: {  	[tilespmem:s3], [sflag:$0x2] =	stream.indirect.gather [spmem:s2], $0x80, s22, s7, $0xb8;
	[tilespmem:$0x1ECC0] =	vst v63  }
0x550: {  	_ =	swait.ge [sflag:s16], $0x8000  }
0x551: {  	s23 =	sld [smem:$0x7DF]  }
0x552: {  	[sflag:s16] =	ssyncset.done $0x0  }
0x553: {  	[sflag:s16] =	ssyncadd.s32 $0xFFFF8000  }
0x554: {  	[tilespmem:s13], [sflag:$0x7] =	stream.indirect.gather.add.f32 [spmem:s2], $0x80, s23, s7, $0xb8;
	[tilespmem:$0x1ECC0] =	vst v63  }
0x555: {  	_ =	swait.ge [sflag:s12], $0x8000  }
0x556: {  	[sflag:s12] =	ssyncset.done $0x0  }
0x557: {  	s24 =	rddreg [dreg:$0x1d];
	[sflag:s12] =	ssyncadd.s32 $0xFFFF8000  }
0x558: {  	[hbm4b:s24+s1] =	stream.linear.scatter [tilespmem:s4], [sflag:$0x9], $0x8000, $0x38;
	[tilespmem:$0x1ECC0] =	vst v63  }
0x559: {  	_ =	swait.ge [sflag:s10], $0x8000  }
0x55a: {  	s25 =	sld [smem:$0x7E0]  }
0x55b: {  	[sflag:s10] =	ssyncset.done $0x0  }
0x55c: {  	[sflag:s10] =	ssyncadd.s32 $0xFFFF8000  }
0x55d: {  	[tilespmem:s4], [sflag:$0x3] =	stream.indirect.gather [spmem:s2], $0x80, s25, s7, $0xb8;
	[tilespmem:$0x1ECC0] =	vst v63  }
0x55e: {  	_ =	swait.ge [sflag:s8], $0x8000  }
0x55f: {  	s26 =	sld [smem:$0x7E1]  }
0x560: {  	[sflag:s8] =	ssyncset.done $0x0  }
0x561: {  	[sflag:s8] =	ssyncadd.s32 $0xFFFF8000  }
0x562: {  	[tilespmem:s3], [sflag:$0x5] =	stream.indirect.gather.add.f32 [spmem:s2], $0x80, s26, s7, $0xb8;
	[tilespmem:$0x1ECC0] =	vst v63  }
0x563: {  	_ =	swait.ge [sflag:s14], $0x8000  }
0x564: {  	[sflag:s14] =	ssyncset.done $0x0  }
0x565: {  	s30 =	rddreg [dreg:$0x1e];
	[sflag:s14] =	ssyncadd.s32 $0xFFFF8000  }
0x566: {  	[hbm4b:s30+s1] =	stream.linear.scatter [tilespmem:s13], [sflag:$0xA], $0x8000, $0x38;
	[tilespmem:$0x1ECC0] =	vst v63  }
0x567: {  	_ =	swait.ge [sflag:s11], $0x8000  }
0x568: {  	s31 =	sld [smem:$0x7E2]  }
0x569: {  	[sflag:s11] =	ssyncset.done $0x0  }
0x56a: {  	[sflag:s11] =	ssyncadd.s32 $0xFFFF8000  }
0x56b: {  	[tilespmem:s13], [sflag:$0x4] =	stream.indirect.gather [spmem:s2], $0x80, s31, s7, $0xb8;
	[tilespmem:$0x1ECC0] =	vst v63  }
0x56c: {  	_ =	swait.ge [sflag:s5], $0x8000  }
0x56d: {  	s15 =	sld [smem:$0x7E3]  }
0x56e: {  	[sflag:s5] =	ssyncset.done $0x0  }
0x56f: {  	[sflag:s5] =	ssyncadd.s32 $0xFFFF8000  }
0x570: {  	[tilespmem:s4], [sflag:$0x6] =	stream.indirect.gather.add.f32 [spmem:s2], $0x80, s15, s7, $0xb8;
	[tilespmem:$0x1ECC0] =	vst v63  }
0x571: {  	_ =	swait.ge [sflag:s9], $0x8000  }
0x572: {  	[sflag:s9] =	ssyncset.done $0x0  }
0x573: {  	s19 =	rddreg [dreg:$0x1f];
	[sflag:s9] =	ssyncadd.s32 $0xFFFF8000  }
0x574: {  	[hbm4b:s19+s1] =	stream.linear.scatter [tilespmem:s3], [sflag:$0x8], $0x8000, $0x38;
	[tilespmem:$0x1ECC0] =	vst v63  }
0x575: {  	_ =	swait.ge [sflag:s6], $0x8000  }
0x576: {  	s20 =	sld [smem:$0x7E4]  }
0x577: {  	[sflag:s6] =	ssyncset.done $0x0  }
0x578: {  	[sflag:s6] =	ssyncadd.s32 $0xFFFF8000  }
0x579: {  	[tilespmem:s3], [sflag:$0x2] =	stream.indirect.gather [spmem:s2], $0x80, s20, s7, $0xb8;
	[tilespmem:$0x1ECC0] =	vst v63  }
0x57a: {  	_ =	swait.ge [sflag:s16], $0x8000  }
0x57b: {  	s21 =	sld [smem:$0x7E5]  }
0x57c: {  	[sflag:s16] =	ssyncset.done $0x0  }
0x57d: {  	[sflag:s16] =	ssyncadd.s32 $0xFFFF8000  }
0x57e: {  	[tilespmem:s13], [sflag:$0x7] =	stream.indirect.gather.add.f32 [spmem:s2], $0x80, s21, s7, $0xb8;
	[tilespmem:$0x1ECC0] =	vst v63  }
0x57f: {  	_ =	swait.ge [sflag:s12], $0x8000  }
0x580: {  	s22 =	sld [smem:$0x7B2]  }
0x581: {  	[sflag:s12] =	ssyncset.done $0x0  }
0x582: {  	[sflag:s12] =	ssyncadd.s32 $0xFFFF8000  }
0x583: {  	[hbm4b:s22+s1] =	stream.linear.scatter [tilespmem:s4], [sflag:$0x9], $0x8000, $0x38;
	[tilespmem:$0x1ECC0] =	vst v63  }
0x584: {  	_ =	swait.ge [sflag:s10], $0x8000  }
0x585: {  	s23 =	sld [smem:$0x7E6]  }
0x586: {  	[sflag:s10] =	ssyncset.done $0x0  }
0x587: {  	[sflag:s10] =	ssyncadd.s32 $0xFFFF8000  }
0x588: {  	[tilespmem:s4], [sflag:$0x3] =	stream.indirect.gather [spmem:s2], $0x80, s23, s7, $0xb8;
	[tilespmem:$0x1ECC0] =	vst v63  }
0x589: {  	_ =	swait.ge [sflag:s8], $0x8000  }
0x58a: {  	s24 =	sld [smem:$0x7E7]  }
0x58b: {  	[sflag:s8] =	ssyncset.done $0x0  }
0x58c: {  	[sflag:s8] =	ssyncadd.s32 $0xFFFF8000  }
0x58d: {  	[tilespmem:s3], [sflag:$0x5] =	stream.indirect.gather.add.f32 [spmem:s2], $0x80, s24, s7, $0xb8;
	[tilespmem:$0x1ECC0] =	vst v63  }
0x58e: {  	_ =	swait.ge [sflag:s14], $0x8000  }
0x58f: {  	s25 =	sld [smem:$0x7B3]  }
0x590: {  	[sflag:s14] =	ssyncset.done $0x0  }
0x591: {  	[sflag:s14] =	ssyncadd.s32 $0xFFFF8000  }
0x592: {  	[hbm4b:s25+s1] =	stream.linear.scatter [tilespmem:s13], [sflag:$0xA], $0x8000, $0x38;
	[tilespmem:$0x1ECC0] =	vst v63  }
0x593: {  	_ =	swait.ge [sflag:s11], $0x8000  }
0x594: {  	s26 =	sld [smem:$0x7E8]  }
0x595: {  	[sflag:s11] =	ssyncset.done $0x0  }
0x596: {  	[sflag:s11] =	ssyncadd.s32 $0xFFFF8000  }
0x597: {  	[tilespmem:s13], [sflag:$0x4] =	stream.indirect.gather [spmem:s2], $0x80, s26, s7, $0xb8;
	[tilespmem:$0x1ECC0] =	vst v63  }
0x598: {  	_ =	swait.ge [sflag:s5], $0x8000  }
0x599: {  	s30 =	sld [smem:$0x7E9]  }
0x59a: {  	[sflag:s5] =	ssyncset.done $0x0  }
0x59b: {  	[sflag:s5] =	ssyncadd.s32 $0xFFFF8000  }
0x59c: {  	[tilespmem:s4], [sflag:$0x6] =	stream.indirect.gather.add.f32 [spmem:s2], $0x80, s30, s7, $0xb8;
	[tilespmem:$0x1ECC0] =	vst v63  }
0x59d: {  	_ =	swait.ge [sflag:s9], $0x8000  }
0x59e: {  	s31 =	sld [smem:$0x7B4]  }
0x59f: {  	[sflag:s9] =	ssyncset.done $0x0  }
0x5a0: {  	[sflag:s9] =	ssyncadd.s32 $0xFFFF8000  }
0x5a1: {  	[hbm4b:s31+s1] =	stream.linear.scatter [tilespmem:s3], [sflag:$0x8], $0x8000, $0x38;
	[tilespmem:$0x1ECC0] =	vst v63  }
0x5a2: {  	_ =	swait.ge [sflag:s6], $0x8000  }
0x5a3: {  	s15 =	sld [smem:$0x7EA]  }
0x5a4: {  	[sflag:s6] =	ssyncset.done $0x0  }
0x5a5: {  	[sflag:s6] =	ssyncadd.s32 $0xFFFF8000  }
0x5a6: {  	[tilespmem:s3], [sflag:$0x2] =	stream.indirect.gather [spmem:s2], $0x80, s15, s7, $0xb8;
	[tilespmem:$0x1ECC0] =	vst v63  }
0x5a7: {  	_ =	swait.ge [sflag:s16], $0x8000  }
0x5a8: {  	s19 =	sld [smem:$0x7EB]  }
0x5a9: {  	[sflag:s16] =	ssyncset.done $0x0  }
0x5aa: {  	[sflag:s16] =	ssyncadd.s32 $0xFFFF8000  }
0x5ab: {  	[tilespmem:s13], [sflag:$0x7] =	stream.indirect.gather.add.f32 [spmem:s2], $0x80, s19, s7, $0xb8;
	[tilespmem:$0x1ECC0] =	vst v63  }
0x5ac: {  	_ =	swait.ge [sflag:s12], $0x8000  }
0x5ad: {  	s20 =	sld [smem:$0x7B5]  }
0x5ae: {  	[sflag:s12] =	ssyncset.done $0x0  }
0x5af: {  	[sflag:s12] =	ssyncadd.s32 $0xFFFF8000  }
0x5b0: {  	[hbm4b:s20+s1] =	stream.linear.scatter [tilespmem:s4], [sflag:$0x9], $0x8000, $0x38;
	[tilespmem:$0x1ECC0] =	vst v63  }
0x5b1: {  	_ =	swait.ge [sflag:s10], $0x8000  }
0x5b2: {  	s21 =	sld [smem:$0x7EC]  }
0x5b3: {  	[sflag:s10] =	ssyncset.done $0x0  }
0x5b4: {  	[sflag:s10] =	ssyncadd.s32 $0xFFFF8000  }
0x5b5: {  	[tilespmem:s4], [sflag:$0x3] =	stream.indirect.gather [spmem:s2], $0x80, s21, s7, $0xb8;
	[tilespmem:$0x1ECC0] =	vst v63  }
0x5b6: {  	_ =	swait.ge [sflag:s8], $0x8000  }
0x5b7: {  	s22 =	sld [smem:$0x7ED]  }
0x5b8: {  	[sflag:s8] =	ssyncset.done $0x0  }
0x5b9: {  	[sflag:s8] =	ssyncadd.s32 $0xFFFF8000  }
0x5ba: {  	[tilespmem:s3], [sflag:$0x5] =	stream.indirect.gather.add.f32 [spmem:s2], $0x80, s22, s7, $0xb8;
	[tilespmem:$0x1ECC0] =	vst v63  }
0x5bb: {  	_ =	swait.ge [sflag:s14], $0x8000  }
0x5bc: {  	s23 =	sld [smem:$0x7B6]  }
0x5bd: {  	[sflag:s14] =	ssyncset.done $0x0  }
0x5be: {  	[sflag:s14] =	ssyncadd.s32 $0xFFFF8000  }
0x5bf: {  	[hbm4b:s23+s1] =	stream.linear.scatter [tilespmem:s13], [sflag:$0xA], $0x8000, $0x38;
	[tilespmem:$0x1ECC0] =	vst v63  }
0x5c0: {  	_ =	swait.ge [sflag:s11], $0x8000  }
0x5c1: {  	s24 =	sld [smem:$0x7EE]  }
0x5c2: {  	[sflag:s11] =	ssyncset.done $0x0  }
0x5c3: {  	[sflag:s11] =	ssyncadd.s32 $0xFFFF8000  }
0x5c4: {  	[tilespmem:s13], [sflag:$0x4] =	stream.indirect.gather [spmem:s2], $0x80, s24, s7, $0xb8;
	[tilespmem:$0x1ECC0] =	vst v63  }
0x5c5: {  	_ =	swait.ge [sflag:s5], $0x8000  }
0x5c6: {  	s25 =	sld [smem:$0x7EF]  }
0x5c7: {  	[sflag:s5] =	ssyncset.done $0x0  }
0x5c8: {  	[sflag:s5] =	ssyncadd.s32 $0xFFFF8000  }
0x5c9: {  	[tilespmem:s4], [sflag:$0x6] =	stream.indirect.gather.add.f32 [spmem:s2], $0x80, s25, s7, $0xb8;
	[tilespmem:$0x1ECC0] =	vst v63  }
0x5ca: {  	_ =	swait.ge [sflag:s9], $0x8000  }
0x5cb: {  	s26 =	sld [smem:$0x7B7]  }
0x5cc: {  	[sflag:s9] =	ssyncset.done $0x0  }
0x5cd: {  	[sflag:s9] =	ssyncadd.s32 $0xFFFF8000  }
0x5ce: {  	[hbm4b:s26+s1] =	stream.linear.scatter [tilespmem:s3], [sflag:$0x8], $0x8000, $0x38;
	[tilespmem:$0x1ECC0] =	vst v63  }
0x5cf: {  	_ =	swait.ge [sflag:s6], $0x8000  }
0x5d0: {  	s30 =	sld [smem:$0x7F0]  }
0x5d1: {  	[sflag:s6] =	ssyncset.done $0x0  }
0x5d2: {  	[sflag:s6] =	ssyncadd.s32 $0xFFFF8000  }
0x5d3: {  	[tilespmem:s3], [sflag:$0x2] =	stream.indirect.gather [spmem:s2], $0x80, s30, s7, $0xb8;
	[tilespmem:$0x1ECC0] =	vst v63  }
0x5d4: {  	_ =	swait.ge [sflag:s16], $0x8000  }
0x5d5: {  	s31 =	sld [smem:$0x7F1]  }
0x5d6: {  	[sflag:s16] =	ssyncset.done $0x0  }
0x5d7: {  	[sflag:s16] =	ssyncadd.s32 $0xFFFF8000  }
0x5d8: {  	[tilespmem:s13], [sflag:$0x7] =	stream.indirect.gather.add.f32 [spmem:s2], $0x80, s31, s7, $0xb8;
	[tilespmem:$0x1ECC0] =	vst v63  }
0x5d9: {  	_ =	swait.ge [sflag:s12], $0x8000  }
0x5da: {  	s15 =	sld [smem:$0x7B8]  }
0x5db: {  	[sflag:s12] =	ssyncset.done $0x0  }
0x5dc: {  	[sflag:s12] =	ssyncadd.s32 $0xFFFF8000  }
0x5dd: {  	[hbm4b:s15+s1] =	stream.linear.scatter [tilespmem:s4], [sflag:$0x9], $0x8000, $0x38;
	[tilespmem:$0x1ECC0] =	vst v63  }
0x5de: {  	_ =	swait.ge [sflag:s10], $0x8000  }
0x5df: {  	s19 =	sld [smem:$0x7F2]  }
0x5e0: {  	[sflag:s10] =	ssyncset.done $0x0  }
0x5e1: {  	[sflag:s10] =	ssyncadd.s32 $0xFFFF8000  }
0x5e2: {  	[tilespmem:s4], [sflag:$0x3] =	stream.indirect.gather [spmem:s2], $0x80, s19, s7, $0xb8;
	[tilespmem:$0x1ECC0] =	vst v63  }
0x5e3: {  	_ =	swait.ge [sflag:s8], $0x8000  }
0x5e4: {  	s20 =	sld [smem:$0x7F3]  }
0x5e5: {  	[sflag:s8] =	ssyncset.done $0x0  }
0x5e6: {  	[sflag:s8] =	ssyncadd.s32 $0xFFFF8000  }
0x5e7: {  	[tilespmem:s3], [sflag:$0x5] =	stream.indirect.gather.add.f32 [spmem:s2], $0x80, s20, s7, $0xb8;
	[tilespmem:$0x1ECC0] =	vst v63  }
0x5e8: {  	_ =	swait.ge [sflag:s14], $0x8000  }
0x5e9: {  	s21 =	sld [smem:$0x7B9]  }
0x5ea: {  	[sflag:s14] =	ssyncset.done $0x0  }
0x5eb: {  	[sflag:s14] =	ssyncadd.s32 $0xFFFF8000  }
0x5ec: {  	[hbm4b:s21+s1] =	stream.linear.scatter [tilespmem:s13], [sflag:$0xA], $0x8000, $0x38;
	[tilespmem:$0x1ECC0] =	vst v63  }
0x5ed: {  	_ =	swait.ge [sflag:s11], $0x8000  }
0x5ee: {  	s22 =	sld [smem:$0x7F4]  }
0x5ef: {  	[sflag:s11] =	ssyncset.done $0x0  }
0x5f0: {  	[sflag:s11] =	ssyncadd.s32 $0xFFFF8000  }
0x5f1: {  	[tilespmem:s13], [sflag:$0x4] =	stream.indirect.gather [spmem:s2], $0x80, s22, s7, $0xb8;
	[tilespmem:$0x1ECC0] =	vst v63  }
0x5f2: {  	_ =	swait.ge [sflag:s5], $0x8000  }
0x5f3: {  	s23 =	sld [smem:$0x7F5]  }
0x5f4: {  	[sflag:s5] =	ssyncset.done $0x0  }
0x5f5: {  	[sflag:s5] =	ssyncadd.s32 $0xFFFF8000  }
0x5f6: {  	[tilespmem:s4], [sflag:$0x6] =	stream.indirect.gather.add.f32 [spmem:s2], $0x80, s23, s7, $0xb8;
	[tilespmem:$0x1ECC0] =	vst v63  }
0x5f7: {  	_ =	swait.ge [sflag:s9], $0x8000  }
0x5f8: {  	s24 =	sld [smem:$0x7BA]  }
0x5f9: {  	[sflag:s9] =	ssyncset.done $0x0  }
0x5fa: {  	[sflag:s9] =	ssyncadd.s32 $0xFFFF8000  }
0x5fb: {  	[hbm4b:s24+s1] =	stream.linear.scatter [tilespmem:s3], [sflag:$0x8], $0x8000, $0x38;
	[tilespmem:$0x1ECC0] =	vst v63  }
0x5fc: {  	_ =	swait.ge [sflag:s6], $0x8000  }
0x5fd: {  	s25 =	sld [smem:$0x7F6]  }
0x5fe: {  	[sflag:s6] =	ssyncset.done $0x0  }
0x5ff: {  	[sflag:s6] =	ssyncadd.s32 $0xFFFF8000  }
0x600: {  	[tilespmem:s3], [sflag:$0x2] =	stream.indirect.gather [spmem:s2], $0x80, s25, s7, $0xb8;
	[tilespmem:$0x1ECC0] =	vst v63  }
0x601: {  	_ =	swait.ge [sflag:s16], $0x8000  }
0x602: {  	s26 =	sld [smem:$0x7F7]  }
0x603: {  	[sflag:s16] =	ssyncset.done $0x0  }
0x604: {  	[sflag:s16] =	ssyncadd.s32 $0xFFFF8000  }
0x605: {  	[tilespmem:s13], [sflag:$0x7] =	stream.indirect.gather.add.f32 [spmem:s2], $0x80, s26, s7, $0xb8;
	[tilespmem:$0x1ECC0] =	vst v63  }
0x606: {  	_ =	swait.ge [sflag:s12], $0x8000  }
0x607: {  	s30 =	sld [smem:$0x7BB]  }
0x608: {  	[sflag:s12] =	ssyncset.done $0x0  }
0x609: {  	[sflag:s12] =	ssyncadd.s32 $0xFFFF8000  }
0x60a: {  	[hbm4b:s30+s1] =	stream.linear.scatter [tilespmem:s4], [sflag:$0x9], $0x8000, $0x38;
	[tilespmem:$0x1ECC0] =	vst v63  }
0x60b: {  	_ =	swait.ge [sflag:s10], $0x8000  }
0x60c: {  	s31 =	sld [smem:$0x7F8]  }
0x60d: {  	[sflag:s10] =	ssyncset.done $0x0  }
0x60e: {  	[sflag:s10] =	ssyncadd.s32 $0xFFFF8000  }
0x60f: {  	[tilespmem:s4], [sflag:$0x3] =	stream.indirect.gather [spmem:s2], $0x80, s31, s7, $0xb8;
	[tilespmem:$0x1ECC0] =	vst v63  }
0x610: {  	_ =	swait.ge [sflag:s8], $0x8000  }
0x611: {  	s15 =	sld [smem:$0x7F9]  }
0x612: {  	[sflag:s8] =	ssyncset.done $0x0  }
0x613: {  	[sflag:s8] =	ssyncadd.s32 $0xFFFF8000  }
0x614: {  	[tilespmem:s3], [sflag:$0x5] =	stream.indirect.gather.add.f32 [spmem:s2], $0x80, s15, s7, $0xb8;
	[tilespmem:$0x1ECC0] =	vst v63  }
0x615: {  	_ =	swait.ge [sflag:s14], $0x8000  }
0x616: {  	s19 =	sld [smem:$0x7BC]  }
0x617: {  	[sflag:s14] =	ssyncset.done $0x0  }
0x618: {  	[sflag:s14] =	ssyncadd.s32 $0xFFFF8000  }
0x619: {  	[hbm4b:s19+s1] =	stream.linear.scatter [tilespmem:s13], [sflag:$0xA], $0x8000, $0x38;
	[tilespmem:$0x1ECC0] =	vst v63  }
0x61a: {  	_ =	swait.ge [sflag:s11], $0x8000  }
0x61b: {  	s20 =	sld [smem:$0x7FA]  }
0x61c: {  	[sflag:s11] =	ssyncset.done $0x0  }
0x61d: {  	[sflag:s11] =	ssyncadd.s32 $0xFFFF8000  }
0x61e: {  	[tilespmem:s13], [sflag:$0x4] =	stream.indirect.gather [spmem:s2], $0x80, s20, s7, $0xb8;
	[tilespmem:$0x1ECC0] =	vst v63  }
0x61f: {  	_ =	swait.ge [sflag:s5], $0x8000  }
0x620: {  	s21 =	sld [smem:$0x7FB]  }
0x621: {  	[sflag:s5] =	ssyncset.done $0x0  }
0x622: {  	[sflag:s5] =	ssyncadd.s32 $0xFFFF8000  }
0x623: {  	[tilespmem:s4], [sflag:$0x6] =	stream.indirect.gather.add.f32 [spmem:s2], $0x80, s21, s7, $0xb8;
	[tilespmem:$0x1ECC0] =	vst v63  }
0x624: {  	_ =	swait.ge [sflag:s9], $0x8000  }
0x625: {  	s22 =	sld [smem:$0x7BD]  }
0x626: {  	[sflag:s9] =	ssyncset.done $0x0  }
0x627: {  	[sflag:s9] =	ssyncadd.s32 $0xFFFF8000  }
0x628: {  	[hbm4b:s22+s1] =	stream.linear.scatter [tilespmem:s3], [sflag:$0x8], $0x8000, $0x38;
	[tilespmem:$0x1ECC0] =	vst v63  }
0x629: {  	_ =	swait.ge [sflag:s6], $0x8000  }
0x62a: {  	s23 =	sld [smem:$0x7FC]  }
0x62b: {  	[sflag:s6] =	ssyncset.done $0x0  }
0x62c: {  	[sflag:s6] =	ssyncadd.s32 $0xFFFF8000  }
0x62d: {  	[tilespmem:s3], [sflag:$0x2] =	stream.indirect.gather [spmem:s2], $0x80, s23, s7, $0xb8;
	[tilespmem:$0x1ECC0] =	vst v63  }
0x62e: {  	_ =	swait.ge [sflag:s16], $0x8000  }
0x62f: {  	s24 =	sld [smem:$0x7FD]  }
0x630: {  	[sflag:s16] =	ssyncset.done $0x0  }
0x631: {  	[sflag:s16] =	ssyncadd.s32 $0xFFFF8000  }
0x632: {  	[tilespmem:s13], [sflag:$0x7] =	stream.indirect.gather.add.f32 [spmem:s2], $0x80, s24, s7, $0xb8;
	[tilespmem:$0x1ECC0] =	vst v63  }
0x633: {  	_ =	swait.ge [sflag:s12], $0x8000  }
0x634: {  	s25 =	sld [smem:$0x7BE]  }
0x635: {  	[sflag:s12] =	ssyncset.done $0x0  }
0x636: {  	[sflag:s12] =	ssyncadd.s32 $0xFFFF8000  }
0x637: {  	[hbm4b:s25+s1] =	stream.linear.scatter [tilespmem:s4], [sflag:$0x9], $0x8000, $0x38;
	[tilespmem:$0x1ECC0] =	vst v63  }
0x638: {  	_ =	swait.ge [sflag:s10], $0x8000  }
0x639: {  	[sflag:s10] =	ssyncset.done $0x0  }
0x63a: {  	[sflag:s10] =	ssyncadd.s32 $0xFFFF8000  }
0x63b: {  	[tilespmem:s4], [sflag:$0x3] =	stream.indirect.gather [spmem:s2], $0x80, s18, s7, $0xb8;
	[tilespmem:$0x1ECC0] =	vst v63  }
0x63c: {  	_ =	swait.ge [sflag:s8], $0x8000  }
0x63d: {  	[sflag:s8] =	ssyncset.done $0x0  }
0x63e: {  	[sflag:s8] =	ssyncadd.s32 $0xFFFF8000  }
0x63f: {  	[tilespmem:s3], [sflag:$0x5] =	stream.indirect.gather.add.f32 [spmem:s2], $0x80, s17, s7, $0xb8;
	[tilespmem:$0x1ECC0] =	vst v63  }
0x640: {  	_ =	swait.ge [sflag:s14], $0x8000  }
0x641: {  	s26 =	sld [smem:$0x7BF]  }
0x642: {  	[sflag:s14] =	ssyncset.done $0x0  }
0x643: {  	[sflag:s14] =	ssyncadd.s32 $0xFFFF8000  }
0x644: {  	[hbm4b:s26+s1] =	stream.linear.scatter [tilespmem:s13], [sflag:$0xA], $0x8000, $0x38;
	[tilespmem:$0x1ECC0] =	vst v63  }
0x645: {  	_ =	swait.ge [sflag:s5], $0x8000  }
0x646: {  	[sflag:s5] =	ssyncset.done $0x0  }
0x647: {  	[sflag:s5] =	ssyncadd.s32 $0xFFFF8000  }
0x648: {  	[tilespmem:s4], [sflag:$0x6] =	stream.indirect.gather.add.f32 [spmem:s2], $0x80, s29, s7, $0xb8;
	[tilespmem:$0x1ECC0] =	vst v63  }
0x649: {  	_ =	swait.ge [sflag:s9], $0x8000  }
0x64a: {  	s30 =	sld [smem:$0x7C0]  }
0x64b: {  	[sflag:s9] =	ssyncset.done $0x0  }
0x64c: {  	[sflag:s9] =	ssyncadd.s32 $0xFFFF8000  }
0x64d: {  	[hbm4b:s30+s1] =	stream.linear.scatter [tilespmem:s3], [sflag:$0x8], $0x8000, $0x38;
	[tilespmem:$0x1ECC0] =	vst v63  }
0x64e: {  	_ =	swait.ge [sflag:s12], $0x8000  }
0x64f: {  	s31 =	sld [smem:$0x7C1]  }
0x650: {  	[sflag:s12] =	ssyncset.done $0x0  }
0x651: {  	[sflag:s12] =	ssyncadd.s32 $0xFFFF8000  }
0x652: {  	[hbm4b:s31+s1] =	stream.linear.scatter [tilespmem:s4], [sflag:$0x9], $0x8000, $0x38;
	[tilespmem:$0x1ECC0] =	vst v63  }
0x653: {  	_ =	swait.ge [sflag:s6], $0x8000  }
0x654: {  	[sflag:s6] =	ssyncset.done $0x0  }
0x655: {  	[sflag:s6] =	ssyncadd.s32 $0xFFFF8000  }
0x656: {  	_ =	swait.ge [sflag:s10], $0x8000  }
0x657: {  	[sflag:s10] =	ssyncset.done $0x0  }
0x658: {  	[sflag:s10] =	ssyncadd.s32 $0xFFFF8000  }
0x659: {  	_ =	swait.ge [sflag:s11], $0x8000  }
0x65a: {  	[sflag:s11] =	ssyncset.done $0x0  }
0x65b: {  	[sflag:s11] =	ssyncadd.s32 $0xFFFF8000  }
0x65c: {  	_ =	sfence.sel $0x180000  }
0x65d: {  	[bflag:$0x0] =	sbarrier.arrive $0xFFFF  }
0x65e: {  	_ =	strace $0x90000047  }
0x65f: {  	s0 =	sadd.s32 @!p0 $0x100000, s28;
	[bflag:$0x2] =	sbarrier.arrive $0xFFFF  }
0x660: {  	[sflag:s0] =	ssyncadd.tile.s32 @!p0 $0x1;
	_ =	shalt  }
.LBB2_1:
.Ltmp3:
0x661: {  	(pc) =	sbr.rel .LBB2_6-.Ltmp3, $2  }
0x662: {  	_ =	sdelay $0x2  }
0x663: {  	s29 =	simm.s32 $0x6A40  }
.LBB2_3:
.Ltmp4:
0x664: {  	(pc) =	sbr.rel .LBB2_6-.Ltmp4, $2  }
0x665: {  	_ =	sdelay $0x2  }
0x666: {  	s29 =	simm.s32 $0x6A40;
	s28 =	rddreg [dreg:$0x6]  }
.Lfunc_end2:
_tile_overlayer_lowered:
.L_overlay_start_2:
0x667: {  	(tag) =	ssettag $0x2  }
0x668: {  	s0 =	rddreg [dreg:$0x0];
	s2 =	stileid.u32  }
0x669: {  	s1 =	rddreg [dreg:$0x1];
	p0 =	sne.s32 s2, $0x0  }
0x66a: {  	s3 =	rddreg [dreg:$0x2];
	[bflag:$0x3] =	sbarrier.arrive $0xFFFF;
	s2 =	simm.s32 @!p0 $0x1C0B  }
0x66b: {  	[timem:s3], [sflag:s2] =	dma.local @!p0 [hbm:s0], s1  }
0x66c: {  	s0 =	simm.s32 @!p0 $0xB  }
0x66d: {  	_ =	swait.ge @!p0 [sflag:s0], s1  }
0x66e: {  	s1 =	ssub.s32 @!p0 $0x0, s1;
	[sflag:s0] =	ssyncset.done @!p0 $0x0  }
0x66f: {  	[sflag:s0] =	ssyncadd.s32 @!p0 s1  }
0x670: {  	[bflag:$0x3] =	sbarrier.arrive $0xFFFF  }
0x671: {  	_ =	shalt  }

</sc_bundles>
